<compile_context>
chip_gen: v7x
topology: tpu7x:2x2x1
jax: 0.10.2.dev20260603
libtpu: 0.0.44.dev20260713+nightly
codegen_flags: <defaults>
</compile_context>

<pallas_src>
import functools

import jax
import jax.numpy as jnp
from jax import lax
from jax.experimental import pallas as pl
from jax.experimental.pallas import tpu as pltpu
from jax.experimental.pallas import tpu_sc as plsc


def kernel(x0, x1, indices):
    E, D = x1.shape
    info = plsc.get_sparse_core_info()
    NC, NS = info.num_cores, info.num_subcores
    NW = NC * NS
    assert E % NW == 0
    e_per_w = E // NW
    B = 80
    assert e_per_w % B == 0
    niter = e_per_w // B
    assert niter % 4 == 1

    mesh = plsc.VectorSubcoreMesh(core_axis_name="c", subcore_axis_name="s")

    @functools.partial(
        pl.kernel,
        mesh=mesh,
        out_type=jax.ShapeDtypeStruct((E, D), jnp.float32),
        scratch_types=(
            [pltpu.VMEM((e_per_w,), jnp.int32)]
            + [pltpu.VMEM((B, D), jnp.float32) for _ in range(4)]
            + [pltpu.VMEM((B, D), jnp.float32) for _ in range(4)]
            + [pltpu.VMEM((B, D), jnp.float32) for _ in range(2)]
            + [pltpu.SemaphoreType.DMA for _ in range(4)]
            + [pltpu.SemaphoreType.DMA for _ in range(4)]
            + [pltpu.SemaphoreType.DMA for _ in range(2)]
        ),
    )
    def run(x0_hbm, x1_hbm, idx_hbm, out_hbm,
            idx_v, w0, w1, w2, w3, y0, y1, y2, y3, o0, o1,
            g0, g1, g2, g3, p0, p1, p2, p3, q0, q1):
        wid = lax.axis_index("s") * NC + lax.axis_index("c")
        base = wid * e_per_w
        pltpu.sync_copy(idx_hbm.at[pl.ds(base, e_per_w)], idx_v)

        wbufs = (w0, w1, w2, w3)
        ybufs = (y0, y1, y2, y3)
        obufs = (o0, o1)
        gsems = (g0, g1, g2, g3)
        xsems = (p0, p1, p2, p3)
        osems = (q0, q1)

        def issue_inputs(j, s4):
            pltpu.async_copy(
                x0_hbm.at[idx_v.at[pl.ds(j * B, B)]], wbufs[s4], gsems[s4])
            pltpu.async_copy(
                x1_hbm.at[pl.ds(base + j * B, B)], ybufs[s4], xsems[s4])

        for jj in range(4):
            issue_inputs(jj, jj)

        def step(j, k):
            s4, s2 = k, k % 2
            w, y, o = wbufs[s4], ybufs[s4], obufs[s2]
            pltpu.make_async_copy(x1_hbm.at[pl.ds(0, B)], w, gsems[s4]).wait()
            pltpu.make_async_copy(x1_hbm.at[pl.ds(0, B)], y, xsems[s4]).wait()

            @pl.when(j >= 2)
            def _():
                pltpu.make_async_copy(o, out_hbm.at[pl.ds(0, B)], osems[s2]).wait()

            @plsc.parallel_loop(0, B, unroll=8)
            def row(r):
                for c in range(D // 16):
                    sl = pl.ds(c * 16, 16)
                    o[r, sl] = w[r, sl] * y[r, sl]

            pltpu.async_copy(o, out_hbm.at[pl.ds(base + j * B, B)], osems[s2])

            @pl.when(j + 4 < niter)
            def _():
                issue_inputs(j + 4, s4)

        def outer(g, carry):
            for k in range(4):
                step(4 * g + k, k)
            return carry

        lax.fori_loop(0, (niter - 1) // 4, outer, 0)
        step(niter - 1, 0)

        pltpu.make_async_copy(o1, out_hbm.at[pl.ds(0, B)], osems[1]).wait()
        pltpu.make_async_copy(o0, out_hbm.at[pl.ds(0, B)], osems[0]).wait()

    return run(x0, x1, indices)

# --- scband reference (transcript-rebuilt; emitter-appended) ---
"""Pipeline reference for scband-iweighted-symmetric-tpdispatcher-46497315947091 (READ-ONLY COPY).

The authoritative reference and input builder live on the scoring server;
editing this copy changes nothing except your own understanding.
"""

import jax, jax.numpy as jnp
import numpy as np

N_NODES = 10000
N_EDGES = 320000
DIM = 128


def setup_inputs(seed: int = 0) -> dict:
    key = jax.random.key(seed)
    k0, k1, k2 = jax.random.split(key, 3)
    # x0: per-node weight tensor (batch of weights for the weighted symmetric TP)
    x0 = jax.random.normal(k0, (N_NODES, DIM), dtype=jnp.float32)
    # x1: per-edge feature tensor
    x1 = jax.random.normal(k1, (N_EDGES, DIM), dtype=jnp.float32)
    # indices: maps each edge/row of x1 to a row of x0 (dst node id)
    indices = jax.random.randint(k2, (N_EDGES,), 0, N_NODES, dtype=jnp.int32)
    return {"x0": x0, "x1": x1, "indices": indices}


def reference(x0, x1, indices):
    # IWeightedSymmetricTPDispatcher.forward with inputs=[x0, x1]:
    #   return self.tp(x0, indices, x1)
    # tp is an indexed weighted (degree-1 symmetric) tensor product:
    # gather the per-node weights by indices, apply elementwise to x1.
    w = jnp.take(x0, indices, axis=0)  # gather: [E, DIM]
    out = w * x1                       # weighted product: [E, DIM]
    return out

if __name__ == "__main__":
    import jax
    _d = setup_inputs()
    print(jax.jit(kernel)(*tuple(_d.values())))

</pallas_src>

<mosaic_0001>
#map = affine_map<(d0, d1) -> (0, 0)>
#map1 = affine_map<(d0, d1) -> (0)>
module attributes {stable_mosaic.version = 14 : i64} {
  func.func @run(%arg0: i32, %arg1: i32, %arg2: memref<10000x128xf32, #tpu.memory_space<hbm>>, %arg3: memref<320000x128xf32, #tpu.memory_space<hbm>>, %arg4: memref<320000xi32, #tpu.memory_space<hbm>>, %arg5: memref<320000x128xf32, #tpu.memory_space<hbm>>, %arg6: memref<10000xi32, #tpu.memory_space<vmem>>, %arg7: memref<80x128xf32, #tpu.memory_space<vmem>>, %arg8: memref<80x128xf32, #tpu.memory_space<vmem>>, %arg9: memref<80x128xf32, #tpu.memory_space<vmem>>, %arg10: memref<80x128xf32, #tpu.memory_space<vmem>>, %arg11: memref<80x128xf32, #tpu.memory_space<vmem>>, %arg12: memref<80x128xf32, #tpu.memory_space<vmem>>, %arg13: memref<80x128xf32, #tpu.memory_space<vmem>>, %arg14: memref<80x128xf32, #tpu.memory_space<vmem>>, %arg15: memref<80x128xf32, #tpu.memory_space<vmem>>, %arg16: memref<80x128xf32, #tpu.memory_space<vmem>>, %arg17: memref<!tpu.dma_semaphore, #tpu.memory_space<semaphore_mem>>, %arg18: memref<!tpu.dma_semaphore, #tpu.memory_space<semaphore_mem>>, %arg19: memref<!tpu.dma_semaphore, #tpu.memory_space<semaphore_mem>>, %arg20: memref<!tpu.dma_semaphore, #tpu.memory_space<semaphore_mem>>, %arg21: memref<!tpu.dma_semaphore, #tpu.memory_space<semaphore_mem>>, %arg22: memref<!tpu.dma_semaphore, #tpu.memory_space<semaphore_mem>>, %arg23: memref<!tpu.dma_semaphore, #tpu.memory_space<semaphore_mem>>, %arg24: memref<!tpu.dma_semaphore, #tpu.memory_space<semaphore_mem>>, %arg25: memref<!tpu.dma_semaphore, #tpu.memory_space<semaphore_mem>>, %arg26: memref<!tpu.dma_semaphore, #tpu.memory_space<semaphore_mem>>) attributes {dimension_semantics = [#tpu.dimension_semantics<core_parallel>, #tpu.dimension_semantics<subcore_parallel>], iteration_bounds = array<i64: 2, 16>, scalar_prefetch = 0 : i64, scratch_operands = 21 : i64, tpu.core_type = #tpu.core_type<sc_vector_subcore>, window_params = [{transform_indices = #map}, {transform_indices = #map}, {transform_indices = #map1}, {transform_indices = #map}]} {
    %mul3A = arith.constant 2 : i32
    %mul3A_0 = arith.muli %arg1, %mul3A : i32
    %add3A = arith.addi %mul3A_0, %arg0 : i32
    %mul3A_1 = arith.constant 10000 : i32
    %mul3A_2 = arith.muli %add3A, %mul3A_1 : i32
    "tpu.region"() ({
      %run_scoped3A = tpu.sem_alloc : memref<!tpu.dma_semaphore, #tpu.memory_space<semaphore_mem>>
      %dma_start3A_88 = tpu.memref_slice %arg4[%mul3A_2] : memref<320000xi32, #tpu.memory_space<hbm>> -> memref<10000xi32, #tpu.memory_space<hbm>>
      %dma_start3A_89 = tpu.memref_slice %arg4[%mul3A_2] : memref<320000xi32, #tpu.memory_space<hbm>> -> memref<10000xi32, #tpu.memory_space<hbm>>
      tpu.enqueue_dma source(%dma_start3A_89 : memref<10000xi32, #tpu.memory_space<hbm>>) target(%arg6 : memref<10000xi32, #tpu.memory_space<vmem>>) target_semaphore(%run_scoped3A : memref<!tpu.dma_semaphore, #tpu.memory_space<semaphore_mem>>)
      %dma_wait3A_90 = tpu.memref_slice %arg4[%mul3A_2] : memref<320000xi32, #tpu.memory_space<hbm>> -> memref<10000xi32, #tpu.memory_space<hbm>>
      %dma_wait3A_91 = tpu.memref_slice %arg4[%mul3A_2] : memref<320000xi32, #tpu.memory_space<hbm>> -> memref<10000xi32, #tpu.memory_space<hbm>>
      tpu.wait_dma2 semaphore(%run_scoped3A : memref<!tpu.dma_semaphore, #tpu.memory_space<semaphore_mem>>) src(%dma_wait3A_91 : memref<10000xi32, #tpu.memory_space<hbm>>) dst(%arg6 : memref<10000xi32, #tpu.memory_space<vmem>>)
      tpu.yield
    }) : () -> ()
    %dma_start3A = arith.constant 0 : i32
    %dma_start3A_3 = tpu.memref_slice %arg6[%dma_start3A] : memref<10000xi32, #tpu.memory_space<vmem>> -> memref<80xi32, #tpu.memory_space<vmem>>
    %dma_start3A_4 = arith.constant 0 : i32
    %dma_start3A_5 = arith.constant 0 : i32
    %dma_start3A_6 = tpu.memref_slice %arg2[%dma_start3A_4, %dma_start3A_5] : memref<10000x128xf32, #tpu.memory_space<hbm>> -> memref<10000x128xf32, #tpu.memory_space<hbm>>
    tpu.enqueue_indirect_dma source(%dma_start3A_6 : memref<10000x128xf32, #tpu.memory_space<hbm>>) target(%arg7 : memref<80x128xf32, #tpu.memory_space<vmem>>) offsets(%dma_start3A_3 : memref<80xi32, #tpu.memory_space<vmem>>) semaphore(%arg17 : memref<!tpu.dma_semaphore, #tpu.memory_space<semaphore_mem>>)
    %add3A_7 = arith.constant 0 : i32
    %add3A_8 = arith.addi %mul3A_2, %add3A_7 : i32
    %dma_start3A_9 = arith.constant 0 : i32
    %dma_start3A_10 = tpu.memref_slice %arg3[%add3A_8, %dma_start3A_9] : memref<320000x128xf32, #tpu.memory_space<hbm>> -> memref<80x128xf32, #tpu.memory_space<hbm>>
    %dma_start3A_11 = arith.constant 0 : i32
    %dma_start3A_12 = tpu.memref_slice %arg3[%add3A_8, %dma_start3A_11] : memref<320000x128xf32, #tpu.memory_space<hbm>> -> memref<80x128xf32, #tpu.memory_space<hbm>>
    tpu.enqueue_dma source(%dma_start3A_12 : memref<80x128xf32, #tpu.memory_space<hbm>>) target(%arg11 : memref<80x128xf32, #tpu.memory_space<vmem>>) target_semaphore(%arg21 : memref<!tpu.dma_semaphore, #tpu.memory_space<semaphore_mem>>)
    %dma_start3A_13 = arith.constant 80 : i32
    %dma_start3A_14 = tpu.memref_slice %arg6[%dma_start3A_13] : memref<10000xi32, #tpu.memory_space<vmem>> -> memref<80xi32, #tpu.memory_space<vmem>>
    %dma_start3A_15 = arith.constant 0 : i32
    %dma_start3A_16 = arith.constant 0 : i32
    %dma_start3A_17 = tpu.memref_slice %arg2[%dma_start3A_15, %dma_start3A_16] : memref<10000x128xf32, #tpu.memory_space<hbm>> -> memref<10000x128xf32, #tpu.memory_space<hbm>>
    tpu.enqueue_indirect_dma source(%dma_start3A_17 : memref<10000x128xf32, #tpu.memory_space<hbm>>) target(%arg8 : memref<80x128xf32, #tpu.memory_space<vmem>>) offsets(%dma_start3A_14 : memref<80xi32, #tpu.memory_space<vmem>>) semaphore(%arg18 : memref<!tpu.dma_semaphore, #tpu.memory_space<semaphore_mem>>)
    %add3A_18 = arith.constant 80 : i32
    %add3A_19 = arith.addi %mul3A_2, %add3A_18 : i32
    %dma_start3A_20 = arith.constant 0 : i32
    %dma_start3A_21 = tpu.memref_slice %arg3[%add3A_19, %dma_start3A_20] : memref<320000x128xf32, #tpu.memory_space<hbm>> -> memref<80x128xf32, #tpu.memory_space<hbm>>
    %dma_start3A_22 = arith.constant 0 : i32
    %dma_start3A_23 = tpu.memref_slice %arg3[%add3A_19, %dma_start3A_22] : memref<320000x128xf32, #tpu.memory_space<hbm>> -> memref<80x128xf32, #tpu.memory_space<hbm>>
    tpu.enqueue_dma source(%dma_start3A_23 : memref<80x128xf32, #tpu.memory_space<hbm>>) target(%arg12 : memref<80x128xf32, #tpu.memory_space<vmem>>) target_semaphore(%arg22 : memref<!tpu.dma_semaphore, #tpu.memory_space<semaphore_mem>>)
    %dma_start3A_24 = arith.constant 160 : i32
    %dma_start3A_25 = tpu.memref_slice %arg6[%dma_start3A_24] : memref<10000xi32, #tpu.memory_space<vmem>> -> memref<80xi32, #tpu.memory_space<vmem>>
    %dma_start3A_26 = arith.constant 0 : i32
    %dma_start3A_27 = arith.constant 0 : i32
    %dma_start3A_28 = tpu.memref_slice %arg2[%dma_start3A_26, %dma_start3A_27] : memref<10000x128xf32, #tpu.memory_space<hbm>> -> memref<10000x128xf32, #tpu.memory_space<hbm>>
    tpu.enqueue_indirect_dma source(%dma_start3A_28 : memref<10000x128xf32, #tpu.memory_space<hbm>>) target(%arg9 : memref<80x128xf32, #tpu.memory_space<vmem>>) offsets(%dma_start3A_25 : memref<80xi32, #tpu.memory_space<vmem>>) semaphore(%arg19 : memref<!tpu.dma_semaphore, #tpu.memory_space<semaphore_mem>>)
    %add3A_29 = arith.constant 160 : i32
    %add3A_30 = arith.addi %mul3A_2, %add3A_29 : i32
    %dma_start3A_31 = arith.constant 0 : i32
    %dma_start3A_32 = tpu.memref_slice %arg3[%add3A_30, %dma_start3A_31] : memref<320000x128xf32, #tpu.memory_space<hbm>> -> memref<80x128xf32, #tpu.memory_space<hbm>>
    %dma_start3A_33 = arith.constant 0 : i32
    %dma_start3A_34 = tpu.memref_slice %arg3[%add3A_30, %dma_start3A_33] : memref<320000x128xf32, #tpu.memory_space<hbm>> -> memref<80x128xf32, #tpu.memory_space<hbm>>
    tpu.enqueue_dma source(%dma_start3A_34 : memref<80x128xf32, #tpu.memory_space<hbm>>) target(%arg13 : memref<80x128xf32, #tpu.memory_space<vmem>>) target_semaphore(%arg23 : memref<!tpu.dma_semaphore, #tpu.memory_space<semaphore_mem>>)
    %dma_start3A_35 = arith.constant 240 : i32
    %dma_start3A_36 = tpu.memref_slice %arg6[%dma_start3A_35] : memref<10000xi32, #tpu.memory_space<vmem>> -> memref<80xi32, #tpu.memory_space<vmem>>
    %dma_start3A_37 = arith.constant 0 : i32
    %dma_start3A_38 = arith.constant 0 : i32
    %dma_start3A_39 = tpu.memref_slice %arg2[%dma_start3A_37, %dma_start3A_38] : memref<10000x128xf32, #tpu.memory_space<hbm>> -> memref<10000x128xf32, #tpu.memory_space<hbm>>
    tpu.enqueue_indirect_dma source(%dma_start3A_39 : memref<10000x128xf32, #tpu.memory_space<hbm>>) target(%arg10 : memref<80x128xf32, #tpu.memory_space<vmem>>) offsets(%dma_start3A_36 : memref<80xi32, #tpu.memory_space<vmem>>) semaphore(%arg20 : memref<!tpu.dma_semaphore, #tpu.memory_space<semaphore_mem>>)
    %add3A_40 = arith.constant 240 : i32
    %add3A_41 = arith.addi %mul3A_2, %add3A_40 : i32
    %dma_start3A_42 = arith.constant 0 : i32
    %dma_start3A_43 = tpu.memref_slice %arg3[%add3A_41, %dma_start3A_42] : memref<320000x128xf32, #tpu.memory_space<hbm>> -> memref<80x128xf32, #tpu.memory_space<hbm>>
    %dma_start3A_44 = arith.constant 0 : i32
    %dma_start3A_45 = tpu.memref_slice %arg3[%add3A_41, %dma_start3A_44] : memref<320000x128xf32, #tpu.memory_space<hbm>> -> memref<80x128xf32, #tpu.memory_space<hbm>>
    tpu.enqueue_dma source(%dma_start3A_45 : memref<80x128xf32, #tpu.memory_space<hbm>>) target(%arg14 : memref<80x128xf32, #tpu.memory_space<vmem>>) target_semaphore(%arg24 : memref<!tpu.dma_semaphore, #tpu.memory_space<semaphore_mem>>)
    %scan3A = arith.constant 0 : i32
    %scan3A_46 = arith.constant 0 : i32
    %scan3A_47 = arith.constant 31 : i32
    %scan3A_48 = arith.addi %scan3A_46, %scan3A_47 : i32
    %scan3A_49 = arith.constant 1 : i32
    scf.for %scan3A_88 = %scan3A_46 to %scan3A_48 step %scan3A_49  : i32 {
      %mul3A_89 = arith.constant 4 : i32
      %mul3A_90 = arith.muli %mul3A_89, %scan3A_88 : i32
      %add3A_91 = arith.constant 0 : i32
      %add3A_92 = arith.addi %mul3A_90, %add3A_91 : i32
      %dma_wait3A_93 = arith.constant 0 : i32
      %dma_wait3A_94 = arith.constant 0 : i32
      %dma_wait3A_95 = tpu.memref_slice %arg3[%dma_wait3A_93, %dma_wait3A_94] : memref<320000x128xf32, #tpu.memory_space<hbm>> -> memref<80x128xf32, #tpu.memory_space<hbm>>
      %dma_wait3A_96 = arith.constant 0 : i32
      %dma_wait3A_97 = arith.constant 0 : i32
      %dma_wait3A_98 = tpu.memref_slice %arg3[%dma_wait3A_96, %dma_wait3A_97] : memref<320000x128xf32, #tpu.memory_space<hbm>> -> memref<80x128xf32, #tpu.memory_space<hbm>>
      tpu.wait_dma2 semaphore(%arg17 : memref<!tpu.dma_semaphore, #tpu.memory_space<semaphore_mem>>) src(%dma_wait3A_98 : memref<80x128xf32, #tpu.memory_space<hbm>>) dst(%arg7 : memref<80x128xf32, #tpu.memory_space<vmem>>)
      %dma_wait3A_99 = arith.constant 0 : i32
      %dma_wait3A_100 = arith.constant 0 : i32
      %dma_wait3A_101 = tpu.memref_slice %arg3[%dma_wait3A_99, %dma_wait3A_100] : memref<320000x128xf32, #tpu.memory_space<hbm>> -> memref<80x128xf32, #tpu.memory_space<hbm>>
      %dma_wait3A_102 = arith.constant 0 : i32
      %dma_wait3A_103 = arith.constant 0 : i32
      %dma_wait3A_104 = tpu.memref_slice %arg3[%dma_wait3A_102, %dma_wait3A_103] : memref<320000x128xf32, #tpu.memory_space<hbm>> -> memref<80x128xf32, #tpu.memory_space<hbm>>
      tpu.wait_dma2 semaphore(%arg21 : memref<!tpu.dma_semaphore, #tpu.memory_space<semaphore_mem>>) src(%dma_wait3A_104 : memref<80x128xf32, #tpu.memory_space<hbm>>) dst(%arg11 : memref<80x128xf32, #tpu.memory_space<vmem>>)
      %ge3A = arith.constant 2 : i32
      %ge3A_105 = arith.cmpi sge, %add3A_92, %ge3A : i32
      %convert_element_type3A = arith.extui %ge3A_105 : i1 to i32
      %cond3A = arith.constant 0 : i32
      %cond3A_106 = arith.cmpi ne, %convert_element_type3A, %cond3A : i32
      scf.if %cond3A_106 {
        %dma_wait3A_237 = arith.constant 0 : i32
        %dma_wait3A_238 = arith.constant 0 : i32
        %dma_wait3A_239 = tpu.memref_slice %arg5[%dma_wait3A_237, %dma_wait3A_238] : memref<320000x128xf32, #tpu.memory_space<hbm>> -> memref<80x128xf32, #tpu.memory_space<hbm>>
        %dma_wait3A_240 = arith.constant 0 : i32
        %dma_wait3A_241 = arith.constant 0 : i32
        %dma_wait3A_242 = tpu.memref_slice %arg5[%dma_wait3A_240, %dma_wait3A_241] : memref<320000x128xf32, #tpu.memory_space<hbm>> -> memref<80x128xf32, #tpu.memory_space<hbm>>
        tpu.wait_dma2 semaphore(%arg25 : memref<!tpu.dma_semaphore, #tpu.memory_space<semaphore_mem>>) src(%arg15 : memref<80x128xf32, #tpu.memory_space<vmem>>) dst(%dma_wait3A_242 : memref<80x128xf32, #tpu.memory_space<hbm>>)
      } else {
      }
      %parallel_loop3A_107 = arith.constant 0 : i32
      %parallel_loop3A_108 = arith.constant 80 : i32
      %parallel_loop3A_109 = arith.constant 1 : i32
      scf.for %parallel_loop3A_237 = %parallel_loop3A_107 to %parallel_loop3A_108 step %parallel_loop3A_109  : i32 {
        %parallel_loop3A_238 = arith.index_cast %parallel_loop3A_237 : i32 to index
        %parallel_loop3A_239 = arith.constant 0 : index
        %parallel_loop3A_240 = tpu.vector_load %arg7[%parallel_loop3A_238, %parallel_loop3A_239] {strides = array<i32>} : memref<80x128xf32, #tpu.memory_space<vmem>>, vector<1x16xf32>,
        %parallel_loop3A_241 = vector.shape_cast %parallel_loop3A_240 : vector<1x16xf32> to vector<16xf32>
        %parallel_loop3A_242 = arith.index_cast %parallel_loop3A_237 : i32 to index
        %parallel_loop3A_243 = arith.constant 0 : index
        %parallel_loop3A_244 = tpu.vector_load %arg11[%parallel_loop3A_242, %parallel_loop3A_243] {strides = array<i32>} : memref<80x128xf32, #tpu.memory_space<vmem>>, vector<1x16xf32>,
        %parallel_loop3A_245 = vector.shape_cast %parallel_loop3A_244 : vector<1x16xf32> to vector<16xf32>
        %parallel_loop3A_246 = arith.mulf %parallel_loop3A_241, %parallel_loop3A_245 : vector<16xf32>
        %parallel_loop3A_247 = arith.index_cast %parallel_loop3A_237 : i32 to index
        %parallel_loop3A_248 = arith.constant 0 : index
        %parallel_loop3A_249 = tpu.vector_load %arg15[%parallel_loop3A_247, %parallel_loop3A_248] {strides = array<i32>} : memref<80x128xf32, #tpu.memory_space<vmem>>, vector<1x16xf32>,
        %parallel_loop3A_250 = vector.shape_cast %parallel_loop3A_249 : vector<1x16xf32> to vector<16xf32>
        %parallel_loop3A_251 = vector.shape_cast %parallel_loop3A_246 : vector<16xf32> to vector<1x16xf32>
        tpu.vector_store %arg15[%parallel_loop3A_247, %parallel_loop3A_248], %parallel_loop3A_251 {strides = array<i32>} : memref<80x128xf32, #tpu.memory_space<vmem>>, vector<1x16xf32>,
        %parallel_loop3A_252 = arith.index_cast %parallel_loop3A_237 : i32 to index
        %parallel_loop3A_253 = arith.constant 16 : index
        %parallel_loop3A_254 = tpu.vector_load %arg7[%parallel_loop3A_252, %parallel_loop3A_253] {strides = array<i32>} : memref<80x128xf32, #tpu.memory_space<vmem>>, vector<1x16xf32>,
        %parallel_loop3A_255 = vector.shape_cast %parallel_loop3A_254 : vector<1x16xf32> to vector<16xf32>
        %parallel_loop3A_256 = arith.index_cast %parallel_loop3A_237 : i32 to index
        %parallel_loop3A_257 = arith.constant 16 : index
        %parallel_loop3A_258 = tpu.vector_load %arg11[%parallel_loop3A_256, %parallel_loop3A_257] {strides = array<i32>} : memref<80x128xf32, #tpu.memory_space<vmem>>, vector<1x16xf32>,
        %parallel_loop3A_259 = vector.shape_cast %parallel_loop3A_258 : vector<1x16xf32> to vector<16xf32>
        %parallel_loop3A_260 = arith.mulf %parallel_loop3A_255, %parallel_loop3A_259 : vector<16xf32>
        %parallel_loop3A_261 = arith.index_cast %parallel_loop3A_237 : i32 to index
        %parallel_loop3A_262 = arith.constant 16 : index
        %parallel_loop3A_263 = tpu.vector_load %arg15[%parallel_loop3A_261, %parallel_loop3A_262] {strides = array<i32>} : memref<80x128xf32, #tpu.memory_space<vmem>>, vector<1x16xf32>,
        %parallel_loop3A_264 = vector.shape_cast %parallel_loop3A_263 : vector<1x16xf32> to vector<16xf32>
        %parallel_loop3A_265 = vector.shape_cast %parallel_loop3A_260 : vector<16xf32> to vector<1x16xf32>
        tpu.vector_store %arg15[%parallel_loop3A_261, %parallel_loop3A_262], %parallel_loop3A_265 {strides = array<i32>} : memref<80x128xf32, #tpu.memory_space<vmem>>, vector<1x16xf32>,
        %parallel_loop3A_266 = arith.index_cast %parallel_loop3A_237 : i32 to index
        %parallel_loop3A_267 = arith.constant 32 : index
        %parallel_loop3A_268 = tpu.vector_load %arg7[%parallel_loop3A_266, %parallel_loop3A_267] {strides = array<i32>} : memref<80x128xf32, #tpu.memory_space<vmem>>, vector<1x16xf32>,
        %parallel_loop3A_269 = vector.shape_cast %parallel_loop3A_268 : vector<1x16xf32> to vector<16xf32>
        %parallel_loop3A_270 = arith.index_cast %parallel_loop3A_237 : i32 to index
        %parallel_loop3A_271 = arith.constant 32 : index
        %parallel_loop3A_272 = tpu.vector_load %arg11[%parallel_loop3A_270, %parallel_loop3A_271] {strides = array<i32>} : memref<80x128xf32, #tpu.memory_space<vmem>>, vector<1x16xf32>,
        %parallel_loop3A_273 = vector.shape_cast %parallel_loop3A_272 : vector<1x16xf32> to vector<16xf32>
        %parallel_loop3A_274 = arith.mulf %parallel_loop3A_269, %parallel_loop3A_273 : vector<16xf32>
        %parallel_loop3A_275 = arith.index_cast %parallel_loop3A_237 : i32 to index
        %parallel_loop3A_276 = arith.constant 32 : index
        %parallel_loop3A_277 = tpu.vector_load %arg15[%parallel_loop3A_275, %parallel_loop3A_276] {strides = array<i32>} : memref<80x128xf32, #tpu.memory_space<vmem>>, vector<1x16xf32>,
        %parallel_loop3A_278 = vector.shape_cast %parallel_loop3A_277 : vector<1x16xf32> to vector<16xf32>
        %parallel_loop3A_279 = vector.shape_cast %parallel_loop3A_274 : vector<16xf32> to vector<1x16xf32>
        tpu.vector_store %arg15[%parallel_loop3A_275, %parallel_loop3A_276], %parallel_loop3A_279 {strides = array<i32>} : memref<80x128xf32, #tpu.memory_space<vmem>>, vector<1x16xf32>,
        %parallel_loop3A_280 = arith.index_cast %parallel_loop3A_237 : i32 to index
        %parallel_loop3A_281 = arith.constant 48 : index
        %parallel_loop3A_282 = tpu.vector_load %arg7[%parallel_loop3A_280, %parallel_loop3A_281] {strides = array<i32>} : memref<80x128xf32, #tpu.memory_space<vmem>>, vector<1x16xf32>,
        %parallel_loop3A_283 = vector.shape_cast %parallel_loop3A_282 : vector<1x16xf32> to vector<16xf32>
        %parallel_loop3A_284 = arith.index_cast %parallel_loop3A_237 : i32 to index
        %parallel_loop3A_285 = arith.constant 48 : index
        %parallel_loop3A_286 = tpu.vector_load %arg11[%parallel_loop3A_284, %parallel_loop3A_285] {strides = array<i32>} : memref<80x128xf32, #tpu.memory_space<vmem>>, vector<1x16xf32>,
        %parallel_loop3A_287 = vector.shape_cast %parallel_loop3A_286 : vector<1x16xf32> to vector<16xf32>
        %parallel_loop3A_288 = arith.mulf %parallel_loop3A_283, %parallel_loop3A_287 : vector<16xf32>
        %parallel_loop3A_289 = arith.index_cast %parallel_loop3A_237 : i32 to index
        %parallel_loop3A_290 = arith.constant 48 : index
        %parallel_loop3A_291 = tpu.vector_load %arg15[%parallel_loop3A_289, %parallel_loop3A_290] {strides = array<i32>} : memref<80x128xf32, #tpu.memory_space<vmem>>, vector<1x16xf32>,
        %parallel_loop3A_292 = vector.shape_cast %parallel_loop3A_291 : vector<1x16xf32> to vector<16xf32>
        %parallel_loop3A_293 = vector.shape_cast %parallel_loop3A_288 : vector<16xf32> to vector<1x16xf32>
        tpu.vector_store %arg15[%parallel_loop3A_289, %parallel_loop3A_290], %parallel_loop3A_293 {strides = array<i32>} : memref<80x128xf32, #tpu.memory_space<vmem>>, vector<1x16xf32>,
        %parallel_loop3A_294 = arith.index_cast %parallel_loop3A_237 : i32 to index
        %parallel_loop3A_295 = arith.constant 64 : index
        %parallel_loop3A_296 = tpu.vector_load %arg7[%parallel_loop3A_294, %parallel_loop3A_295] {strides = array<i32>} : memref<80x128xf32, #tpu.memory_space<vmem>>, vector<1x16xf32>,
        %parallel_loop3A_297 = vector.shape_cast %parallel_loop3A_296 : vector<1x16xf32> to vector<16xf32>
        %parallel_loop3A_298 = arith.index_cast %parallel_loop3A_237 : i32 to index
        %parallel_loop3A_299 = arith.constant 64 : index
        %parallel_loop3A_300 = tpu.vector_load %arg11[%parallel_loop3A_298, %parallel_loop3A_299] {strides = array<i32>} : memref<80x128xf32, #tpu.memory_space<vmem>>, vector<1x16xf32>,
        %parallel_loop3A_301 = vector.shape_cast %parallel_loop3A_300 : vector<1x16xf32> to vector<16xf32>
        %parallel_loop3A_302 = arith.mulf %parallel_loop3A_297, %parallel_loop3A_301 : vector<16xf32>
        %parallel_loop3A_303 = arith.index_cast %parallel_loop3A_237 : i32 to index
        %parallel_loop3A_304 = arith.constant 64 : index
        %parallel_loop3A_305 = tpu.vector_load %arg15[%parallel_loop3A_303, %parallel_loop3A_304] {strides = array<i32>} : memref<80x128xf32, #tpu.memory_space<vmem>>, vector<1x16xf32>,
        %parallel_loop3A_306 = vector.shape_cast %parallel_loop3A_305 : vector<1x16xf32> to vector<16xf32>
        %parallel_loop3A_307 = vector.shape_cast %parallel_loop3A_302 : vector<16xf32> to vector<1x16xf32>
        tpu.vector_store %arg15[%parallel_loop3A_303, %parallel_loop3A_304], %parallel_loop3A_307 {strides = array<i32>} : memref<80x128xf32, #tpu.memory_space<vmem>>, vector<1x16xf32>,
        %parallel_loop3A_308 = arith.index_cast %parallel_loop3A_237 : i32 to index
        %parallel_loop3A_309 = arith.constant 80 : index
        %parallel_loop3A_310 = tpu.vector_load %arg7[%parallel_loop3A_308, %parallel_loop3A_309] {strides = array<i32>} : memref<80x128xf32, #tpu.memory_space<vmem>>, vector<1x16xf32>,
        %parallel_loop3A_311 = vector.shape_cast %parallel_loop3A_310 : vector<1x16xf32> to vector<16xf32>
        %parallel_loop3A_312 = arith.index_cast %parallel_loop3A_237 : i32 to index
        %parallel_loop3A_313 = arith.constant 80 : index
        %parallel_loop3A_314 = tpu.vector_load %arg11[%parallel_loop3A_312, %parallel_loop3A_313] {strides = array<i32>} : memref<80x128xf32, #tpu.memory_space<vmem>>, vector<1x16xf32>,
        %parallel_loop3A_315 = vector.shape_cast %parallel_loop3A_314 : vector<1x16xf32> to vector<16xf32>
        %parallel_loop3A_316 = arith.mulf %parallel_loop3A_311, %parallel_loop3A_315 : vector<16xf32>
        %parallel_loop3A_317 = arith.index_cast %parallel_loop3A_237 : i32 to index
        %parallel_loop3A_318 = arith.constant 80 : index
        %parallel_loop3A_319 = tpu.vector_load %arg15[%parallel_loop3A_317, %parallel_loop3A_318] {strides = array<i32>} : memref<80x128xf32, #tpu.memory_space<vmem>>, vector<1x16xf32>,
        %parallel_loop3A_320 = vector.shape_cast %parallel_loop3A_319 : vector<1x16xf32> to vector<16xf32>
        %parallel_loop3A_321 = vector.shape_cast %parallel_loop3A_316 : vector<16xf32> to vector<1x16xf32>
        tpu.vector_store %arg15[%parallel_loop3A_317, %parallel_loop3A_318], %parallel_loop3A_321 {strides = array<i32>} : memref<80x128xf32, #tpu.memory_space<vmem>>, vector<1x16xf32>,
        %parallel_loop3A_322 = arith.index_cast %parallel_loop3A_237 : i32 to index
        %parallel_loop3A_323 = arith.constant 96 : index
        %parallel_loop3A_324 = tpu.vector_load %arg7[%parallel_loop3A_322, %parallel_loop3A_323] {strides = array<i32>} : memref<80x128xf32, #tpu.memory_space<vmem>>, vector<1x16xf32>,
        %parallel_loop3A_325 = vector.shape_cast %parallel_loop3A_324 : vector<1x16xf32> to vector<16xf32>
        %parallel_loop3A_326 = arith.index_cast %parallel_loop3A_237 : i32 to index
        %parallel_loop3A_327 = arith.constant 96 : index
        %parallel_loop3A_328 = tpu.vector_load %arg11[%parallel_loop3A_326, %parallel_loop3A_327] {strides = array<i32>} : memref<80x128xf32, #tpu.memory_space<vmem>>, vector<1x16xf32>,
        %parallel_loop3A_329 = vector.shape_cast %parallel_loop3A_328 : vector<1x16xf32> to vector<16xf32>
        %parallel_loop3A_330 = arith.mulf %parallel_loop3A_325, %parallel_loop3A_329 : vector<16xf32>
        %parallel_loop3A_331 = arith.index_cast %parallel_loop3A_237 : i32 to index
        %parallel_loop3A_332 = arith.constant 96 : index
        %parallel_loop3A_333 = tpu.vector_load %arg15[%parallel_loop3A_331, %parallel_loop3A_332] {strides = array<i32>} : memref<80x128xf32, #tpu.memory_space<vmem>>, vector<1x16xf32>,
        %parallel_loop3A_334 = vector.shape_cast %parallel_loop3A_333 : vector<1x16xf32> to vector<16xf32>
        %parallel_loop3A_335 = vector.shape_cast %parallel_loop3A_330 : vector<16xf32> to vector<1x16xf32>
        tpu.vector_store %arg15[%parallel_loop3A_331, %parallel_loop3A_332], %parallel_loop3A_335 {strides = array<i32>} : memref<80x128xf32, #tpu.memory_space<vmem>>, vector<1x16xf32>,
        %parallel_loop3A_336 = arith.index_cast %parallel_loop3A_237 : i32 to index
        %parallel_loop3A_337 = arith.constant 112 : index
        %parallel_loop3A_338 = tpu.vector_load %arg7[%parallel_loop3A_336, %parallel_loop3A_337] {strides = array<i32>} : memref<80x128xf32, #tpu.memory_space<vmem>>, vector<1x16xf32>,
        %parallel_loop3A_339 = vector.shape_cast %parallel_loop3A_338 : vector<1x16xf32> to vector<16xf32>
        %parallel_loop3A_340 = arith.index_cast %parallel_loop3A_237 : i32 to index
        %parallel_loop3A_341 = arith.constant 112 : index
        %parallel_loop3A_342 = tpu.vector_load %arg11[%parallel_loop3A_340, %parallel_loop3A_341] {strides = array<i32>} : memref<80x128xf32, #tpu.memory_space<vmem>>, vector<1x16xf32>,
        %parallel_loop3A_343 = vector.shape_cast %parallel_loop3A_342 : vector<1x16xf32> to vector<16xf32>
        %parallel_loop3A_344 = arith.mulf %parallel_loop3A_339, %parallel_loop3A_343 : vector<16xf32>
        %parallel_loop3A_345 = arith.index_cast %parallel_loop3A_237 : i32 to index
        %parallel_loop3A_346 = arith.constant 112 : index
        %parallel_loop3A_347 = tpu.vector_load %arg15[%parallel_loop3A_345, %parallel_loop3A_346] {strides = array<i32>} : memref<80x128xf32, #tpu.memory_space<vmem>>, vector<1x16xf32>,
        %parallel_loop3A_348 = vector.shape_cast %parallel_loop3A_347 : vector<1x16xf32> to vector<16xf32>
        %parallel_loop3A_349 = vector.shape_cast %parallel_loop3A_344 : vector<16xf32> to vector<1x16xf32>
        tpu.vector_store %arg15[%parallel_loop3A_345, %parallel_loop3A_346], %parallel_loop3A_349 {strides = array<i32>} : memref<80x128xf32, #tpu.memory_space<vmem>>, vector<1x16xf32>,
      } {sc.loop_unroll_factor = 8 : i64, sc.parallel_access}
      %mul3A_110 = arith.constant 80 : i32
      %mul3A_111 = arith.muli %add3A_92, %mul3A_110 : i32
      %add3A_112 = arith.addi %mul3A_2, %mul3A_111 : i32
      %dma_start3A_113 = arith.constant 0 : i32
      %dma_start3A_114 = tpu.memref_slice %arg5[%add3A_112, %dma_start3A_113] : memref<320000x128xf32, #tpu.memory_space<hbm>> -> memref<80x128xf32, #tpu.memory_space<hbm>>
      %dma_start3A_115 = arith.constant 0 : i32
      %dma_start3A_116 = tpu.memref_slice %arg5[%add3A_112, %dma_start3A_115] : memref<320000x128xf32, #tpu.memory_space<hbm>> -> memref<80x128xf32, #tpu.memory_space<hbm>>
      tpu.enqueue_dma source(%arg15 : memref<80x128xf32, #tpu.memory_space<vmem>>) target(%dma_start3A_116 : memref<80x128xf32, #tpu.memory_space<hbm>>) target_semaphore(%arg25 : memref<!tpu.dma_semaphore, #tpu.memory_space<semaphore_mem>>)
      %add3A_117 = arith.constant 4 : i32
      %add3A_118 = arith.addi %add3A_92, %add3A_117 : i32
      %lt3A = arith.constant 125 : i32
      %lt3A_119 = arith.cmpi slt, %add3A_118, %lt3A : i32
      %convert_element_type3A_120 = arith.extui %lt3A_119 : i1 to i32
      %cond3A_121 = arith.constant 0 : i32
      %cond3A_122 = arith.cmpi ne, %convert_element_type3A_120, %cond3A_121 : i32
      scf.if %cond3A_122 {
        %add3A_237 = arith.constant 4 : i32
        %add3A_238 = arith.addi %add3A_92, %add3A_237 : i32
        %mul3A_239 = arith.constant 80 : i32
        %mul3A_240 = arith.muli %add3A_238, %mul3A_239 : i32
        %dma_start3A_241 = tpu.memref_slice %arg6[%mul3A_240] : memref<10000xi32, #tpu.memory_space<vmem>> -> memref<80xi32, #tpu.memory_space<vmem>>
        %dma_start3A_242 = arith.constant 0 : i32
        %dma_start3A_243 = arith.constant 0 : i32
        %dma_start3A_244 = tpu.memref_slice %arg2[%dma_start3A_242, %dma_start3A_243] : memref<10000x128xf32, #tpu.memory_space<hbm>> -> memref<10000x128xf32, #tpu.memory_space<hbm>>
        tpu.enqueue_indirect_dma source(%dma_start3A_244 : memref<10000x128xf32, #tpu.memory_space<hbm>>) target(%arg7 : memref<80x128xf32, #tpu.memory_space<vmem>>) offsets(%dma_start3A_241 : memref<80xi32, #tpu.memory_space<vmem>>) semaphore(%arg17 : memref<!tpu.dma_semaphore, #tpu.memory_space<semaphore_mem>>)
        %mul3A_245 = arith.constant 80 : i32
        %mul3A_246 = arith.muli %add3A_238, %mul3A_245 : i32
        %add3A_247 = arith.addi %mul3A_2, %mul3A_246 : i32
        %dma_start3A_248 = arith.constant 0 : i32
        %dma_start3A_249 = tpu.memref_slice %arg3[%add3A_247, %dma_start3A_248] : memref<320000x128xf32, #tpu.memory_space<hbm>> -> memref<80x128xf32, #tpu.memory_space<hbm>>
        %dma_start3A_250 = arith.constant 0 : i32
        %dma_start3A_251 = tpu.memref_slice %arg3[%add3A_247, %dma_start3A_250] : memref<320000x128xf32, #tpu.memory_space<hbm>> -> memref<80x128xf32, #tpu.memory_space<hbm>>
        tpu.enqueue_dma source(%dma_start3A_251 : memref<80x128xf32, #tpu.memory_space<hbm>>) target(%arg11 : memref<80x128xf32, #tpu.memory_space<vmem>>) target_semaphore(%arg21 : memref<!tpu.dma_semaphore, #tpu.memory_space<semaphore_mem>>)
      } else {
      }
      %mul3A_123 = arith.constant 4 : i32
      %mul3A_124 = arith.muli %mul3A_123, %scan3A_88 : i32
      %add3A_125 = arith.constant 1 : i32
      %add3A_126 = arith.addi %mul3A_124, %add3A_125 : i32
      %dma_wait3A_127 = arith.constant 0 : i32
      %dma_wait3A_128 = arith.constant 0 : i32
      %dma_wait3A_129 = tpu.memref_slice %arg3[%dma_wait3A_127, %dma_wait3A_128] : memref<320000x128xf32, #tpu.memory_space<hbm>> -> memref<80x128xf32, #tpu.memory_space<hbm>>
      %dma_wait3A_130 = arith.constant 0 : i32
      %dma_wait3A_131 = arith.constant 0 : i32
      %dma_wait3A_132 = tpu.memref_slice %arg3[%dma_wait3A_130, %dma_wait3A_131] : memref<320000x128xf32, #tpu.memory_space<hbm>> -> memref<80x128xf32, #tpu.memory_space<hbm>>
      tpu.wait_dma2 semaphore(%arg18 : memref<!tpu.dma_semaphore, #tpu.memory_space<semaphore_mem>>) src(%dma_wait3A_132 : memref<80x128xf32, #tpu.memory_space<hbm>>) dst(%arg8 : memref<80x128xf32, #tpu.memory_space<vmem>>)
      %dma_wait3A_133 = arith.constant 0 : i32
      %dma_wait3A_134 = arith.constant 0 : i32
      %dma_wait3A_135 = tpu.memref_slice %arg3[%dma_wait3A_133, %dma_wait3A_134] : memref<320000x128xf32, #tpu.memory_space<hbm>> -> memref<80x128xf32, #tpu.memory_space<hbm>>
      %dma_wait3A_136 = arith.constant 0 : i32
      %dma_wait3A_137 = arith.constant 0 : i32
      %dma_wait3A_138 = tpu.memref_slice %arg3[%dma_wait3A_136, %dma_wait3A_137] : memref<320000x128xf32, #tpu.memory_space<hbm>> -> memref<80x128xf32, #tpu.memory_space<hbm>>
      tpu.wait_dma2 semaphore(%arg22 : memref<!tpu.dma_semaphore, #tpu.memory_space<semaphore_mem>>) src(%dma_wait3A_138 : memref<80x128xf32, #tpu.memory_space<hbm>>) dst(%arg12 : memref<80x128xf32, #tpu.memory_space<vmem>>)
      %ge3A_139 = arith.constant 2 : i32
      %ge3A_140 = arith.cmpi sge, %add3A_126, %ge3A_139 : i32
      %convert_element_type3A_141 = arith.extui %ge3A_140 : i1 to i32
      %cond3A_142 = arith.constant 0 : i32
      %cond3A_143 = arith.cmpi ne, %convert_element_type3A_141, %cond3A_142 : i32
      scf.if %cond3A_143 {
        %dma_wait3A_237 = arith.constant 0 : i32
        %dma_wait3A_238 = arith.constant 0 : i32
        %dma_wait3A_239 = tpu.memref_slice %arg5[%dma_wait3A_237, %dma_wait3A_238] : memref<320000x128xf32, #tpu.memory_space<hbm>> -> memref<80x128xf32, #tpu.memory_space<hbm>>
        %dma_wait3A_240 = arith.constant 0 : i32
        %dma_wait3A_241 = arith.constant 0 : i32
        %dma_wait3A_242 = tpu.memref_slice %arg5[%dma_wait3A_240, %dma_wait3A_241] : memref<320000x128xf32, #tpu.memory_space<hbm>> -> memref<80x128xf32, #tpu.memory_space<hbm>>
        tpu.wait_dma2 semaphore(%arg26 : memref<!tpu.dma_semaphore, #tpu.memory_space<semaphore_mem>>) src(%arg16 : memref<80x128xf32, #tpu.memory_space<vmem>>) dst(%dma_wait3A_242 : memref<80x128xf32, #tpu.memory_space<hbm>>)
      } else {
      }
      %parallel_loop3A_144 = arith.constant 0 : i32
      %parallel_loop3A_145 = arith.constant 80 : i32
      %parallel_loop3A_146 = arith.constant 1 : i32
      scf.for %parallel_loop3A_237 = %parallel_loop3A_144 to %parallel_loop3A_145 step %parallel_loop3A_146  : i32 {
        %parallel_loop3A_238 = arith.index_cast %parallel_loop3A_237 : i32 to index
        %parallel_loop3A_239 = arith.constant 0 : index
        %parallel_loop3A_240 = tpu.vector_load %arg8[%parallel_loop3A_238, %parallel_loop3A_239] {strides = array<i32>} : memref<80x128xf32, #tpu.memory_space<vmem>>, vector<1x16xf32>,
        %parallel_loop3A_241 = vector.shape_cast %parallel_loop3A_240 : vector<1x16xf32> to vector<16xf32>
        %parallel_loop3A_242 = arith.index_cast %parallel_loop3A_237 : i32 to index
        %parallel_loop3A_243 = arith.constant 0 : index
        %parallel_loop3A_244 = tpu.vector_load %arg12[%parallel_loop3A_242, %parallel_loop3A_243] {strides = array<i32>} : memref<80x128xf32, #tpu.memory_space<vmem>>, vector<1x16xf32>,
        %parallel_loop3A_245 = vector.shape_cast %parallel_loop3A_244 : vector<1x16xf32> to vector<16xf32>
        %parallel_loop3A_246 = arith.mulf %parallel_loop3A_241, %parallel_loop3A_245 : vector<16xf32>
        %parallel_loop3A_247 = arith.index_cast %parallel_loop3A_237 : i32 to index
        %parallel_loop3A_248 = arith.constant 0 : index
        %parallel_loop3A_249 = tpu.vector_load %arg16[%parallel_loop3A_247, %parallel_loop3A_248] {strides = array<i32>} : memref<80x128xf32, #tpu.memory_space<vmem>>, vector<1x16xf32>,
        %parallel_loop3A_250 = vector.shape_cast %parallel_loop3A_249 : vector<1x16xf32> to vector<16xf32>
        %parallel_loop3A_251 = vector.shape_cast %parallel_loop3A_246 : vector<16xf32> to vector<1x16xf32>
        tpu.vector_store %arg16[%parallel_loop3A_247, %parallel_loop3A_248], %parallel_loop3A_251 {strides = array<i32>} : memref<80x128xf32, #tpu.memory_space<vmem>>, vector<1x16xf32>,
        %parallel_loop3A_252 = arith.index_cast %parallel_loop3A_237 : i32 to index
        %parallel_loop3A_253 = arith.constant 16 : index
        %parallel_loop3A_254 = tpu.vector_load %arg8[%parallel_loop3A_252, %parallel_loop3A_253] {strides = array<i32>} : memref<80x128xf32, #tpu.memory_space<vmem>>, vector<1x16xf32>,
        %parallel_loop3A_255 = vector.shape_cast %parallel_loop3A_254 : vector<1x16xf32> to vector<16xf32>
        %parallel_loop3A_256 = arith.index_cast %parallel_loop3A_237 : i32 to index
        %parallel_loop3A_257 = arith.constant 16 : index
        %parallel_loop3A_258 = tpu.vector_load %arg12[%parallel_loop3A_256, %parallel_loop3A_257] {strides = array<i32>} : memref<80x128xf32, #tpu.memory_space<vmem>>, vector<1x16xf32>,
        %parallel_loop3A_259 = vector.shape_cast %parallel_loop3A_258 : vector<1x16xf32> to vector<16xf32>
        %parallel_loop3A_260 = arith.mulf %parallel_loop3A_255, %parallel_loop3A_259 : vector<16xf32>
        %parallel_loop3A_261 = arith.index_cast %parallel_loop3A_237 : i32 to index
        %parallel_loop3A_262 = arith.constant 16 : index
        %parallel_loop3A_263 = tpu.vector_load %arg16[%parallel_loop3A_261, %parallel_loop3A_262] {strides = array<i32>} : memref<80x128xf32, #tpu.memory_space<vmem>>, vector<1x16xf32>,
        %parallel_loop3A_264 = vector.shape_cast %parallel_loop3A_263 : vector<1x16xf32> to vector<16xf32>
        %parallel_loop3A_265 = vector.shape_cast %parallel_loop3A_260 : vector<16xf32> to vector<1x16xf32>
        tpu.vector_store %arg16[%parallel_loop3A_261, %parallel_loop3A_262], %parallel_loop3A_265 {strides = array<i32>} : memref<80x128xf32, #tpu.memory_space<vmem>>, vector<1x16xf32>,
        %parallel_loop3A_266 = arith.index_cast %parallel_loop3A_237 : i32 to index
        %parallel_loop3A_267 = arith.constant 32 : index
        %parallel_loop3A_268 = tpu.vector_load %arg8[%parallel_loop3A_266, %parallel_loop3A_267] {strides = array<i32>} : memref<80x128xf32, #tpu.memory_space<vmem>>, vector<1x16xf32>,
        %parallel_loop3A_269 = vector.shape_cast %parallel_loop3A_268 : vector<1x16xf32> to vector<16xf32>
        %parallel_loop3A_270 = arith.index_cast %parallel_loop3A_237 : i32 to index
        %parallel_loop3A_271 = arith.constant 32 : index
        %parallel_loop3A_272 = tpu.vector_load %arg12[%parallel_loop3A_270, %parallel_loop3A_271] {strides = array<i32>} : memref<80x128xf32, #tpu.memory_space<vmem>>, vector<1x16xf32>,
        %parallel_loop3A_273 = vector.shape_cast %parallel_loop3A_272 : vector<1x16xf32> to vector<16xf32>
        %parallel_loop3A_274 = arith.mulf %parallel_loop3A_269, %parallel_loop3A_273 : vector<16xf32>
        %parallel_loop3A_275 = arith.index_cast %parallel_loop3A_237 : i32 to index
        %parallel_loop3A_276 = arith.constant 32 : index
        %parallel_loop3A_277 = tpu.vector_load %arg16[%parallel_loop3A_275, %parallel_loop3A_276] {strides = array<i32>} : memref<80x128xf32, #tpu.memory_space<vmem>>, vector<1x16xf32>,
        %parallel_loop3A_278 = vector.shape_cast %parallel_loop3A_277 : vector<1x16xf32> to vector<16xf32>
        %parallel_loop3A_279 = vector.shape_cast %parallel_loop3A_274 : vector<16xf32> to vector<1x16xf32>
        tpu.vector_store %arg16[%parallel_loop3A_275, %parallel_loop3A_276], %parallel_loop3A_279 {strides = array<i32>} : memref<80x128xf32, #tpu.memory_space<vmem>>, vector<1x16xf32>,
        %parallel_loop3A_280 = arith.index_cast %parallel_loop3A_237 : i32 to index
        %parallel_loop3A_281 = arith.constant 48 : index
        %parallel_loop3A_282 = tpu.vector_load %arg8[%parallel_loop3A_280, %parallel_loop3A_281] {strides = array<i32>} : memref<80x128xf32, #tpu.memory_space<vmem>>, vector<1x16xf32>,
        %parallel_loop3A_283 = vector.shape_cast %parallel_loop3A_282 : vector<1x16xf32> to vector<16xf32>
        %parallel_loop3A_284 = arith.index_cast %parallel_loop3A_237 : i32 to index
        %parallel_loop3A_285 = arith.constant 48 : index
        %parallel_loop3A_286 = tpu.vector_load %arg12[%parallel_loop3A_284, %parallel_loop3A_285] {strides = array<i32>} : memref<80x128xf32, #tpu.memory_space<vmem>>, vector<1x16xf32>,
        %parallel_loop3A_287 = vector.shape_cast %parallel_loop3A_286 : vector<1x16xf32> to vector<16xf32>
        %parallel_loop3A_288 = arith.mulf %parallel_loop3A_283, %parallel_loop3A_287 : vector<16xf32>
        %parallel_loop3A_289 = arith.index_cast %parallel_loop3A_237 : i32 to index
        %parallel_loop3A_290 = arith.constant 48 : index
        %parallel_loop3A_291 = tpu.vector_load %arg16[%parallel_loop3A_289, %parallel_loop3A_290] {strides = array<i32>} : memref<80x128xf32, #tpu.memory_space<vmem>>, vector<1x16xf32>,
        %parallel_loop3A_292 = vector.shape_cast %parallel_loop3A_291 : vector<1x16xf32> to vector<16xf32>
        %parallel_loop3A_293 = vector.shape_cast %parallel_loop3A_288 : vector<16xf32> to vector<1x16xf32>
        tpu.vector_store %arg16[%parallel_loop3A_289, %parallel_loop3A_290], %parallel_loop3A_293 {strides = array<i32>} : memref<80x128xf32, #tpu.memory_space<vmem>>, vector<1x16xf32>,
        %parallel_loop3A_294 = arith.index_cast %parallel_loop3A_237 : i32 to index
        %parallel_loop3A_295 = arith.constant 64 : index
        %parallel_loop3A_296 = tpu.vector_load %arg8[%parallel_loop3A_294, %parallel_loop3A_295] {strides = array<i32>} : memref<80x128xf32, #tpu.memory_space<vmem>>, vector<1x16xf32>,
        %parallel_loop3A_297 = vector.shape_cast %parallel_loop3A_296 : vector<1x16xf32> to vector<16xf32>
        %parallel_loop3A_298 = arith.index_cast %parallel_loop3A_237 : i32 to index
        %parallel_loop3A_299 = arith.constant 64 : index
        %parallel_loop3A_300 = tpu.vector_load %arg12[%parallel_loop3A_298, %parallel_loop3A_299] {strides = array<i32>} : memref<80x128xf32, #tpu.memory_space<vmem>>, vector<1x16xf32>,
        %parallel_loop3A_301 = vector.shape_cast %parallel_loop3A_300 : vector<1x16xf32> to vector<16xf32>
        %parallel_loop3A_302 = arith.mulf %parallel_loop3A_297, %parallel_loop3A_301 : vector<16xf32>
        %parallel_loop3A_303 = arith.index_cast %parallel_loop3A_237 : i32 to index
        %parallel_loop3A_304 = arith.constant 64 : index
        %parallel_loop3A_305 = tpu.vector_load %arg16[%parallel_loop3A_303, %parallel_loop3A_304] {strides = array<i32>} : memref<80x128xf32, #tpu.memory_space<vmem>>, vector<1x16xf32>,
        %parallel_loop3A_306 = vector.shape_cast %parallel_loop3A_305 : vector<1x16xf32> to vector<16xf32>
        %parallel_loop3A_307 = vector.shape_cast %parallel_loop3A_302 : vector<16xf32> to vector<1x16xf32>
        tpu.vector_store %arg16[%parallel_loop3A_303, %parallel_loop3A_304], %parallel_loop3A_307 {strides = array<i32>} : memref<80x128xf32, #tpu.memory_space<vmem>>, vector<1x16xf32>,
        %parallel_loop3A_308 = arith.index_cast %parallel_loop3A_237 : i32 to index
        %parallel_loop3A_309 = arith.constant 80 : index
        %parallel_loop3A_310 = tpu.vector_load %arg8[%parallel_loop3A_308, %parallel_loop3A_309] {strides = array<i32>} : memref<80x128xf32, #tpu.memory_space<vmem>>, vector<1x16xf32>,
        %parallel_loop3A_311 = vector.shape_cast %parallel_loop3A_310 : vector<1x16xf32> to vector<16xf32>
        %parallel_loop3A_312 = arith.index_cast %parallel_loop3A_237 : i32 to index
        %parallel_loop3A_313 = arith.constant 80 : index
        %parallel_loop3A_314 = tpu.vector_load %arg12[%parallel_loop3A_312, %parallel_loop3A_313] {strides = array<i32>} : memref<80x128xf32, #tpu.memory_space<vmem>>, vector<1x16xf32>,
        %parallel_loop3A_315 = vector.shape_cast %parallel_loop3A_314 : vector<1x16xf32> to vector<16xf32>
        %parallel_loop3A_316 = arith.mulf %parallel_loop3A_311, %parallel_loop3A_315 : vector<16xf32>
        %parallel_loop3A_317 = arith.index_cast %parallel_loop3A_237 : i32 to index
        %parallel_loop3A_318 = arith.constant 80 : index
        %parallel_loop3A_319 = tpu.vector_load %arg16[%parallel_loop3A_317, %parallel_loop3A_318] {strides = array<i32>} : memref<80x128xf32, #tpu.memory_space<vmem>>, vector<1x16xf32>,
        %parallel_loop3A_320 = vector.shape_cast %parallel_loop3A_319 : vector<1x16xf32> to vector<16xf32>
        %parallel_loop3A_321 = vector.shape_cast %parallel_loop3A_316 : vector<16xf32> to vector<1x16xf32>
        tpu.vector_store %arg16[%parallel_loop3A_317, %parallel_loop3A_318], %parallel_loop3A_321 {strides = array<i32>} : memref<80x128xf32, #tpu.memory_space<vmem>>, vector<1x16xf32>,
        %parallel_loop3A_322 = arith.index_cast %parallel_loop3A_237 : i32 to index
        %parallel_loop3A_323 = arith.constant 96 : index
        %parallel_loop3A_324 = tpu.vector_load %arg8[%parallel_loop3A_322, %parallel_loop3A_323] {strides = array<i32>} : memref<80x128xf32, #tpu.memory_space<vmem>>, vector<1x16xf32>,
        %parallel_loop3A_325 = vector.shape_cast %parallel_loop3A_324 : vector<1x16xf32> to vector<16xf32>
        %parallel_loop3A_326 = arith.index_cast %parallel_loop3A_237 : i32 to index
        %parallel_loop3A_327 = arith.constant 96 : index
        %parallel_loop3A_328 = tpu.vector_load %arg12[%parallel_loop3A_326, %parallel_loop3A_327] {strides = array<i32>} : memref<80x128xf32, #tpu.memory_space<vmem>>, vector<1x16xf32>,
        %parallel_loop3A_329 = vector.shape_cast %parallel_loop3A_328 : vector<1x16xf32> to vector<16xf32>
        %parallel_loop3A_330 = arith.mulf %parallel_loop3A_325, %parallel_loop3A_329 : vector<16xf32>
        %parallel_loop3A_331 = arith.index_cast %parallel_loop3A_237 : i32 to index
        %parallel_loop3A_332 = arith.constant 96 : index
        %parallel_loop3A_333 = tpu.vector_load %arg16[%parallel_loop3A_331, %parallel_loop3A_332] {strides = array<i32>} : memref<80x128xf32, #tpu.memory_space<vmem>>, vector<1x16xf32>,
        %parallel_loop3A_334 = vector.shape_cast %parallel_loop3A_333 : vector<1x16xf32> to vector<16xf32>
        %parallel_loop3A_335 = vector.shape_cast %parallel_loop3A_330 : vector<16xf32> to vector<1x16xf32>
        tpu.vector_store %arg16[%parallel_loop3A_331, %parallel_loop3A_332], %parallel_loop3A_335 {strides = array<i32>} : memref<80x128xf32, #tpu.memory_space<vmem>>, vector<1x16xf32>,
        %parallel_loop3A_336 = arith.index_cast %parallel_loop3A_237 : i32 to index
        %parallel_loop3A_337 = arith.constant 112 : index
        %parallel_loop3A_338 = tpu.vector_load %arg8[%parallel_loop3A_336, %parallel_loop3A_337] {strides = array<i32>} : memref<80x128xf32, #tpu.memory_space<vmem>>, vector<1x16xf32>,
        %parallel_loop3A_339 = vector.shape_cast %parallel_loop3A_338 : vector<1x16xf32> to vector<16xf32>
        %parallel_loop3A_340 = arith.index_cast %parallel_loop3A_237 : i32 to index
        %parallel_loop3A_341 = arith.constant 112 : index
        %parallel_loop3A_342 = tpu.vector_load %arg12[%parallel_loop3A_340, %parallel_loop3A_341] {strides = array<i32>} : memref<80x128xf32, #tpu.memory_space<vmem>>, vector<1x16xf32>,
        %parallel_loop3A_343 = vector.shape_cast %parallel_loop3A_342 : vector<1x16xf32> to vector<16xf32>
        %parallel_loop3A_344 = arith.mulf %parallel_loop3A_339, %parallel_loop3A_343 : vector<16xf32>
        %parallel_loop3A_345 = arith.index_cast %parallel_loop3A_237 : i32 to index
        %parallel_loop3A_346 = arith.constant 112 : index
        %parallel_loop3A_347 = tpu.vector_load %arg16[%parallel_loop3A_345, %parallel_loop3A_346] {strides = array<i32>} : memref<80x128xf32, #tpu.memory_space<vmem>>, vector<1x16xf32>,
        %parallel_loop3A_348 = vector.shape_cast %parallel_loop3A_347 : vector<1x16xf32> to vector<16xf32>
        %parallel_loop3A_349 = vector.shape_cast %parallel_loop3A_344 : vector<16xf32> to vector<1x16xf32>
        tpu.vector_store %arg16[%parallel_loop3A_345, %parallel_loop3A_346], %parallel_loop3A_349 {strides = array<i32>} : memref<80x128xf32, #tpu.memory_space<vmem>>, vector<1x16xf32>,
      } {sc.loop_unroll_factor = 8 : i64, sc.parallel_access}
      %mul3A_147 = arith.constant 80 : i32
      %mul3A_148 = arith.muli %add3A_126, %mul3A_147 : i32
      %add3A_149 = arith.addi %mul3A_2, %mul3A_148 : i32
      %dma_start3A_150 = arith.constant 0 : i32
      %dma_start3A_151 = tpu.memref_slice %arg5[%add3A_149, %dma_start3A_150] : memref<320000x128xf32, #tpu.memory_space<hbm>> -> memref<80x128xf32, #tpu.memory_space<hbm>>
      %dma_start3A_152 = arith.constant 0 : i32
      %dma_start3A_153 = tpu.memref_slice %arg5[%add3A_149, %dma_start3A_152] : memref<320000x128xf32, #tpu.memory_space<hbm>> -> memref<80x128xf32, #tpu.memory_space<hbm>>
      tpu.enqueue_dma source(%arg16 : memref<80x128xf32, #tpu.memory_space<vmem>>) target(%dma_start3A_153 : memref<80x128xf32, #tpu.memory_space<hbm>>) target_semaphore(%arg26 : memref<!tpu.dma_semaphore, #tpu.memory_space<semaphore_mem>>)
      %add3A_154 = arith.constant 4 : i32
      %add3A_155 = arith.addi %add3A_126, %add3A_154 : i32
      %lt3A_156 = arith.constant 125 : i32
      %lt3A_157 = arith.cmpi slt, %add3A_155, %lt3A_156 : i32
      %convert_element_type3A_158 = arith.extui %lt3A_157 : i1 to i32
      %cond3A_159 = arith.constant 0 : i32
      %cond3A_160 = arith.cmpi ne, %convert_element_type3A_158, %cond3A_159 : i32
      scf.if %cond3A_160 {
        %add3A_237 = arith.constant 4 : i32
        %add3A_238 = arith.addi %add3A_126, %add3A_237 : i32
        %mul3A_239 = arith.constant 80 : i32
        %mul3A_240 = arith.muli %add3A_238, %mul3A_239 : i32
        %dma_start3A_241 = tpu.memref_slice %arg6[%mul3A_240] : memref<10000xi32, #tpu.memory_space<vmem>> -> memref<80xi32, #tpu.memory_space<vmem>>
        %dma_start3A_242 = arith.constant 0 : i32
        %dma_start3A_243 = arith.constant 0 : i32
        %dma_start3A_244 = tpu.memref_slice %arg2[%dma_start3A_242, %dma_start3A_243] : memref<10000x128xf32, #tpu.memory_space<hbm>> -> memref<10000x128xf32, #tpu.memory_space<hbm>>
        tpu.enqueue_indirect_dma source(%dma_start3A_244 : memref<10000x128xf32, #tpu.memory_space<hbm>>) target(%arg8 : memref<80x128xf32, #tpu.memory_space<vmem>>) offsets(%dma_start3A_241 : memref<80xi32, #tpu.memory_space<vmem>>) semaphore(%arg18 : memref<!tpu.dma_semaphore, #tpu.memory_space<semaphore_mem>>)
        %mul3A_245 = arith.constant 80 : i32
        %mul3A_246 = arith.muli %add3A_238, %mul3A_245 : i32
        %add3A_247 = arith.addi %mul3A_2, %mul3A_246 : i32
        %dma_start3A_248 = arith.constant 0 : i32
        %dma_start3A_249 = tpu.memref_slice %arg3[%add3A_247, %dma_start3A_248] : memref<320000x128xf32, #tpu.memory_space<hbm>> -> memref<80x128xf32, #tpu.memory_space<hbm>>
        %dma_start3A_250 = arith.constant 0 : i32
        %dma_start3A_251 = tpu.memref_slice %arg3[%add3A_247, %dma_start3A_250] : memref<320000x128xf32, #tpu.memory_space<hbm>> -> memref<80x128xf32, #tpu.memory_space<hbm>>
        tpu.enqueue_dma source(%dma_start3A_251 : memref<80x128xf32, #tpu.memory_space<hbm>>) target(%arg12 : memref<80x128xf32, #tpu.memory_space<vmem>>) target_semaphore(%arg22 : memref<!tpu.dma_semaphore, #tpu.memory_space<semaphore_mem>>)
      } else {
      }
      %mul3A_161 = arith.constant 4 : i32
      %mul3A_162 = arith.muli %mul3A_161, %scan3A_88 : i32
      %add3A_163 = arith.constant 2 : i32
      %add3A_164 = arith.addi %mul3A_162, %add3A_163 : i32
      %dma_wait3A_165 = arith.constant 0 : i32
      %dma_wait3A_166 = arith.constant 0 : i32
      %dma_wait3A_167 = tpu.memref_slice %arg3[%dma_wait3A_165, %dma_wait3A_166] : memref<320000x128xf32, #tpu.memory_space<hbm>> -> memref<80x128xf32, #tpu.memory_space<hbm>>
      %dma_wait3A_168 = arith.constant 0 : i32
      %dma_wait3A_169 = arith.constant 0 : i32
      %dma_wait3A_170 = tpu.memref_slice %arg3[%dma_wait3A_168, %dma_wait3A_169] : memref<320000x128xf32, #tpu.memory_space<hbm>> -> memref<80x128xf32, #tpu.memory_space<hbm>>
      tpu.wait_dma2 semaphore(%arg19 : memref<!tpu.dma_semaphore, #tpu.memory_space<semaphore_mem>>) src(%dma_wait3A_170 : memref<80x128xf32, #tpu.memory_space<hbm>>) dst(%arg9 : memref<80x128xf32, #tpu.memory_space<vmem>>)
      %dma_wait3A_171 = arith.constant 0 : i32
      %dma_wait3A_172 = arith.constant 0 : i32
      %dma_wait3A_173 = tpu.memref_slice %arg3[%dma_wait3A_171, %dma_wait3A_172] : memref<320000x128xf32, #tpu.memory_space<hbm>> -> memref<80x128xf32, #tpu.memory_space<hbm>>
      %dma_wait3A_174 = arith.constant 0 : i32
      %dma_wait3A_175 = arith.constant 0 : i32
      %dma_wait3A_176 = tpu.memref_slice %arg3[%dma_wait3A_174, %dma_wait3A_175] : memref<320000x128xf32, #tpu.memory_space<hbm>> -> memref<80x128xf32, #tpu.memory_space<hbm>>
      tpu.wait_dma2 semaphore(%arg23 : memref<!tpu.dma_semaphore, #tpu.memory_space<semaphore_mem>>) src(%dma_wait3A_176 : memref<80x128xf32, #tpu.memory_space<hbm>>) dst(%arg13 : memref<80x128xf32, #tpu.memory_space<vmem>>)
      %ge3A_177 = arith.constant 2 : i32
      %ge3A_178 = arith.cmpi sge, %add3A_164, %ge3A_177 : i32
      %convert_element_type3A_179 = arith.extui %ge3A_178 : i1 to i32
      %cond3A_180 = arith.constant 0 : i32
      %cond3A_181 = arith.cmpi ne, %convert_element_type3A_179, %cond3A_180 : i32
      scf.if %cond3A_181 {
        %dma_wait3A_237 = arith.constant 0 : i32
        %dma_wait3A_238 = arith.constant 0 : i32
        %dma_wait3A_239 = tpu.memref_slice %arg5[%dma_wait3A_237, %dma_wait3A_238] : memref<320000x128xf32, #tpu.memory_space<hbm>> -> memref<80x128xf32, #tpu.memory_space<hbm>>
        %dma_wait3A_240 = arith.constant 0 : i32
        %dma_wait3A_241 = arith.constant 0 : i32
        %dma_wait3A_242 = tpu.memref_slice %arg5[%dma_wait3A_240, %dma_wait3A_241] : memref<320000x128xf32, #tpu.memory_space<hbm>> -> memref<80x128xf32, #tpu.memory_space<hbm>>
        tpu.wait_dma2 semaphore(%arg25 : memref<!tpu.dma_semaphore, #tpu.memory_space<semaphore_mem>>) src(%arg15 : memref<80x128xf32, #tpu.memory_space<vmem>>) dst(%dma_wait3A_242 : memref<80x128xf32, #tpu.memory_space<hbm>>)
      } else {
      }
      %parallel_loop3A_182 = arith.constant 0 : i32
      %parallel_loop3A_183 = arith.constant 80 : i32
      %parallel_loop3A_184 = arith.constant 1 : i32
      scf.for %parallel_loop3A_237 = %parallel_loop3A_182 to %parallel_loop3A_183 step %parallel_loop3A_184  : i32 {
        %parallel_loop3A_238 = arith.index_cast %parallel_loop3A_237 : i32 to index
        %parallel_loop3A_239 = arith.constant 0 : index
        %parallel_loop3A_240 = tpu.vector_load %arg9[%parallel_loop3A_238, %parallel_loop3A_239] {strides = array<i32>} : memref<80x128xf32, #tpu.memory_space<vmem>>, vector<1x16xf32>,
        %parallel_loop3A_241 = vector.shape_cast %parallel_loop3A_240 : vector<1x16xf32> to vector<16xf32>
        %parallel_loop3A_242 = arith.index_cast %parallel_loop3A_237 : i32 to index
        %parallel_loop3A_243 = arith.constant 0 : index
        %parallel_loop3A_244 = tpu.vector_load %arg13[%parallel_loop3A_242, %parallel_loop3A_243] {strides = array<i32>} : memref<80x128xf32, #tpu.memory_space<vmem>>, vector<1x16xf32>,
        %parallel_loop3A_245 = vector.shape_cast %parallel_loop3A_244 : vector<1x16xf32> to vector<16xf32>
        %parallel_loop3A_246 = arith.mulf %parallel_loop3A_241, %parallel_loop3A_245 : vector<16xf32>
        %parallel_loop3A_247 = arith.index_cast %parallel_loop3A_237 : i32 to index
        %parallel_loop3A_248 = arith.constant 0 : index
        %parallel_loop3A_249 = tpu.vector_load %arg15[%parallel_loop3A_247, %parallel_loop3A_248] {strides = array<i32>} : memref<80x128xf32, #tpu.memory_space<vmem>>, vector<1x16xf32>,
        %parallel_loop3A_250 = vector.shape_cast %parallel_loop3A_249 : vector<1x16xf32> to vector<16xf32>
        %parallel_loop3A_251 = vector.shape_cast %parallel_loop3A_246 : vector<16xf32> to vector<1x16xf32>
        tpu.vector_store %arg15[%parallel_loop3A_247, %parallel_loop3A_248], %parallel_loop3A_251 {strides = array<i32>} : memref<80x128xf32, #tpu.memory_space<vmem>>, vector<1x16xf32>,
        %parallel_loop3A_252 = arith.index_cast %parallel_loop3A_237 : i32 to index
        %parallel_loop3A_253 = arith.constant 16 : index
        %parallel_loop3A_254 = tpu.vector_load %arg9[%parallel_loop3A_252, %parallel_loop3A_253] {strides = array<i32>} : memref<80x128xf32, #tpu.memory_space<vmem>>, vector<1x16xf32>,
        %parallel_loop3A_255 = vector.shape_cast %parallel_loop3A_254 : vector<1x16xf32> to vector<16xf32>
        %parallel_loop3A_256 = arith.index_cast %parallel_loop3A_237 : i32 to index
        %parallel_loop3A_257 = arith.constant 16 : index
        %parallel_loop3A_258 = tpu.vector_load %arg13[%parallel_loop3A_256, %parallel_loop3A_257] {strides = array<i32>} : memref<80x128xf32, #tpu.memory_space<vmem>>, vector<1x16xf32>,
        %parallel_loop3A_259 = vector.shape_cast %parallel_loop3A_258 : vector<1x16xf32> to vector<16xf32>
        %parallel_loop3A_260 = arith.mulf %parallel_loop3A_255, %parallel_loop3A_259 : vector<16xf32>
        %parallel_loop3A_261 = arith.index_cast %parallel_loop3A_237 : i32 to index
        %parallel_loop3A_262 = arith.constant 16 : index
        %parallel_loop3A_263 = tpu.vector_load %arg15[%parallel_loop3A_261, %parallel_loop3A_262] {strides = array<i32>} : memref<80x128xf32, #tpu.memory_space<vmem>>, vector<1x16xf32>,
        %parallel_loop3A_264 = vector.shape_cast %parallel_loop3A_263 : vector<1x16xf32> to vector<16xf32>
        %parallel_loop3A_265 = vector.shape_cast %parallel_loop3A_260 : vector<16xf32> to vector<1x16xf32>
        tpu.vector_store %arg15[%parallel_loop3A_261, %parallel_loop3A_262], %parallel_loop3A_265 {strides = array<i32>} : memref<80x128xf32, #tpu.memory_space<vmem>>, vector<1x16xf32>,
        %parallel_loop3A_266 = arith.index_cast %parallel_loop3A_237 : i32 to index
        %parallel_loop3A_267 = arith.constant 32 : index
        %parallel_loop3A_268 = tpu.vector_load %arg9[%parallel_loop3A_266, %parallel_loop3A_267] {strides = array<i32>} : memref<80x128xf32, #tpu.memory_space<vmem>>, vector<1x16xf32>,
        %parallel_loop3A_269 = vector.shape_cast %parallel_loop3A_268 : vector<1x16xf32> to vector<16xf32>
        %parallel_loop3A_270 = arith.index_cast %parallel_loop3A_237 : i32 to index
        %parallel_loop3A_271 = arith.constant 32 : index
        %parallel_loop3A_272 = tpu.vector_load %arg13[%parallel_loop3A_270, %parallel_loop3A_271] {strides = array<i32>} : memref<80x128xf32, #tpu.memory_space<vmem>>, vector<1x16xf32>,
        %parallel_loop3A_273 = vector.shape_cast %parallel_loop3A_272 : vector<1x16xf32> to vector<16xf32>
        %parallel_loop3A_274 = arith.mulf %parallel_loop3A_269, %parallel_loop3A_273 : vector<16xf32>
        %parallel_loop3A_275 = arith.index_cast %parallel_loop3A_237 : i32 to index
        %parallel_loop3A_276 = arith.constant 32 : index
        %parallel_loop3A_277 = tpu.vector_load %arg15[%parallel_loop3A_275, %parallel_loop3A_276] {strides = array<i32>} : memref<80x128xf32, #tpu.memory_space<vmem>>, vector<1x16xf32>,
        %parallel_loop3A_278 = vector.shape_cast %parallel_loop3A_277 : vector<1x16xf32> to vector<16xf32>
        %parallel_loop3A_279 = vector.shape_cast %parallel_loop3A_274 : vector<16xf32> to vector<1x16xf32>
        tpu.vector_store %arg15[%parallel_loop3A_275, %parallel_loop3A_276], %parallel_loop3A_279 {strides = array<i32>} : memref<80x128xf32, #tpu.memory_space<vmem>>, vector<1x16xf32>,
        %parallel_loop3A_280 = arith.index_cast %parallel_loop3A_237 : i32 to index
        %parallel_loop3A_281 = arith.constant 48 : index
        %parallel_loop3A_282 = tpu.vector_load %arg9[%parallel_loop3A_280, %parallel_loop3A_281] {strides = array<i32>} : memref<80x128xf32, #tpu.memory_space<vmem>>, vector<1x16xf32>,
        %parallel_loop3A_283 = vector.shape_cast %parallel_loop3A_282 : vector<1x16xf32> to vector<16xf32>
        %parallel_loop3A_284 = arith.index_cast %parallel_loop3A_237 : i32 to index
        %parallel_loop3A_285 = arith.constant 48 : index
        %parallel_loop3A_286 = tpu.vector_load %arg13[%parallel_loop3A_284, %parallel_loop3A_285] {strides = array<i32>} : memref<80x128xf32, #tpu.memory_space<vmem>>, vector<1x16xf32>,
        %parallel_loop3A_287 = vector.shape_cast %parallel_loop3A_286 : vector<1x16xf32> to vector<16xf32>
        %parallel_loop3A_288 = arith.mulf %parallel_loop3A_283, %parallel_loop3A_287 : vector<16xf32>
        %parallel_loop3A_289 = arith.index_cast %parallel_loop3A_237 : i32 to index
        %parallel_loop3A_290 = arith.constant 48 : index
        %parallel_loop3A_291 = tpu.vector_load %arg15[%parallel_loop3A_289, %parallel_loop3A_290] {strides = array<i32>} : memref<80x128xf32, #tpu.memory_space<vmem>>, vector<1x16xf32>,
        %parallel_loop3A_292 = vector.shape_cast %parallel_loop3A_291 : vector<1x16xf32> to vector<16xf32>
        %parallel_loop3A_293 = vector.shape_cast %parallel_loop3A_288 : vector<16xf32> to vector<1x16xf32>
        tpu.vector_store %arg15[%parallel_loop3A_289, %parallel_loop3A_290], %parallel_loop3A_293 {strides = array<i32>} : memref<80x128xf32, #tpu.memory_space<vmem>>, vector<1x16xf32>,
        %parallel_loop3A_294 = arith.index_cast %parallel_loop3A_237 : i32 to index
        %parallel_loop3A_295 = arith.constant 64 : index
        %parallel_loop3A_296 = tpu.vector_load %arg9[%parallel_loop3A_294, %parallel_loop3A_295] {strides = array<i32>} : memref<80x128xf32, #tpu.memory_space<vmem>>, vector<1x16xf32>,
        %parallel_loop3A_297 = vector.shape_cast %parallel_loop3A_296 : vector<1x16xf32> to vector<16xf32>
        %parallel_loop3A_298 = arith.index_cast %parallel_loop3A_237 : i32 to index
        %parallel_loop3A_299 = arith.constant 64 : index
        %parallel_loop3A_300 = tpu.vector_load %arg13[%parallel_loop3A_298, %parallel_loop3A_299] {strides = array<i32>} : memref<80x128xf32, #tpu.memory_space<vmem>>, vector<1x16xf32>,
        %parallel_loop3A_301 = vector.shape_cast %parallel_loop3A_300 : vector<1x16xf32> to vector<16xf32>
        %parallel_loop3A_302 = arith.mulf %parallel_loop3A_297, %parallel_loop3A_301 : vector<16xf32>
        %parallel_loop3A_303 = arith.index_cast %parallel_loop3A_237 : i32 to index
        %parallel_loop3A_304 = arith.constant 64 : index
        %parallel_loop3A_305 = tpu.vector_load %arg15[%parallel_loop3A_303, %parallel_loop3A_304] {strides = array<i32>} : memref<80x128xf32, #tpu.memory_space<vmem>>, vector<1x16xf32>,
        %parallel_loop3A_306 = vector.shape_cast %parallel_loop3A_305 : vector<1x16xf32> to vector<16xf32>
        %parallel_loop3A_307 = vector.shape_cast %parallel_loop3A_302 : vector<16xf32> to vector<1x16xf32>
        tpu.vector_store %arg15[%parallel_loop3A_303, %parallel_loop3A_304], %parallel_loop3A_307 {strides = array<i32>} : memref<80x128xf32, #tpu.memory_space<vmem>>, vector<1x16xf32>,
        %parallel_loop3A_308 = arith.index_cast %parallel_loop3A_237 : i32 to index
        %parallel_loop3A_309 = arith.constant 80 : index
        %parallel_loop3A_310 = tpu.vector_load %arg9[%parallel_loop3A_308, %parallel_loop3A_309] {strides = array<i32>} : memref<80x128xf32, #tpu.memory_space<vmem>>, vector<1x16xf32>,
        %parallel_loop3A_311 = vector.shape_cast %parallel_loop3A_310 : vector<1x16xf32> to vector<16xf32>
        %parallel_loop3A_312 = arith.index_cast %parallel_loop3A_237 : i32 to index
        %parallel_loop3A_313 = arith.constant 80 : index
        %parallel_loop3A_314 = tpu.vector_load %arg13[%parallel_loop3A_312, %parallel_loop3A_313] {strides = array<i32>} : memref<80x128xf32, #tpu.memory_space<vmem>>, vector<1x16xf32>,
        %parallel_loop3A_315 = vector.shape_cast %parallel_loop3A_314 : vector<1x16xf32> to vector<16xf32>
        %parallel_loop3A_316 = arith.mulf %parallel_loop3A_311, %parallel_loop3A_315 : vector<16xf32>
        %parallel_loop3A_317 = arith.index_cast %parallel_loop3A_237 : i32 to index
        %parallel_loop3A_318 = arith.constant 80 : index
        %parallel_loop3A_319 = tpu.vector_load %arg15[%parallel_loop3A_317, %parallel_loop3A_318] {strides = array<i32>} : memref<80x128xf32, #tpu.memory_space<vmem>>, vector<1x16xf32>,
        %parallel_loop3A_320 = vector.shape_cast %parallel_loop3A_319 : vector<1x16xf32> to vector<16xf32>
        %parallel_loop3A_321 = vector.shape_cast %parallel_loop3A_316 : vector<16xf32> to vector<1x16xf32>
        tpu.vector_store %arg15[%parallel_loop3A_317, %parallel_loop3A_318], %parallel_loop3A_321 {strides = array<i32>} : memref<80x128xf32, #tpu.memory_space<vmem>>, vector<1x16xf32>,
        %parallel_loop3A_322 = arith.index_cast %parallel_loop3A_237 : i32 to index
        %parallel_loop3A_323 = arith.constant 96 : index
        %parallel_loop3A_324 = tpu.vector_load %arg9[%parallel_loop3A_322, %parallel_loop3A_323] {strides = array<i32>} : memref<80x128xf32, #tpu.memory_space<vmem>>, vector<1x16xf32>,
        %parallel_loop3A_325 = vector.shape_cast %parallel_loop3A_324 : vector<1x16xf32> to vector<16xf32>
        %parallel_loop3A_326 = arith.index_cast %parallel_loop3A_237 : i32 to index
        %parallel_loop3A_327 = arith.constant 96 : index
        %parallel_loop3A_328 = tpu.vector_load %arg13[%parallel_loop3A_326, %parallel_loop3A_327] {strides = array<i32>} : memref<80x128xf32, #tpu.memory_space<vmem>>, vector<1x16xf32>,
        %parallel_loop3A_329 = vector.shape_cast %parallel_loop3A_328 : vector<1x16xf32> to vector<16xf32>
        %parallel_loop3A_330 = arith.mulf %parallel_loop3A_325, %parallel_loop3A_329 : vector<16xf32>
        %parallel_loop3A_331 = arith.index_cast %parallel_loop3A_237 : i32 to index
        %parallel_loop3A_332 = arith.constant 96 : index
        %parallel_loop3A_333 = tpu.vector_load %arg15[%parallel_loop3A_331, %parallel_loop3A_332] {strides = array<i32>} : memref<80x128xf32, #tpu.memory_space<vmem>>, vector<1x16xf32>,
        %parallel_loop3A_334 = vector.shape_cast %parallel_loop3A_333 : vector<1x16xf32> to vector<16xf32>
        %parallel_loop3A_335 = vector.shape_cast %parallel_loop3A_330 : vector<16xf32> to vector<1x16xf32>
        tpu.vector_store %arg15[%parallel_loop3A_331, %parallel_loop3A_332], %parallel_loop3A_335 {strides = array<i32>} : memref<80x128xf32, #tpu.memory_space<vmem>>, vector<1x16xf32>,
        %parallel_loop3A_336 = arith.index_cast %parallel_loop3A_237 : i32 to index
        %parallel_loop3A_337 = arith.constant 112 : index
        %parallel_loop3A_338 = tpu.vector_load %arg9[%parallel_loop3A_336, %parallel_loop3A_337] {strides = array<i32>} : memref<80x128xf32, #tpu.memory_space<vmem>>, vector<1x16xf32>,
        %parallel_loop3A_339 = vector.shape_cast %parallel_loop3A_338 : vector<1x16xf32> to vector<16xf32>
        %parallel_loop3A_340 = arith.index_cast %parallel_loop3A_237 : i32 to index
        %parallel_loop3A_341 = arith.constant 112 : index
        %parallel_loop3A_342 = tpu.vector_load %arg13[%parallel_loop3A_340, %parallel_loop3A_341] {strides = array<i32>} : memref<80x128xf32, #tpu.memory_space<vmem>>, vector<1x16xf32>,
        %parallel_loop3A_343 = vector.shape_cast %parallel_loop3A_342 : vector<1x16xf32> to vector<16xf32>
        %parallel_loop3A_344 = arith.mulf %parallel_loop3A_339, %parallel_loop3A_343 : vector<16xf32>
        %parallel_loop3A_345 = arith.index_cast %parallel_loop3A_237 : i32 to index
        %parallel_loop3A_346 = arith.constant 112 : index
        %parallel_loop3A_347 = tpu.vector_load %arg15[%parallel_loop3A_345, %parallel_loop3A_346] {strides = array<i32>} : memref<80x128xf32, #tpu.memory_space<vmem>>, vector<1x16xf32>,
        %parallel_loop3A_348 = vector.shape_cast %parallel_loop3A_347 : vector<1x16xf32> to vector<16xf32>
        %parallel_loop3A_349 = vector.shape_cast %parallel_loop3A_344 : vector<16xf32> to vector<1x16xf32>
        tpu.vector_store %arg15[%parallel_loop3A_345, %parallel_loop3A_346], %parallel_loop3A_349 {strides = array<i32>} : memref<80x128xf32, #tpu.memory_space<vmem>>, vector<1x16xf32>,
      } {sc.loop_unroll_factor = 8 : i64, sc.parallel_access}
      %mul3A_185 = arith.constant 80 : i32
      %mul3A_186 = arith.muli %add3A_164, %mul3A_185 : i32
      %add3A_187 = arith.addi %mul3A_2, %mul3A_186 : i32
      %dma_start3A_188 = arith.constant 0 : i32
      %dma_start3A_189 = tpu.memref_slice %arg5[%add3A_187, %dma_start3A_188] : memref<320000x128xf32, #tpu.memory_space<hbm>> -> memref<80x128xf32, #tpu.memory_space<hbm>>
      %dma_start3A_190 = arith.constant 0 : i32
      %dma_start3A_191 = tpu.memref_slice %arg5[%add3A_187, %dma_start3A_190] : memref<320000x128xf32, #tpu.memory_space<hbm>> -> memref<80x128xf32, #tpu.memory_space<hbm>>
      tpu.enqueue_dma source(%arg15 : memref<80x128xf32, #tpu.memory_space<vmem>>) target(%dma_start3A_191 : memref<80x128xf32, #tpu.memory_space<hbm>>) target_semaphore(%arg25 : memref<!tpu.dma_semaphore, #tpu.memory_space<semaphore_mem>>)
      %add3A_192 = arith.constant 4 : i32
      %add3A_193 = arith.addi %add3A_164, %add3A_192 : i32
      %lt3A_194 = arith.constant 125 : i32
      %lt3A_195 = arith.cmpi slt, %add3A_193, %lt3A_194 : i32
      %convert_element_type3A_196 = arith.extui %lt3A_195 : i1 to i32
      %cond3A_197 = arith.constant 0 : i32
      %cond3A_198 = arith.cmpi ne, %convert_element_type3A_196, %cond3A_197 : i32
      scf.if %cond3A_198 {
        %add3A_237 = arith.constant 4 : i32
        %add3A_238 = arith.addi %add3A_164, %add3A_237 : i32
        %mul3A_239 = arith.constant 80 : i32
        %mul3A_240 = arith.muli %add3A_238, %mul3A_239 : i32
        %dma_start3A_241 = tpu.memref_slice %arg6[%mul3A_240] : memref<10000xi32, #tpu.memory_space<vmem>> -> memref<80xi32, #tpu.memory_space<vmem>>
        %dma_start3A_242 = arith.constant 0 : i32
        %dma_start3A_243 = arith.constant 0 : i32
        %dma_start3A_244 = tpu.memref_slice %arg2[%dma_start3A_242, %dma_start3A_243] : memref<10000x128xf32, #tpu.memory_space<hbm>> -> memref<10000x128xf32, #tpu.memory_space<hbm>>
        tpu.enqueue_indirect_dma source(%dma_start3A_244 : memref<10000x128xf32, #tpu.memory_space<hbm>>) target(%arg9 : memref<80x128xf32, #tpu.memory_space<vmem>>) offsets(%dma_start3A_241 : memref<80xi32, #tpu.memory_space<vmem>>) semaphore(%arg19 : memref<!tpu.dma_semaphore, #tpu.memory_space<semaphore_mem>>)
        %mul3A_245 = arith.constant 80 : i32
        %mul3A_246 = arith.muli %add3A_238, %mul3A_245 : i32
        %add3A_247 = arith.addi %mul3A_2, %mul3A_246 : i32
        %dma_start3A_248 = arith.constant 0 : i32
        %dma_start3A_249 = tpu.memref_slice %arg3[%add3A_247, %dma_start3A_248] : memref<320000x128xf32, #tpu.memory_space<hbm>> -> memref<80x128xf32, #tpu.memory_space<hbm>>
        %dma_start3A_250 = arith.constant 0 : i32
        %dma_start3A_251 = tpu.memref_slice %arg3[%add3A_247, %dma_start3A_250] : memref<320000x128xf32, #tpu.memory_space<hbm>> -> memref<80x128xf32, #tpu.memory_space<hbm>>
        tpu.enqueue_dma source(%dma_start3A_251 : memref<80x128xf32, #tpu.memory_space<hbm>>) target(%arg13 : memref<80x128xf32, #tpu.memory_space<vmem>>) target_semaphore(%arg23 : memref<!tpu.dma_semaphore, #tpu.memory_space<semaphore_mem>>)
      } else {
      }
      %mul3A_199 = arith.constant 4 : i32
      %mul3A_200 = arith.muli %mul3A_199, %scan3A_88 : i32
      %add3A_201 = arith.constant 3 : i32
      %add3A_202 = arith.addi %mul3A_200, %add3A_201 : i32
      %dma_wait3A_203 = arith.constant 0 : i32
      %dma_wait3A_204 = arith.constant 0 : i32
      %dma_wait3A_205 = tpu.memref_slice %arg3[%dma_wait3A_203, %dma_wait3A_204] : memref<320000x128xf32, #tpu.memory_space<hbm>> -> memref<80x128xf32, #tpu.memory_space<hbm>>
      %dma_wait3A_206 = arith.constant 0 : i32
      %dma_wait3A_207 = arith.constant 0 : i32
      %dma_wait3A_208 = tpu.memref_slice %arg3[%dma_wait3A_206, %dma_wait3A_207] : memref<320000x128xf32, #tpu.memory_space<hbm>> -> memref<80x128xf32, #tpu.memory_space<hbm>>
      tpu.wait_dma2 semaphore(%arg20 : memref<!tpu.dma_semaphore, #tpu.memory_space<semaphore_mem>>) src(%dma_wait3A_208 : memref<80x128xf32, #tpu.memory_space<hbm>>) dst(%arg10 : memref<80x128xf32, #tpu.memory_space<vmem>>)
      %dma_wait3A_209 = arith.constant 0 : i32
      %dma_wait3A_210 = arith.constant 0 : i32
      %dma_wait3A_211 = tpu.memref_slice %arg3[%dma_wait3A_209, %dma_wait3A_210] : memref<320000x128xf32, #tpu.memory_space<hbm>> -> memref<80x128xf32, #tpu.memory_space<hbm>>
      %dma_wait3A_212 = arith.constant 0 : i32
      %dma_wait3A_213 = arith.constant 0 : i32
      %dma_wait3A_214 = tpu.memref_slice %arg3[%dma_wait3A_212, %dma_wait3A_213] : memref<320000x128xf32, #tpu.memory_space<hbm>> -> memref<80x128xf32, #tpu.memory_space<hbm>>
      tpu.wait_dma2 semaphore(%arg24 : memref<!tpu.dma_semaphore, #tpu.memory_space<semaphore_mem>>) src(%dma_wait3A_214 : memref<80x128xf32, #tpu.memory_space<hbm>>) dst(%arg14 : memref<80x128xf32, #tpu.memory_space<vmem>>)
      %ge3A_215 = arith.constant 2 : i32
      %ge3A_216 = arith.cmpi sge, %add3A_202, %ge3A_215 : i32
      %convert_element_type3A_217 = arith.extui %ge3A_216 : i1 to i32
      %cond3A_218 = arith.constant 0 : i32
      %cond3A_219 = arith.cmpi ne, %convert_element_type3A_217, %cond3A_218 : i32
      scf.if %cond3A_219 {
        %dma_wait3A_237 = arith.constant 0 : i32
        %dma_wait3A_238 = arith.constant 0 : i32
        %dma_wait3A_239 = tpu.memref_slice %arg5[%dma_wait3A_237, %dma_wait3A_238] : memref<320000x128xf32, #tpu.memory_space<hbm>> -> memref<80x128xf32, #tpu.memory_space<hbm>>
        %dma_wait3A_240 = arith.constant 0 : i32
        %dma_wait3A_241 = arith.constant 0 : i32
        %dma_wait3A_242 = tpu.memref_slice %arg5[%dma_wait3A_240, %dma_wait3A_241] : memref<320000x128xf32, #tpu.memory_space<hbm>> -> memref<80x128xf32, #tpu.memory_space<hbm>>
        tpu.wait_dma2 semaphore(%arg26 : memref<!tpu.dma_semaphore, #tpu.memory_space<semaphore_mem>>) src(%arg16 : memref<80x128xf32, #tpu.memory_space<vmem>>) dst(%dma_wait3A_242 : memref<80x128xf32, #tpu.memory_space<hbm>>)
      } else {
      }
      %parallel_loop3A_220 = arith.constant 0 : i32
      %parallel_loop3A_221 = arith.constant 80 : i32
      %parallel_loop3A_222 = arith.constant 1 : i32
      scf.for %parallel_loop3A_237 = %parallel_loop3A_220 to %parallel_loop3A_221 step %parallel_loop3A_222  : i32 {
        %parallel_loop3A_238 = arith.index_cast %parallel_loop3A_237 : i32 to index
        %parallel_loop3A_239 = arith.constant 0 : index
        %parallel_loop3A_240 = tpu.vector_load %arg10[%parallel_loop3A_238, %parallel_loop3A_239] {strides = array<i32>} : memref<80x128xf32, #tpu.memory_space<vmem>>, vector<1x16xf32>,
        %parallel_loop3A_241 = vector.shape_cast %parallel_loop3A_240 : vector<1x16xf32> to vector<16xf32>
        %parallel_loop3A_242 = arith.index_cast %parallel_loop3A_237 : i32 to index
        %parallel_loop3A_243 = arith.constant 0 : index
        %parallel_loop3A_244 = tpu.vector_load %arg14[%parallel_loop3A_242, %parallel_loop3A_243] {strides = array<i32>} : memref<80x128xf32, #tpu.memory_space<vmem>>, vector<1x16xf32>,
        %parallel_loop3A_245 = vector.shape_cast %parallel_loop3A_244 : vector<1x16xf32> to vector<16xf32>
        %parallel_loop3A_246 = arith.mulf %parallel_loop3A_241, %parallel_loop3A_245 : vector<16xf32>
        %parallel_loop3A_247 = arith.index_cast %parallel_loop3A_237 : i32 to index
        %parallel_loop3A_248 = arith.constant 0 : index
        %parallel_loop3A_249 = tpu.vector_load %arg16[%parallel_loop3A_247, %parallel_loop3A_248] {strides = array<i32>} : memref<80x128xf32, #tpu.memory_space<vmem>>, vector<1x16xf32>,
        %parallel_loop3A_250 = vector.shape_cast %parallel_loop3A_249 : vector<1x16xf32> to vector<16xf32>
        %parallel_loop3A_251 = vector.shape_cast %parallel_loop3A_246 : vector<16xf32> to vector<1x16xf32>
        tpu.vector_store %arg16[%parallel_loop3A_247, %parallel_loop3A_248], %parallel_loop3A_251 {strides = array<i32>} : memref<80x128xf32, #tpu.memory_space<vmem>>, vector<1x16xf32>,
        %parallel_loop3A_252 = arith.index_cast %parallel_loop3A_237 : i32 to index
        %parallel_loop3A_253 = arith.constant 16 : index
        %parallel_loop3A_254 = tpu.vector_load %arg10[%parallel_loop3A_252, %parallel_loop3A_253] {strides = array<i32>} : memref<80x128xf32, #tpu.memory_space<vmem>>, vector<1x16xf32>,
        %parallel_loop3A_255 = vector.shape_cast %parallel_loop3A_254 : vector<1x16xf32> to vector<16xf32>
        %parallel_loop3A_256 = arith.index_cast %parallel_loop3A_237 : i32 to index
        %parallel_loop3A_257 = arith.constant 16 : index
        %parallel_loop3A_258 = tpu.vector_load %arg14[%parallel_loop3A_256, %parallel_loop3A_257] {strides = array<i32>} : memref<80x128xf32, #tpu.memory_space<vmem>>, vector<1x16xf32>,
        %parallel_loop3A_259 = vector.shape_cast %parallel_loop3A_258 : vector<1x16xf32> to vector<16xf32>
        %parallel_loop3A_260 = arith.mulf %parallel_loop3A_255, %parallel_loop3A_259 : vector<16xf32>
        %parallel_loop3A_261 = arith.index_cast %parallel_loop3A_237 : i32 to index
        %parallel_loop3A_262 = arith.constant 16 : index
        %parallel_loop3A_263 = tpu.vector_load %arg16[%parallel_loop3A_261, %parallel_loop3A_262] {strides = array<i32>} : memref<80x128xf32, #tpu.memory_space<vmem>>, vector<1x16xf32>,
        %parallel_loop3A_264 = vector.shape_cast %parallel_loop3A_263 : vector<1x16xf32> to vector<16xf32>
        %parallel_loop3A_265 = vector.shape_cast %parallel_loop3A_260 : vector<16xf32> to vector<1x16xf32>
        tpu.vector_store %arg16[%parallel_loop3A_261, %parallel_loop3A_262], %parallel_loop3A_265 {strides = array<i32>} : memref<80x128xf32, #tpu.memory_space<vmem>>, vector<1x16xf32>,
        %parallel_loop3A_266 = arith.index_cast %parallel_loop3A_237 : i32 to index
        %parallel_loop3A_267 = arith.constant 32 : index
        %parallel_loop3A_268 = tpu.vector_load %arg10[%parallel_loop3A_266, %parallel_loop3A_267] {strides = array<i32>} : memref<80x128xf32, #tpu.memory_space<vmem>>, vector<1x16xf32>,
        %parallel_loop3A_269 = vector.shape_cast %parallel_loop3A_268 : vector<1x16xf32> to vector<16xf32>
        %parallel_loop3A_270 = arith.index_cast %parallel_loop3A_237 : i32 to index
        %parallel_loop3A_271 = arith.constant 32 : index
        %parallel_loop3A_272 = tpu.vector_load %arg14[%parallel_loop3A_270, %parallel_loop3A_271] {strides = array<i32>} : memref<80x128xf32, #tpu.memory_space<vmem>>, vector<1x16xf32>,
        %parallel_loop3A_273 = vector.shape_cast %parallel_loop3A_272 : vector<1x16xf32> to vector<16xf32>
        %parallel_loop3A_274 = arith.mulf %parallel_loop3A_269, %parallel_loop3A_273 : vector<16xf32>
        %parallel_loop3A_275 = arith.index_cast %parallel_loop3A_237 : i32 to index
        %parallel_loop3A_276 = arith.constant 32 : index
        %parallel_loop3A_277 = tpu.vector_load %arg16[%parallel_loop3A_275, %parallel_loop3A_276] {strides = array<i32>} : memref<80x128xf32, #tpu.memory_space<vmem>>, vector<1x16xf32>,
        %parallel_loop3A_278 = vector.shape_cast %parallel_loop3A_277 : vector<1x16xf32> to vector<16xf32>
        %parallel_loop3A_279 = vector.shape_cast %parallel_loop3A_274 : vector<16xf32> to vector<1x16xf32>
        tpu.vector_store %arg16[%parallel_loop3A_275, %parallel_loop3A_276], %parallel_loop3A_279 {strides = array<i32>} : memref<80x128xf32, #tpu.memory_space<vmem>>, vector<1x16xf32>,
        %parallel_loop3A_280 = arith.index_cast %parallel_loop3A_237 : i32 to index
        %parallel_loop3A_281 = arith.constant 48 : index
        %parallel_loop3A_282 = tpu.vector_load %arg10[%parallel_loop3A_280, %parallel_loop3A_281] {strides = array<i32>} : memref<80x128xf32, #tpu.memory_space<vmem>>, vector<1x16xf32>,
        %parallel_loop3A_283 = vector.shape_cast %parallel_loop3A_282 : vector<1x16xf32> to vector<16xf32>
        %parallel_loop3A_284 = arith.index_cast %parallel_loop3A_237 : i32 to index
        %parallel_loop3A_285 = arith.constant 48 : index
        %parallel_loop3A_286 = tpu.vector_load %arg14[%parallel_loop3A_284, %parallel_loop3A_285] {strides = array<i32>} : memref<80x128xf32, #tpu.memory_space<vmem>>, vector<1x16xf32>,
        %parallel_loop3A_287 = vector.shape_cast %parallel_loop3A_286 : vector<1x16xf32> to vector<16xf32>
        %parallel_loop3A_288 = arith.mulf %parallel_loop3A_283, %parallel_loop3A_287 : vector<16xf32>
        %parallel_loop3A_289 = arith.index_cast %parallel_loop3A_237 : i32 to index
        %parallel_loop3A_290 = arith.constant 48 : index
        %parallel_loop3A_291 = tpu.vector_load %arg16[%parallel_loop3A_289, %parallel_loop3A_290] {strides = array<i32>} : memref<80x128xf32, #tpu.memory_space<vmem>>, vector<1x16xf32>,
        %parallel_loop3A_292 = vector.shape_cast %parallel_loop3A_291 : vector<1x16xf32> to vector<16xf32>
        %parallel_loop3A_293 = vector.shape_cast %parallel_loop3A_288 : vector<16xf32> to vector<1x16xf32>
        tpu.vector_store %arg16[%parallel_loop3A_289, %parallel_loop3A_290], %parallel_loop3A_293 {strides = array<i32>} : memref<80x128xf32, #tpu.memory_space<vmem>>, vector<1x16xf32>,
        %parallel_loop3A_294 = arith.index_cast %parallel_loop3A_237 : i32 to index
        %parallel_loop3A_295 = arith.constant 64 : index
        %parallel_loop3A_296 = tpu.vector_load %arg10[%parallel_loop3A_294, %parallel_loop3A_295] {strides = array<i32>} : memref<80x128xf32, #tpu.memory_space<vmem>>, vector<1x16xf32>,
        %parallel_loop3A_297 = vector.shape_cast %parallel_loop3A_296 : vector<1x16xf32> to vector<16xf32>
        %parallel_loop3A_298 = arith.index_cast %parallel_loop3A_237 : i32 to index
        %parallel_loop3A_299 = arith.constant 64 : index
        %parallel_loop3A_300 = tpu.vector_load %arg14[%parallel_loop3A_298, %parallel_loop3A_299] {strides = array<i32>} : memref<80x128xf32, #tpu.memory_space<vmem>>, vector<1x16xf32>,
        %parallel_loop3A_301 = vector.shape_cast %parallel_loop3A_300 : vector<1x16xf32> to vector<16xf32>
        %parallel_loop3A_302 = arith.mulf %parallel_loop3A_297, %parallel_loop3A_301 : vector<16xf32>
        %parallel_loop3A_303 = arith.index_cast %parallel_loop3A_237 : i32 to index
        %parallel_loop3A_304 = arith.constant 64 : index
        %parallel_loop3A_305 = tpu.vector_load %arg16[%parallel_loop3A_303, %parallel_loop3A_304] {strides = array<i32>} : memref<80x128xf32, #tpu.memory_space<vmem>>, vector<1x16xf32>,
        %parallel_loop3A_306 = vector.shape_cast %parallel_loop3A_305 : vector<1x16xf32> to vector<16xf32>
        %parallel_loop3A_307 = vector.shape_cast %parallel_loop3A_302 : vector<16xf32> to vector<1x16xf32>
        tpu.vector_store %arg16[%parallel_loop3A_303, %parallel_loop3A_304], %parallel_loop3A_307 {strides = array<i32>} : memref<80x128xf32, #tpu.memory_space<vmem>>, vector<1x16xf32>,
        %parallel_loop3A_308 = arith.index_cast %parallel_loop3A_237 : i32 to index
        %parallel_loop3A_309 = arith.constant 80 : index
        %parallel_loop3A_310 = tpu.vector_load %arg10[%parallel_loop3A_308, %parallel_loop3A_309] {strides = array<i32>} : memref<80x128xf32, #tpu.memory_space<vmem>>, vector<1x16xf32>,
        %parallel_loop3A_311 = vector.shape_cast %parallel_loop3A_310 : vector<1x16xf32> to vector<16xf32>
        %parallel_loop3A_312 = arith.index_cast %parallel_loop3A_237 : i32 to index
        %parallel_loop3A_313 = arith.constant 80 : index
        %parallel_loop3A_314 = tpu.vector_load %arg14[%parallel_loop3A_312, %parallel_loop3A_313] {strides = array<i32>} : memref<80x128xf32, #tpu.memory_space<vmem>>, vector<1x16xf32>,
        %parallel_loop3A_315 = vector.shape_cast %parallel_loop3A_314 : vector<1x16xf32> to vector<16xf32>
        %parallel_loop3A_316 = arith.mulf %parallel_loop3A_311, %parallel_loop3A_315 : vector<16xf32>
        %parallel_loop3A_317 = arith.index_cast %parallel_loop3A_237 : i32 to index
        %parallel_loop3A_318 = arith.constant 80 : index
        %parallel_loop3A_319 = tpu.vector_load %arg16[%parallel_loop3A_317, %parallel_loop3A_318] {strides = array<i32>} : memref<80x128xf32, #tpu.memory_space<vmem>>, vector<1x16xf32>,
        %parallel_loop3A_320 = vector.shape_cast %parallel_loop3A_319 : vector<1x16xf32> to vector<16xf32>
        %parallel_loop3A_321 = vector.shape_cast %parallel_loop3A_316 : vector<16xf32> to vector<1x16xf32>
        tpu.vector_store %arg16[%parallel_loop3A_317, %parallel_loop3A_318], %parallel_loop3A_321 {strides = array<i32>} : memref<80x128xf32, #tpu.memory_space<vmem>>, vector<1x16xf32>,
        %parallel_loop3A_322 = arith.index_cast %parallel_loop3A_237 : i32 to index
        %parallel_loop3A_323 = arith.constant 96 : index
        %parallel_loop3A_324 = tpu.vector_load %arg10[%parallel_loop3A_322, %parallel_loop3A_323] {strides = array<i32>} : memref<80x128xf32, #tpu.memory_space<vmem>>, vector<1x16xf32>,
        %parallel_loop3A_325 = vector.shape_cast %parallel_loop3A_324 : vector<1x16xf32> to vector<16xf32>
        %parallel_loop3A_326 = arith.index_cast %parallel_loop3A_237 : i32 to index
        %parallel_loop3A_327 = arith.constant 96 : index
        %parallel_loop3A_328 = tpu.vector_load %arg14[%parallel_loop3A_326, %parallel_loop3A_327] {strides = array<i32>} : memref<80x128xf32, #tpu.memory_space<vmem>>, vector<1x16xf32>,
        %parallel_loop3A_329 = vector.shape_cast %parallel_loop3A_328 : vector<1x16xf32> to vector<16xf32>
        %parallel_loop3A_330 = arith.mulf %parallel_loop3A_325, %parallel_loop3A_329 : vector<16xf32>
        %parallel_loop3A_331 = arith.index_cast %parallel_loop3A_237 : i32 to index
        %parallel_loop3A_332 = arith.constant 96 : index
        %parallel_loop3A_333 = tpu.vector_load %arg16[%parallel_loop3A_331, %parallel_loop3A_332] {strides = array<i32>} : memref<80x128xf32, #tpu.memory_space<vmem>>, vector<1x16xf32>,
        %parallel_loop3A_334 = vector.shape_cast %parallel_loop3A_333 : vector<1x16xf32> to vector<16xf32>
        %parallel_loop3A_335 = vector.shape_cast %parallel_loop3A_330 : vector<16xf32> to vector<1x16xf32>
        tpu.vector_store %arg16[%parallel_loop3A_331, %parallel_loop3A_332], %parallel_loop3A_335 {strides = array<i32>} : memref<80x128xf32, #tpu.memory_space<vmem>>, vector<1x16xf32>,
        %parallel_loop3A_336 = arith.index_cast %parallel_loop3A_237 : i32 to index
        %parallel_loop3A_337 = arith.constant 112 : index
        %parallel_loop3A_338 = tpu.vector_load %arg10[%parallel_loop3A_336, %parallel_loop3A_337] {strides = array<i32>} : memref<80x128xf32, #tpu.memory_space<vmem>>, vector<1x16xf32>,
        %parallel_loop3A_339 = vector.shape_cast %parallel_loop3A_338 : vector<1x16xf32> to vector<16xf32>
        %parallel_loop3A_340 = arith.index_cast %parallel_loop3A_237 : i32 to index
        %parallel_loop3A_341 = arith.constant 112 : index
        %parallel_loop3A_342 = tpu.vector_load %arg14[%parallel_loop3A_340, %parallel_loop3A_341] {strides = array<i32>} : memref<80x128xf32, #tpu.memory_space<vmem>>, vector<1x16xf32>,
        %parallel_loop3A_343 = vector.shape_cast %parallel_loop3A_342 : vector<1x16xf32> to vector<16xf32>
        %parallel_loop3A_344 = arith.mulf %parallel_loop3A_339, %parallel_loop3A_343 : vector<16xf32>
        %parallel_loop3A_345 = arith.index_cast %parallel_loop3A_237 : i32 to index
        %parallel_loop3A_346 = arith.constant 112 : index
        %parallel_loop3A_347 = tpu.vector_load %arg16[%parallel_loop3A_345, %parallel_loop3A_346] {strides = array<i32>} : memref<80x128xf32, #tpu.memory_space<vmem>>, vector<1x16xf32>,
        %parallel_loop3A_348 = vector.shape_cast %parallel_loop3A_347 : vector<1x16xf32> to vector<16xf32>
        %parallel_loop3A_349 = vector.shape_cast %parallel_loop3A_344 : vector<16xf32> to vector<1x16xf32>
        tpu.vector_store %arg16[%parallel_loop3A_345, %parallel_loop3A_346], %parallel_loop3A_349 {strides = array<i32>} : memref<80x128xf32, #tpu.memory_space<vmem>>, vector<1x16xf32>,
      } {sc.loop_unroll_factor = 8 : i64, sc.parallel_access}
      %mul3A_223 = arith.constant 80 : i32
      %mul3A_224 = arith.muli %add3A_202, %mul3A_223 : i32
      %add3A_225 = arith.addi %mul3A_2, %mul3A_224 : i32
      %dma_start3A_226 = arith.constant 0 : i32
      %dma_start3A_227 = tpu.memref_slice %arg5[%add3A_225, %dma_start3A_226] : memref<320000x128xf32, #tpu.memory_space<hbm>> -> memref<80x128xf32, #tpu.memory_space<hbm>>
      %dma_start3A_228 = arith.constant 0 : i32
      %dma_start3A_229 = tpu.memref_slice %arg5[%add3A_225, %dma_start3A_228] : memref<320000x128xf32, #tpu.memory_space<hbm>> -> memref<80x128xf32, #tpu.memory_space<hbm>>
      tpu.enqueue_dma source(%arg16 : memref<80x128xf32, #tpu.memory_space<vmem>>) target(%dma_start3A_229 : memref<80x128xf32, #tpu.memory_space<hbm>>) target_semaphore(%arg26 : memref<!tpu.dma_semaphore, #tpu.memory_space<semaphore_mem>>)
      %add3A_230 = arith.constant 4 : i32
      %add3A_231 = arith.addi %add3A_202, %add3A_230 : i32
      %lt3A_232 = arith.constant 125 : i32
      %lt3A_233 = arith.cmpi slt, %add3A_231, %lt3A_232 : i32
      %convert_element_type3A_234 = arith.extui %lt3A_233 : i1 to i32
      %cond3A_235 = arith.constant 0 : i32
      %cond3A_236 = arith.cmpi ne, %convert_element_type3A_234, %cond3A_235 : i32
      scf.if %cond3A_236 {
        %add3A_237 = arith.constant 4 : i32
        %add3A_238 = arith.addi %add3A_202, %add3A_237 : i32
        %mul3A_239 = arith.constant 80 : i32
        %mul3A_240 = arith.muli %add3A_238, %mul3A_239 : i32
        %dma_start3A_241 = tpu.memref_slice %arg6[%mul3A_240] : memref<10000xi32, #tpu.memory_space<vmem>> -> memref<80xi32, #tpu.memory_space<vmem>>
        %dma_start3A_242 = arith.constant 0 : i32
        %dma_start3A_243 = arith.constant 0 : i32
        %dma_start3A_244 = tpu.memref_slice %arg2[%dma_start3A_242, %dma_start3A_243] : memref<10000x128xf32, #tpu.memory_space<hbm>> -> memref<10000x128xf32, #tpu.memory_space<hbm>>
        tpu.enqueue_indirect_dma source(%dma_start3A_244 : memref<10000x128xf32, #tpu.memory_space<hbm>>) target(%arg10 : memref<80x128xf32, #tpu.memory_space<vmem>>) offsets(%dma_start3A_241 : memref<80xi32, #tpu.memory_space<vmem>>) semaphore(%arg20 : memref<!tpu.dma_semaphore, #tpu.memory_space<semaphore_mem>>)
        %mul3A_245 = arith.constant 80 : i32
        %mul3A_246 = arith.muli %add3A_238, %mul3A_245 : i32
        %add3A_247 = arith.addi %mul3A_2, %mul3A_246 : i32
        %dma_start3A_248 = arith.constant 0 : i32
        %dma_start3A_249 = tpu.memref_slice %arg3[%add3A_247, %dma_start3A_248] : memref<320000x128xf32, #tpu.memory_space<hbm>> -> memref<80x128xf32, #tpu.memory_space<hbm>>
        %dma_start3A_250 = arith.constant 0 : i32
        %dma_start3A_251 = tpu.memref_slice %arg3[%add3A_247, %dma_start3A_250] : memref<320000x128xf32, #tpu.memory_space<hbm>> -> memref<80x128xf32, #tpu.memory_space<hbm>>
        tpu.enqueue_dma source(%dma_start3A_251 : memref<80x128xf32, #tpu.memory_space<hbm>>) target(%arg14 : memref<80x128xf32, #tpu.memory_space<vmem>>) target_semaphore(%arg24 : memref<!tpu.dma_semaphore, #tpu.memory_space<semaphore_mem>>)
      } else {
      }
    }
    %scan3A_50 = arith.constant 31 : i32
    %dma_wait3A = arith.constant 0 : i32
    %dma_wait3A_51 = arith.constant 0 : i32
    %dma_wait3A_52 = tpu.memref_slice %arg3[%dma_wait3A, %dma_wait3A_51] : memref<320000x128xf32, #tpu.memory_space<hbm>> -> memref<80x128xf32, #tpu.memory_space<hbm>>
    %dma_wait3A_53 = arith.constant 0 : i32
    %dma_wait3A_54 = arith.constant 0 : i32
    %dma_wait3A_55 = tpu.memref_slice %arg3[%dma_wait3A_53, %dma_wait3A_54] : memref<320000x128xf32, #tpu.memory_space<hbm>> -> memref<80x128xf32, #tpu.memory_space<hbm>>
    tpu.wait_dma2 semaphore(%arg17 : memref<!tpu.dma_semaphore, #tpu.memory_space<semaphore_mem>>) src(%dma_wait3A_55 : memref<80x128xf32, #tpu.memory_space<hbm>>) dst(%arg7 : memref<80x128xf32, #tpu.memory_space<vmem>>)
    %dma_wait3A_56 = arith.constant 0 : i32
    %dma_wait3A_57 = arith.constant 0 : i32
    %dma_wait3A_58 = tpu.memref_slice %arg3[%dma_wait3A_56, %dma_wait3A_57] : memref<320000x128xf32, #tpu.memory_space<hbm>> -> memref<80x128xf32, #tpu.memory_space<hbm>>
    %dma_wait3A_59 = arith.constant 0 : i32
    %dma_wait3A_60 = arith.constant 0 : i32
    %dma_wait3A_61 = tpu.memref_slice %arg3[%dma_wait3A_59, %dma_wait3A_60] : memref<320000x128xf32, #tpu.memory_space<hbm>> -> memref<80x128xf32, #tpu.memory_space<hbm>>
    tpu.wait_dma2 semaphore(%arg21 : memref<!tpu.dma_semaphore, #tpu.memory_space<semaphore_mem>>) src(%dma_wait3A_61 : memref<80x128xf32, #tpu.memory_space<hbm>>) dst(%arg11 : memref<80x128xf32, #tpu.memory_space<vmem>>)
    %dma_wait3A_62 = arith.constant 0 : i32
    %dma_wait3A_63 = arith.constant 0 : i32
    %dma_wait3A_64 = tpu.memref_slice %arg5[%dma_wait3A_62, %dma_wait3A_63] : memref<320000x128xf32, #tpu.memory_space<hbm>> -> memref<80x128xf32, #tpu.memory_space<hbm>>
    %dma_wait3A_65 = arith.constant 0 : i32
    %dma_wait3A_66 = arith.constant 0 : i32
    %dma_wait3A_67 = tpu.memref_slice %arg5[%dma_wait3A_65, %dma_wait3A_66] : memref<320000x128xf32, #tpu.memory_space<hbm>> -> memref<80x128xf32, #tpu.memory_space<hbm>>
    tpu.wait_dma2 semaphore(%arg25 : memref<!tpu.dma_semaphore, #tpu.memory_space<semaphore_mem>>) src(%arg15 : memref<80x128xf32, #tpu.memory_space<vmem>>) dst(%dma_wait3A_67 : memref<80x128xf32, #tpu.memory_space<hbm>>)
    %parallel_loop3A = arith.constant 0 : i32
    %parallel_loop3A_68 = arith.constant 80 : i32
    %parallel_loop3A_69 = arith.constant 1 : i32
    scf.for %parallel_loop3A_88 = %parallel_loop3A to %parallel_loop3A_68 step %parallel_loop3A_69  : i32 {
      %parallel_loop3A_89 = arith.index_cast %parallel_loop3A_88 : i32 to index
      %parallel_loop3A_90 = arith.constant 0 : index
      %parallel_loop3A_91 = tpu.vector_load %arg7[%parallel_loop3A_89, %parallel_loop3A_90] {strides = array<i32>} : memref<80x128xf32, #tpu.memory_space<vmem>>, vector<1x16xf32>,
      %parallel_loop3A_92 = vector.shape_cast %parallel_loop3A_91 : vector<1x16xf32> to vector<16xf32>
      %parallel_loop3A_93 = arith.index_cast %parallel_loop3A_88 : i32 to index
      %parallel_loop3A_94 = arith.constant 0 : index
      %parallel_loop3A_95 = tpu.vector_load %arg11[%parallel_loop3A_93, %parallel_loop3A_94] {strides = array<i32>} : memref<80x128xf32, #tpu.memory_space<vmem>>, vector<1x16xf32>,
      %parallel_loop3A_96 = vector.shape_cast %parallel_loop3A_95 : vector<1x16xf32> to vector<16xf32>
      %parallel_loop3A_97 = arith.mulf %parallel_loop3A_92, %parallel_loop3A_96 : vector<16xf32>
      %parallel_loop3A_98 = arith.index_cast %parallel_loop3A_88 : i32 to index
      %parallel_loop3A_99 = arith.constant 0 : index
      %parallel_loop3A_100 = tpu.vector_load %arg15[%parallel_loop3A_98, %parallel_loop3A_99] {strides = array<i32>} : memref<80x128xf32, #tpu.memory_space<vmem>>, vector<1x16xf32>,
      %parallel_loop3A_101 = vector.shape_cast %parallel_loop3A_100 : vector<1x16xf32> to vector<16xf32>
      %parallel_loop3A_102 = vector.shape_cast %parallel_loop3A_97 : vector<16xf32> to vector<1x16xf32>
      tpu.vector_store %arg15[%parallel_loop3A_98, %parallel_loop3A_99], %parallel_loop3A_102 {strides = array<i32>} : memref<80x128xf32, #tpu.memory_space<vmem>>, vector<1x16xf32>,
      %parallel_loop3A_103 = arith.index_cast %parallel_loop3A_88 : i32 to index
      %parallel_loop3A_104 = arith.constant 16 : index
      %parallel_loop3A_105 = tpu.vector_load %arg7[%parallel_loop3A_103, %parallel_loop3A_104] {strides = array<i32>} : memref<80x128xf32, #tpu.memory_space<vmem>>, vector<1x16xf32>,
      %parallel_loop3A_106 = vector.shape_cast %parallel_loop3A_105 : vector<1x16xf32> to vector<16xf32>
      %parallel_loop3A_107 = arith.index_cast %parallel_loop3A_88 : i32 to index
      %parallel_loop3A_108 = arith.constant 16 : index
      %parallel_loop3A_109 = tpu.vector_load %arg11[%parallel_loop3A_107, %parallel_loop3A_108] {strides = array<i32>} : memref<80x128xf32, #tpu.memory_space<vmem>>, vector<1x16xf32>,
      %parallel_loop3A_110 = vector.shape_cast %parallel_loop3A_109 : vector<1x16xf32> to vector<16xf32>
      %parallel_loop3A_111 = arith.mulf %parallel_loop3A_106, %parallel_loop3A_110 : vector<16xf32>
      %parallel_loop3A_112 = arith.index_cast %parallel_loop3A_88 : i32 to index
      %parallel_loop3A_113 = arith.constant 16 : index
      %parallel_loop3A_114 = tpu.vector_load %arg15[%parallel_loop3A_112, %parallel_loop3A_113] {strides = array<i32>} : memref<80x128xf32, #tpu.memory_space<vmem>>, vector<1x16xf32>,
      %parallel_loop3A_115 = vector.shape_cast %parallel_loop3A_114 : vector<1x16xf32> to vector<16xf32>
      %parallel_loop3A_116 = vector.shape_cast %parallel_loop3A_111 : vector<16xf32> to vector<1x16xf32>
      tpu.vector_store %arg15[%parallel_loop3A_112, %parallel_loop3A_113], %parallel_loop3A_116 {strides = array<i32>} : memref<80x128xf32, #tpu.memory_space<vmem>>, vector<1x16xf32>,
      %parallel_loop3A_117 = arith.index_cast %parallel_loop3A_88 : i32 to index
      %parallel_loop3A_118 = arith.constant 32 : index
      %parallel_loop3A_119 = tpu.vector_load %arg7[%parallel_loop3A_117, %parallel_loop3A_118] {strides = array<i32>} : memref<80x128xf32, #tpu.memory_space<vmem>>, vector<1x16xf32>,
      %parallel_loop3A_120 = vector.shape_cast %parallel_loop3A_119 : vector<1x16xf32> to vector<16xf32>
      %parallel_loop3A_121 = arith.index_cast %parallel_loop3A_88 : i32 to index
      %parallel_loop3A_122 = arith.constant 32 : index
      %parallel_loop3A_123 = tpu.vector_load %arg11[%parallel_loop3A_121, %parallel_loop3A_122] {strides = array<i32>} : memref<80x128xf32, #tpu.memory_space<vmem>>, vector<1x16xf32>,
      %parallel_loop3A_124 = vector.shape_cast %parallel_loop3A_123 : vector<1x16xf32> to vector<16xf32>
      %parallel_loop3A_125 = arith.mulf %parallel_loop3A_120, %parallel_loop3A_124 : vector<16xf32>
      %parallel_loop3A_126 = arith.index_cast %parallel_loop3A_88 : i32 to index
      %parallel_loop3A_127 = arith.constant 32 : index
      %parallel_loop3A_128 = tpu.vector_load %arg15[%parallel_loop3A_126, %parallel_loop3A_127] {strides = array<i32>} : memref<80x128xf32, #tpu.memory_space<vmem>>, vector<1x16xf32>,
      %parallel_loop3A_129 = vector.shape_cast %parallel_loop3A_128 : vector<1x16xf32> to vector<16xf32>
      %parallel_loop3A_130 = vector.shape_cast %parallel_loop3A_125 : vector<16xf32> to vector<1x16xf32>
      tpu.vector_store %arg15[%parallel_loop3A_126, %parallel_loop3A_127], %parallel_loop3A_130 {strides = array<i32>} : memref<80x128xf32, #tpu.memory_space<vmem>>, vector<1x16xf32>,
      %parallel_loop3A_131 = arith.index_cast %parallel_loop3A_88 : i32 to index
      %parallel_loop3A_132 = arith.constant 48 : index
      %parallel_loop3A_133 = tpu.vector_load %arg7[%parallel_loop3A_131, %parallel_loop3A_132] {strides = array<i32>} : memref<80x128xf32, #tpu.memory_space<vmem>>, vector<1x16xf32>,
      %parallel_loop3A_134 = vector.shape_cast %parallel_loop3A_133 : vector<1x16xf32> to vector<16xf32>
      %parallel_loop3A_135 = arith.index_cast %parallel_loop3A_88 : i32 to index
      %parallel_loop3A_136 = arith.constant 48 : index
      %parallel_loop3A_137 = tpu.vector_load %arg11[%parallel_loop3A_135, %parallel_loop3A_136] {strides = array<i32>} : memref<80x128xf32, #tpu.memory_space<vmem>>, vector<1x16xf32>,
      %parallel_loop3A_138 = vector.shape_cast %parallel_loop3A_137 : vector<1x16xf32> to vector<16xf32>
      %parallel_loop3A_139 = arith.mulf %parallel_loop3A_134, %parallel_loop3A_138 : vector<16xf32>
      %parallel_loop3A_140 = arith.index_cast %parallel_loop3A_88 : i32 to index
      %parallel_loop3A_141 = arith.constant 48 : index
      %parallel_loop3A_142 = tpu.vector_load %arg15[%parallel_loop3A_140, %parallel_loop3A_141] {strides = array<i32>} : memref<80x128xf32, #tpu.memory_space<vmem>>, vector<1x16xf32>,
      %parallel_loop3A_143 = vector.shape_cast %parallel_loop3A_142 : vector<1x16xf32> to vector<16xf32>
      %parallel_loop3A_144 = vector.shape_cast %parallel_loop3A_139 : vector<16xf32> to vector<1x16xf32>
      tpu.vector_store %arg15[%parallel_loop3A_140, %parallel_loop3A_141], %parallel_loop3A_144 {strides = array<i32>} : memref<80x128xf32, #tpu.memory_space<vmem>>, vector<1x16xf32>,
      %parallel_loop3A_145 = arith.index_cast %parallel_loop3A_88 : i32 to index
      %parallel_loop3A_146 = arith.constant 64 : index
      %parallel_loop3A_147 = tpu.vector_load %arg7[%parallel_loop3A_145, %parallel_loop3A_146] {strides = array<i32>} : memref<80x128xf32, #tpu.memory_space<vmem>>, vector<1x16xf32>,
      %parallel_loop3A_148 = vector.shape_cast %parallel_loop3A_147 : vector<1x16xf32> to vector<16xf32>
      %parallel_loop3A_149 = arith.index_cast %parallel_loop3A_88 : i32 to index
      %parallel_loop3A_150 = arith.constant 64 : index
      %parallel_loop3A_151 = tpu.vector_load %arg11[%parallel_loop3A_149, %parallel_loop3A_150] {strides = array<i32>} : memref<80x128xf32, #tpu.memory_space<vmem>>, vector<1x16xf32>,
      %parallel_loop3A_152 = vector.shape_cast %parallel_loop3A_151 : vector<1x16xf32> to vector<16xf32>
      %parallel_loop3A_153 = arith.mulf %parallel_loop3A_148, %parallel_loop3A_152 : vector<16xf32>
      %parallel_loop3A_154 = arith.index_cast %parallel_loop3A_88 : i32 to index
      %parallel_loop3A_155 = arith.constant 64 : index
      %parallel_loop3A_156 = tpu.vector_load %arg15[%parallel_loop3A_154, %parallel_loop3A_155] {strides = array<i32>} : memref<80x128xf32, #tpu.memory_space<vmem>>, vector<1x16xf32>,
      %parallel_loop3A_157 = vector.shape_cast %parallel_loop3A_156 : vector<1x16xf32> to vector<16xf32>
      %parallel_loop3A_158 = vector.shape_cast %parallel_loop3A_153 : vector<16xf32> to vector<1x16xf32>
      tpu.vector_store %arg15[%parallel_loop3A_154, %parallel_loop3A_155], %parallel_loop3A_158 {strides = array<i32>} : memref<80x128xf32, #tpu.memory_space<vmem>>, vector<1x16xf32>,
      %parallel_loop3A_159 = arith.index_cast %parallel_loop3A_88 : i32 to index
      %parallel_loop3A_160 = arith.constant 80 : index
      %parallel_loop3A_161 = tpu.vector_load %arg7[%parallel_loop3A_159, %parallel_loop3A_160] {strides = array<i32>} : memref<80x128xf32, #tpu.memory_space<vmem>>, vector<1x16xf32>,
      %parallel_loop3A_162 = vector.shape_cast %parallel_loop3A_161 : vector<1x16xf32> to vector<16xf32>
      %parallel_loop3A_163 = arith.index_cast %parallel_loop3A_88 : i32 to index
      %parallel_loop3A_164 = arith.constant 80 : index
      %parallel_loop3A_165 = tpu.vector_load %arg11[%parallel_loop3A_163, %parallel_loop3A_164] {strides = array<i32>} : memref<80x128xf32, #tpu.memory_space<vmem>>, vector<1x16xf32>,
      %parallel_loop3A_166 = vector.shape_cast %parallel_loop3A_165 : vector<1x16xf32> to vector<16xf32>
      %parallel_loop3A_167 = arith.mulf %parallel_loop3A_162, %parallel_loop3A_166 : vector<16xf32>
      %parallel_loop3A_168 = arith.index_cast %parallel_loop3A_88 : i32 to index
      %parallel_loop3A_169 = arith.constant 80 : index
      %parallel_loop3A_170 = tpu.vector_load %arg15[%parallel_loop3A_168, %parallel_loop3A_169] {strides = array<i32>} : memref<80x128xf32, #tpu.memory_space<vmem>>, vector<1x16xf32>,
      %parallel_loop3A_171 = vector.shape_cast %parallel_loop3A_170 : vector<1x16xf32> to vector<16xf32>
      %parallel_loop3A_172 = vector.shape_cast %parallel_loop3A_167 : vector<16xf32> to vector<1x16xf32>
      tpu.vector_store %arg15[%parallel_loop3A_168, %parallel_loop3A_169], %parallel_loop3A_172 {strides = array<i32>} : memref<80x128xf32, #tpu.memory_space<vmem>>, vector<1x16xf32>,
      %parallel_loop3A_173 = arith.index_cast %parallel_loop3A_88 : i32 to index
      %parallel_loop3A_174 = arith.constant 96 : index
      %parallel_loop3A_175 = tpu.vector_load %arg7[%parallel_loop3A_173, %parallel_loop3A_174] {strides = array<i32>} : memref<80x128xf32, #tpu.memory_space<vmem>>, vector<1x16xf32>,
      %parallel_loop3A_176 = vector.shape_cast %parallel_loop3A_175 : vector<1x16xf32> to vector<16xf32>
      %parallel_loop3A_177 = arith.index_cast %parallel_loop3A_88 : i32 to index
      %parallel_loop3A_178 = arith.constant 96 : index
      %parallel_loop3A_179 = tpu.vector_load %arg11[%parallel_loop3A_177, %parallel_loop3A_178] {strides = array<i32>} : memref<80x128xf32, #tpu.memory_space<vmem>>, vector<1x16xf32>,
      %parallel_loop3A_180 = vector.shape_cast %parallel_loop3A_179 : vector<1x16xf32> to vector<16xf32>
      %parallel_loop3A_181 = arith.mulf %parallel_loop3A_176, %parallel_loop3A_180 : vector<16xf32>
      %parallel_loop3A_182 = arith.index_cast %parallel_loop3A_88 : i32 to index
      %parallel_loop3A_183 = arith.constant 96 : index
      %parallel_loop3A_184 = tpu.vector_load %arg15[%parallel_loop3A_182, %parallel_loop3A_183] {strides = array<i32>} : memref<80x128xf32, #tpu.memory_space<vmem>>, vector<1x16xf32>,
      %parallel_loop3A_185 = vector.shape_cast %parallel_loop3A_184 : vector<1x16xf32> to vector<16xf32>
      %parallel_loop3A_186 = vector.shape_cast %parallel_loop3A_181 : vector<16xf32> to vector<1x16xf32>
      tpu.vector_store %arg15[%parallel_loop3A_182, %parallel_loop3A_183], %parallel_loop3A_186 {strides = array<i32>} : memref<80x128xf32, #tpu.memory_space<vmem>>, vector<1x16xf32>,
      %parallel_loop3A_187 = arith.index_cast %parallel_loop3A_88 : i32 to index
      %parallel_loop3A_188 = arith.constant 112 : index
      %parallel_loop3A_189 = tpu.vector_load %arg7[%parallel_loop3A_187, %parallel_loop3A_188] {strides = array<i32>} : memref<80x128xf32, #tpu.memory_space<vmem>>, vector<1x16xf32>,
      %parallel_loop3A_190 = vector.shape_cast %parallel_loop3A_189 : vector<1x16xf32> to vector<16xf32>
      %parallel_loop3A_191 = arith.index_cast %parallel_loop3A_88 : i32 to index
      %parallel_loop3A_192 = arith.constant 112 : index
      %parallel_loop3A_193 = tpu.vector_load %arg11[%parallel_loop3A_191, %parallel_loop3A_192] {strides = array<i32>} : memref<80x128xf32, #tpu.memory_space<vmem>>, vector<1x16xf32>,
      %parallel_loop3A_194 = vector.shape_cast %parallel_loop3A_193 : vector<1x16xf32> to vector<16xf32>
      %parallel_loop3A_195 = arith.mulf %parallel_loop3A_190, %parallel_loop3A_194 : vector<16xf32>
      %parallel_loop3A_196 = arith.index_cast %parallel_loop3A_88 : i32 to index
      %parallel_loop3A_197 = arith.constant 112 : index
      %parallel_loop3A_198 = tpu.vector_load %arg15[%parallel_loop3A_196, %parallel_loop3A_197] {strides = array<i32>} : memref<80x128xf32, #tpu.memory_space<vmem>>, vector<1x16xf32>,
      %parallel_loop3A_199 = vector.shape_cast %parallel_loop3A_198 : vector<1x16xf32> to vector<16xf32>
      %parallel_loop3A_200 = vector.shape_cast %parallel_loop3A_195 : vector<16xf32> to vector<1x16xf32>
      tpu.vector_store %arg15[%parallel_loop3A_196, %parallel_loop3A_197], %parallel_loop3A_200 {strides = array<i32>} : memref<80x128xf32, #tpu.memory_space<vmem>>, vector<1x16xf32>,
    } {sc.loop_unroll_factor = 8 : i64, sc.parallel_access}
    %add3A_70 = arith.constant 9920 : i32
    %add3A_71 = arith.addi %mul3A_2, %add3A_70 : i32
    %dma_start3A_72 = arith.constant 0 : i32
    %dma_start3A_73 = tpu.memref_slice %arg5[%add3A_71, %dma_start3A_72] : memref<320000x128xf32, #tpu.memory_space<hbm>> -> memref<80x128xf32, #tpu.memory_space<hbm>>
    %dma_start3A_74 = arith.constant 0 : i32
    %dma_start3A_75 = tpu.memref_slice %arg5[%add3A_71, %dma_start3A_74] : memref<320000x128xf32, #tpu.memory_space<hbm>> -> memref<80x128xf32, #tpu.memory_space<hbm>>
    tpu.enqueue_dma source(%arg15 : memref<80x128xf32, #tpu.memory_space<vmem>>) target(%dma_start3A_75 : memref<80x128xf32, #tpu.memory_space<hbm>>) target_semaphore(%arg25 : memref<!tpu.dma_semaphore, #tpu.memory_space<semaphore_mem>>)
    %dma_wait3A_76 = arith.constant 0 : i32
    %dma_wait3A_77 = arith.constant 0 : i32
    %dma_wait3A_78 = tpu.memref_slice %arg5[%dma_wait3A_76, %dma_wait3A_77] : memref<320000x128xf32, #tpu.memory_space<hbm>> -> memref<80x128xf32, #tpu.memory_space<hbm>>
    %dma_wait3A_79 = arith.constant 0 : i32
    %dma_wait3A_80 = arith.constant 0 : i32
    %dma_wait3A_81 = tpu.memref_slice %arg5[%dma_wait3A_79, %dma_wait3A_80] : memref<320000x128xf32, #tpu.memory_space<hbm>> -> memref<80x128xf32, #tpu.memory_space<hbm>>
    tpu.wait_dma2 semaphore(%arg26 : memref<!tpu.dma_semaphore, #tpu.memory_space<semaphore_mem>>) src(%arg16 : memref<80x128xf32, #tpu.memory_space<vmem>>) dst(%dma_wait3A_81 : memref<80x128xf32, #tpu.memory_space<hbm>>)
    %dma_wait3A_82 = arith.constant 0 : i32
    %dma_wait3A_83 = arith.constant 0 : i32
    %dma_wait3A_84 = tpu.memref_slice %arg5[%dma_wait3A_82, %dma_wait3A_83] : memref<320000x128xf32, #tpu.memory_space<hbm>> -> memref<80x128xf32, #tpu.memory_space<hbm>>
    %dma_wait3A_85 = arith.constant 0 : i32
    %dma_wait3A_86 = arith.constant 0 : i32
    %dma_wait3A_87 = tpu.memref_slice %arg5[%dma_wait3A_85, %dma_wait3A_86] : memref<320000x128xf32, #tpu.memory_space<hbm>> -> memref<80x128xf32, #tpu.memory_space<hbm>>
    tpu.wait_dma2 semaphore(%arg25 : memref<!tpu.dma_semaphore, #tpu.memory_space<semaphore_mem>>) src(%arg15 : memref<80x128xf32, #tpu.memory_space<vmem>>) dst(%dma_wait3A_87 : memref<80x128xf32, #tpu.memory_space<hbm>>)
    return
  }
}

</mosaic_0001>

<sc_bundles>
// kernel: kernel.3.cloned.1.call-start
scs
__scs_entry_jumppad:
0x0: {  	(pc) =	sbr.rel $0x88, $3  }
0x1: {  	(tag) =	ssettag $0x0;
	lr =	simm.s32 $0x1  }
0x2: {  	[smem:$0x3F9E] =	sst lr;
	_ =	strace $0xD0000000  }
0x3: {  	_ = 	snop  }
0x4: {  	_ = 	snop  }
0x5: {  	_ = 	snop  }
0x6: {  	_ = 	snop  }
0x7: {  	_ = 	snop  }
__scs_overlays_trampoline_lowered:
0x8: {  	[smem:$0x3FAD] =	sst s0  }
0x9: {  	[smem:$0x3FAE] =	sst s1  }
0xa: {  	[smem:$0x3FAF] =	sst s2  }
0xb: {  	[smem:$0x3FB0] =	sst s3  }
0xc: {  	[smem:$0x3FB1] =	sst s4  }
0xd: {  	[smem:$0x3FB2] =	sst s5  }
0xe: {  	[smem:$0x3FB3] =	sst s6  }
0xf: {  	[smem:$0x3FB4] =	sst s7  }
0x10: {  	[smem:$0x3FB5] =	sst s8  }
0x11: {  	[smem:$0x3FB6] =	sst s9;
	s0 =	simm.s32 @!p0 $0x0  }
0x12: {  	s1 =	sld [smem:$0x3F9C];
	s0 =	simm.s32 @p0 $0x1  }
0x13: {  	[smem:$0x3FB7] =	sst s0;
	s0 =	simm.s32 @!p1 $0x0  }
0x14: {  	s2 =	sld [smem:$0x3F9B];
	s0 =	simm.s32 @p1 $0x1  }
0x15: {  	[smem:$0x3FB8] =	sst s0;
	s0 =	simm.s32 @!p2 $0x0  }
0x16: {  	s3 =	sld [smem:$0x3FDB];
	s0 =	simm.s32 @p2 $0x1  }
0x17: {  	s4 =	simm.s32 $0x1BF5;
	[smem:$0x3FBA] =	sst s0  }
0x18: {  	s0 =	sld [smem:$0x3F9D];
	_ =	swait.ge [sflag:s4], $0x0  }
0x19: {  	s7 =	sld [smem:$0x3F9E]  }
0x1a: {  	s8 =	sadd.s32 $0xFFFFE003, lr  }
0x1b: {  	s9 =	sadd.s32 $0xFFFFFEF7, lr;
	s5 =	simm.s32 $0xFFFFFFFF;
	p2 =	slt.u32 s8, $0xFFFFF086  }
0x1c: {  	p1 =	slt.u32 s9, $0xF7A;
	s5 =	simm.s32 @!p2 $0x0  }
0x1d: {  	s5 =	simm.s32 @p1 $0x1;
	p0 =	seq.s32 s7, s2  }
0x1e: {  	s7 =	smul.u32 @!p0 $0xF7A, s2;
	p2 =	seq.s32 @!p0 s5, $0x0  }
0x1f: {  	s9 =	smul.u32 $0xF7A, s1;
	s8 =	simm.s32 @!p0 $0x1BF5;
	p2 =	por !p2, p0  }
0x20: {  	[sflag:s8] =	ssyncset.s32 @!p0 $0xFFFFF086;
	s6 =	sadd.s32 @!p0 s3, s7;
	s7 =	simm.s32 @!p0 $0x108  }
0x21: {  	s3 =	sadd.s32 s3, s9;
	s6 =	sadd.s32 @!p0 $0x88, s6;
	s7 =	simm.s32 @p2 $0x1082  }
0x22: {  	[simem:s7], [sflag:s8] =	dma.local @!p0 [hbm:s6], $0xF7A  }
0x23: {  	s9 =	sor.u32 $0xD0000000, s2;
	s6 =	simm.s32 $0x108;
	_ =	swait.ge @!p0 [sflag:s8], $0x0  }
0x24: {  	s3 =	sadd.s32 $0x88, s3;
	s6 =	simm.s32 @!p1 $0x1082;
	[sflag:s4] =	ssyncset.s32 $0xFFFFF086  }
0x25: {  	[simem:s6], [sflag:s4] =	dma.local [hbm:s3], $0xF7A  }
0x26: {  	[smem:$0x3F9E] =	sst s1;
	(tag) =	ssettag s2;
	_ =	strace s9  }
0x27: {  	s1 =	sld [smem:$0x3FAE]  }
0x28: {  	s2 =	sld [smem:$0x3FAF]  }
0x29: {  	s4 =	sld [smem:$0x3FB1]  }
0x2a: {  	p0 =	seq.s32 s5, $0x0;
	s5 =	sld [smem:$0x3FB2]  }
0x2b: {  	s6 =	sld [smem:$0x3FB3]  }
0x2c: {  	s7 =	sld [smem:$0x3FB4]  }
0x2d: {  	s3 =	simm.s32 $0x108;
	s8 =	sld [smem:$0x3FB5]  }
0x2e: {  	s3 =	simm.s32 @!p0 $0x1082;
	s9 =	sld [smem:$0x3FB6]  }
0x2f: {  	lr =	sadd.s32 s0, s3;
	s0 =	sld [smem:$0x3FAD]  }
0x30: {  	s3 =	sld [smem:$0x3FB0]  }
0x31: {  	[smem:$0x3FB9] =	sst s10  }
0x32: {  	s10 =	sld [smem:$0x3FB7];
	_ =	sdelay $0x3  }
0x33: {  	p0 =	seq.s32 s10, $0x1;
	s10 =	sld [smem:$0x3FB9];
	_ =	sdelay $0x3  }
0x34: {  	[smem:$0x3FB9] =	sst s10  }
0x35: {  	s10 =	sld [smem:$0x3FB8];
	_ =	sdelay $0x3  }
0x36: {  	p1 =	seq.s32 s10, $0x1;
	s10 =	sld [smem:$0x3FB9];
	_ =	sdelay $0x3  }
0x37: {  	[smem:$0x3FB9] =	sst s10  }
0x38: {  	s10 =	sld [smem:$0x3FBA]  }
0x39: {  	_ = 	snop;
	(pc) =	sbr.ind lr, $3  }
0x3a: {  	_ = 	snop  }
0x3b: {  	_ = 	snop  }
0x3c: {  	p2 =	seq.s32 s10, $0x1;
	s10 =	sld [smem:$0x3FB9]  }
0x3d: {  	_ =	shalt  }
0x3e: {  	_ =	shalt  }
0x3f: {  	_ =	shalt  }
0x40: {  	_ =	shalt  }
0x41: {  	_ =	shalt  }
0x42: {  	_ =	shalt  }
0x43: {  	_ =	shalt  }
0x44: {  	_ =	shalt  }
0x45: {  	_ =	shalt  }
0x46: {  	_ =	shalt  }
0x47: {  	_ =	shalt  }
0x48: {  	_ =	shalt  }
0x49: {  	_ =	shalt  }
0x4a: {  	_ =	shalt  }
0x4b: {  	_ =	shalt  }
0x4c: {  	_ =	shalt  }
0x4d: {  	_ =	shalt  }
0x4e: {  	_ =	shalt  }
0x4f: {  	_ =	shalt  }
0x50: {  	_ =	shalt  }
0x51: {  	_ =	shalt  }
0x52: {  	_ =	shalt  }
0x53: {  	_ =	shalt  }
0x54: {  	_ =	shalt  }
0x55: {  	_ =	shalt  }
0x56: {  	_ =	shalt  }
0x57: {  	_ =	shalt  }
0x58: {  	_ =	shalt  }
0x59: {  	_ =	shalt  }
0x5a: {  	_ =	shalt  }
0x5b: {  	_ =	shalt  }
0x5c: {  	_ =	shalt  }
0x5d: {  	_ =	shalt  }
0x5e: {  	_ =	shalt  }
0x5f: {  	_ =	shalt  }
0x60: {  	_ =	shalt  }
0x61: {  	_ =	shalt  }
0x62: {  	_ =	shalt  }
0x63: {  	_ =	shalt  }
0x64: {  	_ =	shalt  }
0x65: {  	_ =	shalt  }
0x66: {  	_ =	shalt  }
0x67: {  	_ =	shalt  }
0x68: {  	_ =	shalt  }
0x69: {  	_ =	shalt  }
0x6a: {  	_ =	shalt  }
0x6b: {  	_ =	shalt  }
0x6c: {  	_ =	shalt  }
0x6d: {  	_ =	shalt  }
0x6e: {  	_ =	shalt  }
0x6f: {  	_ =	shalt  }
0x70: {  	_ =	shalt  }
0x71: {  	_ =	shalt  }
0x72: {  	_ =	shalt  }
0x73: {  	_ =	shalt  }
0x74: {  	_ =	shalt  }
0x75: {  	_ =	shalt  }
0x76: {  	_ =	shalt  }
0x77: {  	_ =	shalt  }
0x78: {  	_ =	shalt  }
0x79: {  	_ =	shalt  }
0x7a: {  	_ =	shalt  }
0x7b: {  	_ =	shalt  }
0x7c: {  	_ =	shalt  }
0x7d: {  	_ =	shalt  }
0x7e: {  	_ =	shalt  }
0x7f: {  	_ =	shalt  }
0x80: {  	_ =	shalt  }
0x81: {  	_ =	shalt  }
0x82: {  	_ =	shalt  }
0x83: {  	_ =	shalt  }
0x84: {  	_ =	shalt  }
0x85: {  	_ =	shalt  }
0x86: {  	_ =	shalt  }
0x87: {  	_ =	shalt  }
.Lfunc_end0:
.L_simem_size_0:
called_computation_lowered:
.L_overlay_start_0:
0x88: {  	s2 =	sld [smem:$0x3FD9]  }
0x89: {  	s3 =	sld [smem:$0x3FFE];
	_ =	sdelay $0x1  }
0x8a: {  	s1 =	srdreg.scid  }
0x8b: {  	s0 =	sand.u32 $0x1, s1  }
0x8c: {  	s18 =	sshll.u32 s0, $0xA;
	s2 =	sadd.s32 s3, s2  }
0x8d: {  	s2 =	sadd.s32 s2, s18  }
0x8e: {  	[smem:$0x3FC5] =	sst s2  }
0x8f: {  	_ = 	snop  }
0x90: {  	s2 =	sld [smem:$0x3FC9]  }
0x91: {  	s19 =	sld [smem:$0x3FC8]  }
0x92: {  	s4 =	sld [smem:$0x3FC7]  }
0x93: {  	s5 =	sld [smem:$0x3FD0];
	(tm) =	ssettm $0x1  }
0x94: {  	s6 =	sld [smem:$0x3FFB];
	_ =	sdelay $0x3  }
0x95: {  	_ =	strace s6  }
0x96: {  	s6 =	sld [smem:$0x3FFC];
	_ =	sdelay $0x3  }
0x97: {  	_ =	strace s6  }
0x98: {  	s6 =	sld [smem:$0x3FFD];
	_ =	sdelay $0x3  }
0x99: {  	_ =	strace s6  }
0x9a: {  	_ =	strace $0x8FFFFFFF  }
0x9b: {  	s20 =	sld [smem:$0x3FDB];
	_ =	sdelay $0x1  }
0x9c: {  	s7 =	simm.s32 $_scs_section_size  }
0x9d: {  	s8 =	simm.s32 $_size__tile_overlayer_lowered;
	s9 =	simm.s32 $_tile_overlayer_lowered  }
0x9e: {  	s23 =	simm.s32 $0x1BFF;
	s22 =	sshll.u32 s9, $0x1;
	s6 =	sadd.s32 s7, s20  }
0x9f: {  	s10 =	simm.s32 $0x0;
	s21 =	sshll.u32 s8, $0x1;
	s8 =	sadd.s32 s22, s6  }
0xa0: {  	[timem:s10], [sflag:s23] =	dma.local [hbm:s8], s21  }
0xa1: {  	_ =	swait.ge [sflag:s23], s21  }
0xa2: {  	s7 =	ssub.s32 $0x0, s21;
	[sflag:s23] =	ssyncset.done $0x0  }
0xa3: {  	[sflag:s23] =	ssyncadd.s32 s7;
	_ =	sdelay $0x1  }
0xa4: {  	s24 =	simm.s32 $0x1B8B  }
0xa5: {  	_ =	swait.ge [sflag:s24], $0x1  }
0xa6: {  	[sflag:s24] =	ssyncset.done $0x0  }
0xa7: {  	s25 =	simm.s32 $0x1B8E;
	[sflag:s24] =	ssyncadd.s32 $0xFFFFFFFF  }
0xa8: {  	s26 =	simm.s32 $execute0_lowered;
	[smem:$0x3FD2] =	sst s25  }
0xa9: {  	s7 =	sshll.u32 s26, $0x1;
	_ =	strace $0x80000046;
	[dreg:$0x1] =	wrdreg $0xFFFFFFFF  }
0xaa: {  	s28 =	simm.s32 $_size_execute0_lowered;
	s6 =	sadd.s32 s6, s7;
	[dreg:$0x0] =	wrdreg $0x0  }
0xab: {  	s7 =	sshll.u32 s28, $0x1;
	[dreg:$0x2] =	wrdreg s6  }
0xac: {  	[dreg:$0x3] =	wrdreg s7  }
0xad: {  	[dreg:$0x4] =	wrdreg $0xC0  }
0xae: {  	_ =	task [dreg:s10], $0x5FFFF  }
0xaf: {  	[dreg:$0x1] =	wrdreg $0xFFFFFFFF  }
0xb0: {  	[dreg:$0x0] =	wrdreg $0x60  }
0xb1: {  	[dreg:$0x2] =	wrdreg s2  }
0xb2: {  	[dreg:$0x3] =	wrdreg s19  }
0xb3: {  	[dreg:$0x4] =	wrdreg s4  }
0xb4: {  	[dreg:$0x5] =	wrdreg s5  }
0xb5: {  	[dreg:$0x6] =	wrdreg $0x9  }
0xb6: {  	_ =	task.clear_ibuf [dreg:s10], $0x7FFFF;
	_ =	strace $0x90000046  }
0xb7: {  	s29 =	simm.s32 $0x9;
	_ =	strace $0x80000048  }
0xb8: {  	_ =	swait.ge [sflag:s29], $0x1  }
0xb9: {  	[sflag:s29] =	ssyncadd.s32 $0xFFFFFFFF  }
0xba: {  	_ =	strace $0x90000048  }
0xbb: {  	_ =	sfence  }
0xbc: {  	s30 =	sld [smem:$0x0];
	_ =	sdelay $0x2  }
0xbd: {  	s31 =	sshll.u32 s1, $0xD;
	s1 =	sshrl.u32 s1, $0x2  }
0xbe: {  	s3 =	sand.u32 $0x4000, s31;
	s1 =	sadd.s32 s1, s30  }
0xbf: {  	s0 =	sor.u32 s3, s0;
	s1 =	sshll.u32 s1, $0x11  }
0xc0: {  	s0 =	sor.u32 s1, s0  }
0xc1: {  	s0 =	sadd.s32 $0x8F2B, s0  }
0xc2: {  	[sflag:s0] =	ssyncadd.remote.s32 $0x1  }
0xc3: {  	_ =	sfence.sel $0xFFFF  }
0xc4: {  	[dreg:$0x0] =	wrdreg $0xFFFFFFFF;
	(pc) =	sbr.abs _section_cstart, $3  }
0xc5: {  	[dreg:$0x1] =	wrdreg $0xFFFFFFFF  }
0xc6: {  	_ =	task.clear_ibuf [dreg:s10], $0x2FFFF;
	_ =	strace $0x9FFFFFFF  }
0xc7: {  	(tm) =	ssettm $0x7FFFFFFF  }
tec
execute0_lowered:
.L_overlay_start_1:
0x0: {  	(tag) =	ssettag $0x1  }
0x1: {  	s1 =	rddreg [dreg:$0x0]  }
0x2: {  	s2 =	rddreg [dreg:$0x1]  }
0x3: {  	s0 =	rddreg [dreg:$0x2];
	s3 =	srdreg.scid  }
0x4: {  	s5 =	stileid.u32;
	s4 =	rddreg [dreg:$0x3]  }
0x5: {  	s18 =	simm.s32 $0x50;
	s3 =	sand.u32 $0x1, s3;
	s6 =	sshll.u32 s5, $0x1  }
0x6: {  	s19 =	simm.s32 $0x2780;
	s28 =	simm.s32 $0x9F80;
	s7 =	sor.u32 s3, s6  }
0x7: {  	s29 =	simm.s32 $0x13F80;
	s30 =	simm.s32 $0x1;
	s8 =	smul.u32 $0x138800, s7  }
0x8: {  	s5 =	simm.s32 $0x0;
	s3 =	ssub.s32 $0x2, s3;
	s6 =	smul.u32 $0x2710, s7  }
0x9: {  	[smem:$0x7FF] =	sst s5;
	s9 =	sshrl.u32 s3, $0x1;
	s7 =	smul.u32 $0x27100, s7  }
0xa: {  	s31 =	simm.s32 $0x5;
	_ =	strace $0x80000047;
	s3 =	ssub.s32 s3, s9  }
0xb: {  	s8 =	sshrl.u32 s8, $0x3;
	s20 =	sshrl.u32 s6, $0x3;
	s21 =	sadd.s32 s2, s7  }
0xc: {  	s12 =	sadd.s32 $0x50, s6;
	s13 =	sadd.s32 $0xA0, s6;
	s14 =	sadd.s32 $0xF0, s6  }
0xd: {  	s26 =	smax.u32 s3, $0x1;
	s3 =	simm.s32 $0x16780;
	s7 =	simm.s32 $0x8  }
0xe: {  	s10 =	sadd.s32 s2, s8;
	s0 =	sadd.s32 s0, s20;
	[dreg:$0x6] =	wrdreg s21  }
0xf: {  	s25 =	sadd.s32 s4, s8;
	[dreg:$0xb] =	wrdreg s26;
	s20 =	simm.s32 $0xC780  }
0x10: {  	s21 =	simm.s32 $0x6;
	[dreg:$0x5] =	wrdreg s0;
	s22 =	sadd.s32 $0x500, s10  }
0x11: {  	s26 =	simm.s32 $0x4;
	s23 =	sadd.s32 $0xA00, s10;
	[dreg:$0x7] =	wrdreg s22  }
0x12: {  	s8 =	simm.s32 $0xA;
	s24 =	sadd.s32 $0xF00, s10;
	[dreg:$0x8] =	wrdreg s23  }
0x13: {  	s0 =	sadd.s32 $0x26C00, s25;
	s25 =	simm.s32 $0x9;
	[dreg:$0x9] =	wrdreg s24  }
0x14: {  	s10 =	simm.s32 $0x0;
	[dreg:$0xa] =	wrdreg s0;
	s0 =	simm.s32 $0x2  }
0x15: {  	s22 =	simm.s32 $0x18F80;
	s23 =	simm.s32 $0x3;
	s24 =	simm.s32 $0x7  }
.LBB2_1:
0x16: {  	[dreg:$0xc] =	wrdreg s10  }
0x17: {  	s9 =	rddreg [dreg:$0x5];
	s16 =	simm.s32 $0xB  }
0x18: {  	[tilespmem:s5], [sflag:$0xB] =	stream.linear.gather [hbm4b:s9+s5], $0x2710, $0x38;
	[tilespmem:$0x1B780] =	vst v63  }
0x19: {  	_ =	swait.ge [sflag:s16], $0x2710  }
0x1a: {  	[sflag:s16] =	ssyncset.done $0x0  }
0x1b: {  	[sflag:s16] =	ssyncadd.s32 $0xFFFFD8F0  }
0x1c: {  	[tilespmem:s19], [sflag:$0x1] =	stream.indirect.gather [hbm4b:s1+s18], $0x80, s5, s18, $0xb8;
	[tilespmem:$0x1B780] =	vst v63  }
0x1d: {  	s17 =	rddreg [dreg:$0x6]  }
0x1e: {  	[tilespmem:s20], [sflag:$0x5] =	stream.linear.gather [hbm4b:s17+s5], $0x2800, $0x38;
	[tilespmem:$0x1B780] =	vst v63  }
0x1f: {  	s10 =	simm.s32 $0x4F80  }
0x20: {  	[tilespmem:s10], [sflag:$0x2] =	stream.indirect.gather [hbm4b:s1+s18], $0x80, s18, s18, $0xb8;
	[tilespmem:$0x1B780] =	vst v63  }
0x21: {  	s15 =	simm.s32 $0xEF80;
	s11 =	rddreg [dreg:$0x7]  }
0x22: {  	[tilespmem:s15], [sflag:$0x6] =	stream.linear.gather [hbm4b:s11+s5], $0x2800, $0x38;
	[tilespmem:$0x1B780] =	vst v63  }
0x23: {  	s16 =	simm.s32 $0xA0;
	s17 =	simm.s32 $0x7780  }
0x24: {  	[tilespmem:s17], [sflag:$0x3] =	stream.indirect.gather [hbm4b:s1+s18], $0x80, s16, s18, $0xb8;
	[tilespmem:$0x1B780] =	vst v63  }
0x25: {  	s11 =	rddreg [dreg:$0x8];
	s15 =	simm.s32 $0x11780  }
0x26: {  	[tilespmem:s15], [sflag:$0x7] =	stream.linear.gather [hbm4b:s11+s5], $0x2800, $0x38;
	[tilespmem:$0x1B780] =	vst v63  }
0x27: {  	s16 =	simm.s32 $0xF0  }
0x28: {  	[tilespmem:s28], [sflag:$0x4] =	stream.indirect.gather [hbm4b:s1+s18], $0x80, s16, s18, $0xb8;
	[tilespmem:$0x1B780] =	vst v63  }
0x29: {  	s10 =	simm.s32 $0x0;
	s17 =	rddreg [dreg:$0x9]  }
0x2a: {  	[tilespmem:s29], [sflag:$0x8] =	stream.linear.gather [hbm4b:s17+s5], $0x2800, $0x38;
	[tilespmem:$0x1B780] =	vst v63  }
.LBB2_2:
0x2b: {  	_ =	swait.ge [sflag:s30], $0x2800  }
0x2c: {  	[sflag:s30] =	ssyncset.done $0x0  }
0x2d: {  	[sflag:s30] =	ssyncadd.s32 $0xFFFFD800  }
0x2e: {  	_ =	swait.ge [sflag:s31], $0x2800  }
0x2f: {  	p0 =	seq.s32 s10, $0x0;
	[sflag:s31] =	ssyncset.done $0x0  }
0x30: {  	s9 =	simm.s32 @!p0 $0x9;
	[sflag:s31] =	ssyncadd.s32 $0xFFFFD800  }
0x31: {  	_ =	swait.ge @!p0 [sflag:s9], $0x2800  }
0x32: {  	[sflag:s9] =	ssyncset.done @!p0 $0x0  }
0x33: {  	s17 =	simm.s32 $0x2980;
	[sflag:s9] =	ssyncadd.s32 @!p0 $0xFFFFD800  }
0x34: {  	s11 =	simm.s32 $0xC980;
	v0 =	vld [tilespmem:s17+$0x180]  }
0x35: {  	v1 =	vld [tilespmem:s11+$0x180]  }
0x36: {  	v2 =	vld [tilespmem:s11+$0xFFFFFE00]  }
0x37: {  	v3 =	vld [tilespmem:s17+$0xFFFFFE80]  }
0x38: {  	v4 =	vld [tilespmem:s11+$0xFFFFFE80]  }
0x39: {  	v5 =	vld [tilespmem:s17+$0xFFFFFF00]  }
0x3a: {  	v6 =	vld [tilespmem:s11+$0xFFFFFF00]  }
0x3b: {  	v7 =	vld [tilespmem:s11+$0xFFFFFF80]  }
0x3c: {  	v9 =	vld [tilespmem:s17+$0x0]  }
0x3d: {  	v10 =	vld [tilespmem:s11+$0x0]  }
0x3e: {  	v11 =	vld [tilespmem:s17+$0x80]  }
0x3f: {  	v12 =	vld [tilespmem:s11+$0x80];
	v0 =	vmul.f32 v1, v0  }
0x40: {  	s15 =	simm.s32 $0x16980;
	v1 =	vld [tilespmem:s17+$0xFFFFFF80]  }
0x41: {  	v3 =	vmul.f32 v4, v3;
	v4 =	vld [tilespmem:s17+$0xFFFFFE00];
	[tilespmem:s15+$0x180] =	vst v0  }
0x42: {  	v0 =	vld [tilespmem:s17+$0x190]  }
0x43: {  	v8 =	vld [tilespmem:s11+$0x190]  }
0x44: {  	v13 =	vld [tilespmem:s17+$0x100];
	[tilespmem:s15+$0xFFFFFE80] =	vst v3;
	v3 =	vmul.f32 v6, v5  }
0x45: {  	v6 =	vld [tilespmem:s17+$0xFFFFFE90]  }
0x46: {  	[tilespmem:s15+$0xFFFFFF00] =	vst v3;
	v3 =	vld [tilespmem:s11+$0xFFFFFE90];
	v1 =	vmul.f32 v7, v1  }
0x47: {  	v2 =	vmul.f32 v2, v4;
	v4 =	vld [tilespmem:s17+$0xFFFFFF10]  }
0x48: {  	[tilespmem:s15+$0xFFFFFF80] =	vst v1;
	v1 =	vld [tilespmem:s11+$0xFFFFFF10];
	v0 =	vmul.f32 v8, v0  }
0x49: {  	[tilespmem:s15+$0xFFFFFE00] =	vst v2;
	v2 =	vld [tilespmem:s17+$0xFFFFFF90]  }
0x4a: {  	v32 =	vld [tilespmem:s11+$0xFFFFFF90];
	[tilespmem:s15+$0x190] =	vst v0  }
0x4b: {  	v0 =	vld [tilespmem:s17+$0x1A0]  }
0x4c: {  	v3 =	vmul.f32 v3, v6;
	v5 =	vld [tilespmem:s11+$0x1A0]  }
0x4d: {  	v8 =	vld [tilespmem:s11+$0x100]  }
0x4e: {  	v7 =	vld [tilespmem:s11+$0xFFFFFE10];
	[tilespmem:s15+$0xFFFFFE90] =	vst v3;
	v1 =	vmul.f32 v1, v4  }
0x4f: {  	v4 =	vld [tilespmem:s17+$0xFFFFFEA0]  }
0x50: {  	[tilespmem:s15+$0xFFFFFF10] =	vst v1;
	v1 =	vmul.f32 v32, v2;
	v2 =	vld [tilespmem:s11+$0xFFFFFEA0]  }
0x51: {  	v0 =	vmul.f32 v5, v0;
	v5 =	vld [tilespmem:s17+$0xFFFFFE10]  }
0x52: {  	v36 =	vld [tilespmem:s17+$0xFFFFFF20];
	[tilespmem:s15+$0xFFFFFF90] =	vst v1  }
0x53: {  	v1 =	vld [tilespmem:s11+$0xFFFFFF20];
	[tilespmem:s15+$0x1A0] =	vst v0;
	v0 =	vmul.f32 v10, v9  }
0x54: {  	v37 =	vld [tilespmem:s17+$0xFFFFFFA0]  }
0x55: {  	v30 =	vld [tilespmem:s17+$0x1B0];
	[tilespmem:s15+$0x0] =	vst v0;
	v0 =	vmul.f32 v12, v11  }
0x56: {  	v31 =	vld [tilespmem:s11+$0x1B0];
	v5 =	vmul.f32 v7, v5  }
0x57: {  	v33 =	vld [tilespmem:s17+$0x10];
	[tilespmem:s15+$0x80] =	vst v0;
	v0 =	vmul.f32 v8, v13  }
0x58: {  	v34 =	vld [tilespmem:s17+$0x90];
	[tilespmem:s15+$0xFFFFFE10] =	vst v5  }
0x59: {  	[tilespmem:s15+$0x100] =	vst v0;
	v0 =	vld [tilespmem:s11+$0x90]  }
0x5a: {  	v6 =	vld [tilespmem:s17+$0xFFFFFE20]  }
0x5b: {  	v9 =	vmul.f32 v31, v30;
	v3 =	vld [tilespmem:s11+$0xFFFFFE20]  }
0x5c: {  	v35 =	vld [tilespmem:s17+$0x110]  }
0x5d: {  	v7 =	vld [tilespmem:s11+$0x110];
	[tilespmem:s15+$0x1B0] =	vst v9  }
0x5e: {  	v2 =	vmul.f32 v2, v4;
	v9 =	vld [tilespmem:s17+$0x1C0]  }
0x5f: {  	v1 =	vmul.f32 v1, v36;
	v5 =	vld [tilespmem:s11+$0x1C0]  }
0x60: {  	[tilespmem:s15+$0xFFFFFEA0] =	vst v2;
	v8 =	vld [tilespmem:s11+$0x10];
	v0 =	vmul.f32 v0, v34  }
0x61: {  	v42 =	vld [tilespmem:s17+$0xFFFFFEB0];
	[tilespmem:s15+$0xFFFFFF20] =	vst v1;
	v3 =	vmul.f32 v3, v6  }
0x62: {  	v43 =	vld [tilespmem:s17+$0xFFFFFF30];
	[tilespmem:s15+$0x90] =	vst v0  }
0x63: {  	v0 =	vmul.f32 v7, v35;
	[tilespmem:s15+$0xFFFFFE20] =	vst v3;
	v40 =	vld [tilespmem:s17+$0xA0]  }
0x64: {  	v5 =	vmul.f32 v5, v9;
	v4 =	vld [tilespmem:s17+$0xFFFFFE30]  }
0x65: {  	[tilespmem:s15+$0x110] =	vst v0;
	v0 =	vld [tilespmem:s11+$0xA0]  }
0x66: {  	[tilespmem:s15+$0x1C0] =	vst v5;
	v41 =	vld [tilespmem:s17+$0x120]  }
0x67: {  	v5 =	vmul.f32 v8, v33;
	v8 =	vld [tilespmem:s17+$0x1D0]  }
0x68: {  	v38 =	vld [tilespmem:s11+$0x1D0]  }
0x69: {  	[tilespmem:s15+$0x10] =	vst v5;
	v5 =	vld [tilespmem:s11+$0xFFFFFFA0]  }
0x6a: {  	v6 =	vld [tilespmem:s11+$0x120]  }
0x6b: {  	v2 =	vld [tilespmem:s11+$0xFFFFFE30]  }
0x6c: {  	v39 =	vld [tilespmem:s17+$0x20];
	v0 =	vmul.f32 v0, v40  }
0x6d: {  	v7 =	vld [tilespmem:s11+$0x20];
	v8 =	vmul.f32 v38, v8  }
0x6e: {  	[tilespmem:s15+$0xA0] =	vst v0;
	v1 =	vmul.f32 v5, v37;
	v5 =	vld [tilespmem:s11+$0xFFFFFEB0]  }
0x6f: {  	v0 =	vmul.f32 v6, v41;
	v46 =	vld [tilespmem:s17+$0xB0];
	[tilespmem:s15+$0x1D0] =	vst v8  }
0x70: {  	v8 =	vld [tilespmem:s17+$0x1E0]  }
0x71: {  	[tilespmem:s15+$0x120] =	vst v0;
	v3 =	vld [tilespmem:s11+$0x1E0]  }
0x72: {  	v0 =	vmul.f32 v2, v4;
	[tilespmem:s15+$0xFFFFFFA0] =	vst v1;
	v1 =	vld [tilespmem:s11+$0xFFFFFF30]  }
0x73: {  	v2 =	vld [tilespmem:s11+$0xB0]  }
0x74: {  	v4 =	vld [tilespmem:s17+$0x130];
	[tilespmem:s15+$0xFFFFFE30] =	vst v0  }
0x75: {  	v47 =	vld [tilespmem:s17+$0xFFFFFE40];
	v0 =	vmul.f32 v5, v42  }
0x76: {  	v5 =	vld [tilespmem:s11+$0x130]  }
0x77: {  	v3 =	vmul.f32 v3, v8;
	[tilespmem:s15+$0xFFFFFEB0] =	vst v0;
	v0 =	vmul.f32 v1, v43;
	v1 =	vld [tilespmem:s11+$0xFFFFFE40]  }
0x78: {  	v8 =	vld [tilespmem:s17+$0xFFFFFFB0]  }
0x79: {  	v48 =	vld [tilespmem:s17+$0xFFFFFEC0];
	[tilespmem:s15+$0x1E0] =	vst v3;
	v3 =	vmul.f32 v7, v39  }
0x7a: {  	v7 =	vld [tilespmem:s17+$0x1F0]  }
0x7b: {  	[tilespmem:s15+$0x20] =	vst v3;
	v3 =	vld [tilespmem:s11+$0xFFFFFFB0]  }
0x7c: {  	v45 =	vld [tilespmem:s17+$0x30];
	v1 =	vmul.f32 v1, v47  }
0x7d: {  	v6 =	vld [tilespmem:s11+$0x30]  }
0x7e: {  	v44 =	vld [tilespmem:s11+$0x1F0];
	[tilespmem:s15+$0xFFFFFE40] =	vst v1  }
0x7f: {  	v52 =	vld [tilespmem:s17+$0xFFFFFE50]  }
0x80: {  	[tilespmem:s15+$0xFFFFFF30] =	vst v0;
	v0 =	vmul.f32 v3, v8;
	v3 =	vld [tilespmem:s11+$0xFFFFFEC0]  }
0x81: {  	v8 =	vld [tilespmem:s17+$0xFFFFFF40]  }
0x82: {  	[tilespmem:s15+$0xFFFFFFB0] =	vst v0;
	v0 =	vmul.f32 v6, v45;
	v6 =	vld [tilespmem:s11+$0xFFFFFF40]  }
0x83: {  	v49 =	vld [tilespmem:s17+$0xFFFFFFC0]  }
0x84: {  	[tilespmem:s15+$0x30] =	vst v0;
	v0 =	vmul.f32 v2, v46;
	v2 =	vld [tilespmem:s11+$0xFFFFFFC0]  }
0x85: {  	v50 =	vld [tilespmem:s17+$0x40]  }
0x86: {  	v1 =	vmul.f32 v3, v48;
	[tilespmem:s15+$0xB0] =	vst v0;
	v0 =	vmul.f32 v5, v4;
	v4 =	vld [tilespmem:s11+$0x40]  }
0x87: {  	v5 =	vld [tilespmem:s17+$0xC0]  }
0x88: {  	[tilespmem:s15+$0xFFFFFEC0] =	vst v1;
	v1 =	vmul.f32 v6, v8;
	v6 =	vld [tilespmem:s11+$0xFFFFFE50]  }
0x89: {  	[tilespmem:s15+$0x130] =	vst v0;
	v0 =	vld [tilespmem:s11+$0xC0]  }
0x8a: {  	v8 =	vld [tilespmem:s17+$0xFFFFFED0]  }
0x8b: {  	v51 =	vld [tilespmem:s17+$0x140]  }
0x8c: {  	v3 =	vld [tilespmem:s11+$0x140]  }
0x8d: {  	[tilespmem:s15+$0xFFFFFF40] =	vst v1;
	v1 =	vmul.f32 v2, v49;
	v2 =	vld [tilespmem:s11+$0xFFFFFED0]  }
0x8e: {  	v53 =	vld [tilespmem:s17+$0xFFFFFF50]  }
0x8f: {  	[tilespmem:s15+$0xFFFFFFC0] =	vst v1;
	v1 =	vmul.f32 v4, v50;
	v4 =	vld [tilespmem:s11+$0xFFFFFF50]  }
0x90: {  	v54 =	vld [tilespmem:s17+$0xFFFFFFD0];
	v6 =	vmul.f32 v6, v52  }
0x91: {  	[tilespmem:s15+$0x40] =	vst v1;
	v0 =	vmul.f32 v0, v5;
	v1 =	vld [tilespmem:s11+$0xFFFFFFD0]  }
0x92: {  	v5 =	vld [tilespmem:s17+$0x50];
	[tilespmem:s15+$0xFFFFFE50] =	vst v6  }
0x93: {  	[tilespmem:s15+$0xC0] =	vst v0;
	v0 =	vmul.f32 v3, v51;
	v3 =	vld [tilespmem:s11+$0x50]  }
0x94: {  	v2 =	vmul.f32 v2, v8;
	v8 =	vld [tilespmem:s17+$0xFFFFFE60]  }
0x95: {  	v55 =	vld [tilespmem:s17+$0xD0]  }
0x96: {  	[tilespmem:s15+$0xFFFFFED0] =	vst v2;
	v2 =	vmul.f32 v4, v53;
	v4 =	vld [tilespmem:s11+$0xFFFFFE60]  }
0x97: {  	[tilespmem:s15+$0x140] =	vst v0;
	v0 =	vld [tilespmem:s11+$0xD0]  }
0x98: {  	v57 =	vld [tilespmem:s17+$0xFFFFFEE0]  }
0x99: {  	v56 =	vld [tilespmem:s17+$0x150]  }
0x9a: {  	v6 =	vld [tilespmem:s11+$0x150]  }
0x9b: {  	[tilespmem:s15+$0xFFFFFF50] =	vst v2;
	v1 =	vmul.f32 v1, v54;
	v2 =	vld [tilespmem:s11+$0xFFFFFEE0]  }
0x9c: {  	v58 =	vld [tilespmem:s17+$0xFFFFFF60]  }
0x9d: {  	[tilespmem:s15+$0xFFFFFFD0] =	vst v1;
	v1 =	vmul.f32 v3, v5;
	v3 =	vld [tilespmem:s11+$0xFFFFFF60]  }
0x9e: {  	v5 =	vld [tilespmem:s17+$0xFFFFFFE0];
	v4 =	vmul.f32 v4, v8  }
0x9f: {  	[tilespmem:s15+$0x50] =	vst v1;
	v0 =	vmul.f32 v0, v55;
	v1 =	vld [tilespmem:s11+$0xFFFFFFE0]  }
0xa0: {  	v59 =	vld [tilespmem:s17+$0x60];
	[tilespmem:s15+$0xFFFFFE60] =	vst v4  }
0xa1: {  	[tilespmem:s15+$0xD0] =	vst v0;
	v0 =	vmul.f32 v6, v56;
	v6 =	vld [tilespmem:s11+$0x60]  }
0xa2: {  	v2 =	vmul.f32 v2, v57;
	v61 =	vld [tilespmem:s17+$0xFFFFFE70]  }
0xa3: {  	v60 =	vld [tilespmem:s17+$0xE0]  }
0xa4: {  	[tilespmem:s15+$0xFFFFFEE0] =	vst v2;
	v2 =	vmul.f32 v3, v58;
	v3 =	vld [tilespmem:s11+$0xFFFFFE70]  }
0xa5: {  	[tilespmem:s15+$0x150] =	vst v0;
	v0 =	vld [tilespmem:s11+$0xE0]  }
0xa6: {  	v62 =	vld [tilespmem:s17+$0xFFFFFEF0]  }
0xa7: {  	v8 =	vld [tilespmem:s17+$0x160]  }
0xa8: {  	v4 =	vld [tilespmem:s11+$0x160]  }
0xa9: {  	[tilespmem:s15+$0xFFFFFF60] =	vst v2;
	v1 =	vmul.f32 v1, v5;
	v5 =	vld [tilespmem:s11+$0xFFFFFEF0]  }
0xaa: {  	v14 =	vld [tilespmem:s17+$0xFFFFFF70]  }
0xab: {  	[tilespmem:s15+$0xFFFFFFE0] =	vst v1;
	v1 =	vmul.f32 v6, v59;
	v6 =	vld [tilespmem:s11+$0xFFFFFF70]  }
0xac: {  	v2 =	vmul.f32 v44, v7;
	v7 =	vld [tilespmem:s17+$0xFFFFFFF0]  }
0xad: {  	v63 =	vld [tilespmem:s11+$0xFFFFFFF0];
	[tilespmem:s15+$0x60] =	vst v1;
	v1 =	vmul.f32 v0, v60  }
0xae: {  	[tilespmem:s15+$0x1F0] =	vst v2;
	v3 =	vmul.f32 v3, v61;
	v0 =	vld [tilespmem:s17+$0x70]  }
0xaf: {  	v4 =	vmul.f32 v4, v8;
	v2 =	vld [tilespmem:s11+$0x70];
	[tilespmem:s15+$0xE0] =	vst v1  }
0xb0: {  	[tilespmem:s15+$0xFFFFFE70] =	vst v3;
	v1 =	vld [tilespmem:s17+$0xF0];
	v6 =	vmul.f32 v6, v14  }
0xb1: {  	v5 =	vmul.f32 v5, v62;
	[tilespmem:s15+$0x160] =	vst v4;
	v4 =	vld [tilespmem:s11+$0xF0]  }
0xb2: {  	v3 =	vld [tilespmem:s17+$0x170];
	[tilespmem:s15+$0xFFFFFF70] =	vst v6;
	v6 =	vmul.f32 v63, v7  }
0xb3: {  	s16 =	simm.s32 $0x0;
	[tilespmem:s15+$0xFFFFFEF0] =	vst v5;
	v5 =	vld [tilespmem:s11+$0x170];
	s17 =	simm.s32 $0x2D80  }
.LBB2_3:
0xb4: {  	v7 =	vld [tilespmem:s17+$0x180];
	[tilespmem:s15+$0xFFFFFFF0] =	vst v6;
	v0 =	vmul.f32 v2, v0;
	s11 =	sadd.s32 $0x400, s11  }
0xb5: {  	v2 =	vld [tilespmem:s11+$0x180]  }
0xb6: {  	v6 =	vld [tilespmem:s11+$0xFFFFFE00];
	[tilespmem:s15+$0x70] =	vst v0;
	v0 =	vmul.f32 v4, v1  }
0xb7: {  	v1 =	vld [tilespmem:s17+$0xFFFFFE80]  }
0xb8: {  	v4 =	vld [tilespmem:s11+$0xFFFFFE80];
	[tilespmem:s15+$0xF0] =	vst v0;
	v0 =	vmul.f32 v5, v3  }
0xb9: {  	v3 =	vld [tilespmem:s17+$0xFFFFFF00]  }
0xba: {  	v5 =	vld [tilespmem:s11+$0xFFFFFF00];
	v2 =	vmul.f32 v2, v7;
	[tilespmem:s15+$0x170] =	vst v0  }
0xbb: {  	s15 =	sadd.s32 $0x400, s15;
	v0 =	vld [tilespmem:s17+$0xFFFFFF80]  }
0xbc: {  	s16 =	sadd.s32 $0x8, s16;
	v7 =	vld [tilespmem:s11+$0xFFFFFF80];
	[tilespmem:s15+$0x180] =	vst v2  }
0xbd: {  	p1 =	slt.u32 s16, $0x48;
	v1 =	vmul.f32 v4, v1;
	v2 =	vld [tilespmem:s17+$0x190]  }
0xbe: {  	v4 =	vld [tilespmem:s11+$0x190]  }
0xbf: {  	[tilespmem:s15+$0xFFFFFE80] =	vst v1;
	v1 =	vmul.f32 v5, v3;
	v3 =	vld [tilespmem:s17+$0x0]  }
0xc0: {  	v5 =	vld [tilespmem:s11+$0x0]  }
0xc1: {  	[tilespmem:s15+$0xFFFFFF00] =	vst v1;
	v0 =	vmul.f32 v7, v0;
	v1 =	vld [tilespmem:s17+$0x80]  }
0xc2: {  	v7 =	vld [tilespmem:s11+$0x80]  }
0xc3: {  	[tilespmem:s15+$0xFFFFFF80] =	vst v0;
	v0 =	vld [tilespmem:s17+$0x100];
	v2 =	vmul.f32 v4, v2  }
0xc4: {  	v4 =	vld [tilespmem:s11+$0x100]  }
0xc5: {  	v8 =	vld [tilespmem:s17+$0xFFFFFE00];
	v3 =	vmul.f32 v5, v3;
	[tilespmem:s15+$0x190] =	vst v2  }
0xc6: {  	v2 =	vld [tilespmem:s17+$0x1A0]  }
0xc7: {  	[tilespmem:s15+$0x0] =	vst v3;
	v1 =	vmul.f32 v7, v1;
	v3 =	vld [tilespmem:s11+$0x1A0]  }
0xc8: {  	v5 =	vld [tilespmem:s17+$0xFFFFFE90]  }
0xc9: {  	v7 =	vld [tilespmem:s11+$0xFFFFFE90];
	[tilespmem:s15+$0x80] =	vst v1;
	v0 =	vmul.f32 v4, v0  }
0xca: {  	v1 =	vmul.f32 v6, v8;
	v4 =	vld [tilespmem:s17+$0xFFFFFF10]  }
0xcb: {  	v6 =	vld [tilespmem:s11+$0xFFFFFF10];
	[tilespmem:s15+$0x100] =	vst v0  }
0xcc: {  	[tilespmem:s15+$0xFFFFFE00] =	vst v1;
	v0 =	vld [tilespmem:s17+$0xFFFFFF90];
	v1 =	vmul.f32 v3, v2  }
0xcd: {  	v2 =	vld [tilespmem:s17+$0xFFFFFE10]  }
0xce: {  	v3 =	vld [tilespmem:s11+$0xFFFFFE10];
	v5 =	vmul.f32 v7, v5;
	[tilespmem:s15+$0x1A0] =	vst v1  }
0xcf: {  	v1 =	vld [tilespmem:s17+$0x1B0]  }
0xd0: {  	[tilespmem:s15+$0xFFFFFE90] =	vst v5;
	v4 =	vmul.f32 v6, v4;
	v5 =	vld [tilespmem:s11+$0x1B0]  }
0xd1: {  	v6 =	vld [tilespmem:s11+$0xFFFFFF90]  }
0xd2: {  	[tilespmem:s15+$0xFFFFFF10] =	vst v4;
	v4 =	vld [tilespmem:s17+$0x10]  }
0xd3: {  	v2 =	vmul.f32 v3, v2;
	v3 =	vld [tilespmem:s11+$0x10]  }
0xd4: {  	v7 =	vld [tilespmem:s17+$0x90]  }
0xd5: {  	[tilespmem:s15+$0xFFFFFE10] =	vst v2;
	v2 =	vld [tilespmem:s11+$0x90];
	v1 =	vmul.f32 v5, v1  }
0xd6: {  	v0 =	vmul.f32 v6, v0;
	v5 =	vld [tilespmem:s17+$0x110]  }
0xd7: {  	v6 =	vld [tilespmem:s11+$0x110];
	[tilespmem:s15+$0x1B0] =	vst v1  }
0xd8: {  	[tilespmem:s15+$0xFFFFFF90] =	vst v0;
	v0 =	vmul.f32 v3, v4;
	v1 =	vld [tilespmem:s17+$0x1C0]  }
0xd9: {  	v3 =	vld [tilespmem:s11+$0x1C0]  }
0xda: {  	v4 =	vld [tilespmem:s17+$0xFFFFFE20];
	[tilespmem:s15+$0x10] =	vst v0;
	v0 =	vmul.f32 v2, v7  }
0xdb: {  	v2 =	vld [tilespmem:s11+$0xFFFFFE20]  }
0xdc: {  	v7 =	vld [tilespmem:s17+$0xFFFFFEA0];
	[tilespmem:s15+$0x90] =	vst v0;
	v0 =	vmul.f32 v6, v5  }
0xdd: {  	v5 =	vld [tilespmem:s11+$0xFFFFFEA0]  }
0xde: {  	v6 =	vld [tilespmem:s17+$0xFFFFFF20];
	[tilespmem:s15+$0x110] =	vst v0;
	v0 =	vmul.f32 v3, v1  }
0xdf: {  	v1 =	vld [tilespmem:s11+$0xFFFFFF20]  }
0xe0: {  	v2 =	vmul.f32 v2, v4;
	v3 =	vld [tilespmem:s17+$0xFFFFFFA0];
	[tilespmem:s15+$0x1C0] =	vst v0  }
0xe1: {  	v0 =	vld [tilespmem:s17+$0x1D0]  }
0xe2: {  	[tilespmem:s15+$0xFFFFFE20] =	vst v2;
	v2 =	vmul.f32 v5, v7;
	v4 =	vld [tilespmem:s11+$0x1D0]  }
0xe3: {  	v5 =	vld [tilespmem:s11+$0xFFFFFFA0]  }
0xe4: {  	[tilespmem:s15+$0xFFFFFEA0] =	vst v2;
	v1 =	vmul.f32 v1, v6;
	v2 =	vld [tilespmem:s17+$0x20]  }
0xe5: {  	v6 =	vld [tilespmem:s11+$0x20]  }
0xe6: {  	[tilespmem:s15+$0xFFFFFF20] =	vst v1;
	v1 =	vld [tilespmem:s17+$0xA0]  }
0xe7: {  	v7 =	vld [tilespmem:s11+$0xA0];
	v0 =	vmul.f32 v4, v0  }
0xe8: {  	v3 =	vmul.f32 v5, v3;
	v4 =	vld [tilespmem:s17+$0x120]  }
0xe9: {  	v5 =	vld [tilespmem:s11+$0x120];
	[tilespmem:s15+$0x1D0] =	vst v0  }
0xea: {  	[tilespmem:s15+$0xFFFFFFA0] =	vst v3;
	v0 =	vmul.f32 v6, v2;
	v2 =	vld [tilespmem:s17+$0x1E0]  }
0xeb: {  	v3 =	vld [tilespmem:s11+$0x1E0]  }
0xec: {  	v6 =	vld [tilespmem:s17+$0xFFFFFE30];
	[tilespmem:s15+$0x20] =	vst v0;
	v0 =	vmul.f32 v7, v1  }
0xed: {  	v1 =	vld [tilespmem:s11+$0xFFFFFE30]  }
0xee: {  	v7 =	vld [tilespmem:s17+$0xFFFFFEB0];
	[tilespmem:s15+$0xA0] =	vst v0;
	v0 =	vmul.f32 v5, v4  }
0xef: {  	v4 =	vld [tilespmem:s11+$0xFFFFFEB0]  }
0xf0: {  	v5 =	vld [tilespmem:s17+$0xFFFFFF30];
	[tilespmem:s15+$0x120] =	vst v0;
	v0 =	vmul.f32 v3, v2  }
0xf1: {  	v2 =	vld [tilespmem:s11+$0xFFFFFF30]  }
0xf2: {  	v1 =	vmul.f32 v1, v6;
	v3 =	vld [tilespmem:s17+$0xFFFFFFB0];
	[tilespmem:s15+$0x1E0] =	vst v0  }
0xf3: {  	v0 =	vld [tilespmem:s17+$0x1F0]  }
0xf4: {  	[tilespmem:s15+$0xFFFFFE30] =	vst v1;
	v1 =	vmul.f32 v4, v7;
	v4 =	vld [tilespmem:s11+$0x1F0]  }
0xf5: {  	v6 =	vld [tilespmem:s11+$0xFFFFFFB0]  }
0xf6: {  	[tilespmem:s15+$0xFFFFFEB0] =	vst v1;
	v1 =	vmul.f32 v2, v5;
	v2 =	vld [tilespmem:s17+$0x30]  }
0xf7: {  	v5 =	vld [tilespmem:s11+$0x30]  }
0xf8: {  	[tilespmem:s15+$0xFFFFFF30] =	vst v1;
	v1 =	vld [tilespmem:s17+$0xB0]  }
0xf9: {  	v7 =	vld [tilespmem:s11+$0xB0];
	v0 =	vmul.f32 v4, v0  }
0xfa: {  	v3 =	vmul.f32 v6, v3;
	v4 =	vld [tilespmem:s17+$0x130]  }
0xfb: {  	v6 =	vld [tilespmem:s11+$0x130];
	[tilespmem:s15+$0x1F0] =	vst v0  }
0xfc: {  	v0 =	vld [tilespmem:s17+$0xFFFFFE40];
	[tilespmem:s15+$0xFFFFFFB0] =	vst v3;
	v2 =	vmul.f32 v5, v2  }
0xfd: {  	v3 =	vld [tilespmem:s11+$0xFFFFFE40]  }
0xfe: {  	v5 =	vld [tilespmem:s17+$0xFFFFFEC0];
	[tilespmem:s15+$0x30] =	vst v2;
	v1 =	vmul.f32 v7, v1  }
0xff: {  	v2 =	vld [tilespmem:s11+$0xFFFFFEC0]  }
0x100: {  	v7 =	vld [tilespmem:s17+$0xFFFFFF40];
	[tilespmem:s15+$0xB0] =	vst v1;
	v1 =	vmul.f32 v6, v4  }
0x101: {  	v4 =	vld [tilespmem:s11+$0xFFFFFF40]  }
0x102: {  	v0 =	vmul.f32 v3, v0;
	v3 =	vld [tilespmem:s17+$0xFFFFFFC0];
	[tilespmem:s15+$0x130] =	vst v1  }
0x103: {  	v1 =	vld [tilespmem:s11+$0xFFFFFFC0]  }
0x104: {  	[tilespmem:s15+$0xFFFFFE40] =	vst v0;
	v0 =	vmul.f32 v2, v5;
	v2 =	vld [tilespmem:s17+$0x40]  }
0x105: {  	v5 =	vld [tilespmem:s11+$0x40]  }
0x106: {  	[tilespmem:s15+$0xFFFFFEC0] =	vst v0;
	v0 =	vmul.f32 v4, v7;
	v4 =	vld [tilespmem:s17+$0xC0]  }
0x107: {  	v6 =	vld [tilespmem:s11+$0xC0]  }
0x108: {  	[tilespmem:s15+$0xFFFFFF40] =	vst v0;
	v0 =	vmul.f32 v1, v3;
	v1 =	vld [tilespmem:s17+$0x140]  }
0x109: {  	v3 =	vld [tilespmem:s11+$0x140]  }
0x10a: {  	v7 =	vld [tilespmem:s17+$0xFFFFFE50];
	[tilespmem:s15+$0xFFFFFFC0] =	vst v0;
	v0 =	vmul.f32 v5, v2  }
0x10b: {  	v2 =	vld [tilespmem:s11+$0xFFFFFE50]  }
0x10c: {  	v5 =	vld [tilespmem:s17+$0xFFFFFED0];
	[tilespmem:s15+$0x40] =	vst v0;
	v0 =	vmul.f32 v6, v4  }
0x10d: {  	v4 =	vld [tilespmem:s11+$0xFFFFFED0]  }
0x10e: {  	v6 =	vld [tilespmem:s17+$0xFFFFFF50];
	[tilespmem:s15+$0xC0] =	vst v0;
	v0 =	vmul.f32 v3, v1  }
0x10f: {  	v1 =	vld [tilespmem:s11+$0xFFFFFF50]  }
0x110: {  	v2 =	vmul.f32 v2, v7;
	v3 =	vld [tilespmem:s17+$0xFFFFFFD0];
	[tilespmem:s15+$0x140] =	vst v0  }
0x111: {  	v0 =	vld [tilespmem:s11+$0xFFFFFFD0]  }
0x112: {  	[tilespmem:s15+$0xFFFFFE50] =	vst v2;
	v2 =	vmul.f32 v4, v5;
	v4 =	vld [tilespmem:s17+$0x50]  }
0x113: {  	v5 =	vld [tilespmem:s11+$0x50]  }
0x114: {  	[tilespmem:s15+$0xFFFFFED0] =	vst v2;
	v1 =	vmul.f32 v1, v6;
	v2 =	vld [tilespmem:s17+$0xD0]  }
0x115: {  	v6 =	vld [tilespmem:s11+$0xD0]  }
0x116: {  	[tilespmem:s15+$0xFFFFFF50] =	vst v1;
	v0 =	vmul.f32 v0, v3;
	v1 =	vld [tilespmem:s17+$0x150]  }
0x117: {  	v3 =	vld [tilespmem:s11+$0x150]  }
0x118: {  	v7 =	vld [tilespmem:s17+$0xFFFFFE60];
	[tilespmem:s15+$0xFFFFFFD0] =	vst v0;
	v0 =	vmul.f32 v5, v4  }
0x119: {  	v4 =	vld [tilespmem:s11+$0xFFFFFE60]  }
0x11a: {  	v5 =	vld [tilespmem:s17+$0xFFFFFEE0];
	[tilespmem:s15+$0x50] =	vst v0;
	v0 =	vmul.f32 v6, v2  }
0x11b: {  	v2 =	vld [tilespmem:s11+$0xFFFFFEE0]  }
0x11c: {  	v6 =	vld [tilespmem:s17+$0xFFFFFF60];
	[tilespmem:s15+$0xD0] =	vst v0;
	v0 =	vmul.f32 v3, v1  }
0x11d: {  	v1 =	vld [tilespmem:s11+$0xFFFFFF60]  }
0x11e: {  	v3 =	vmul.f32 v4, v7;
	v4 =	vld [tilespmem:s17+$0xFFFFFFE0];
	[tilespmem:s15+$0x150] =	vst v0  }
0x11f: {  	v0 =	vld [tilespmem:s11+$0xFFFFFFE0]  }
0x120: {  	[tilespmem:s15+$0xFFFFFE60] =	vst v3;
	v2 =	vmul.f32 v2, v5;
	v3 =	vld [tilespmem:s17+$0x60]  }
0x121: {  	v5 =	vld [tilespmem:s11+$0x60]  }
0x122: {  	[tilespmem:s15+$0xFFFFFEE0] =	vst v2;
	v1 =	vmul.f32 v1, v6;
	v2 =	vld [tilespmem:s17+$0xE0]  }
0x123: {  	v6 =	vld [tilespmem:s11+$0xE0]  }
0x124: {  	[tilespmem:s15+$0xFFFFFF60] =	vst v1;
	v0 =	vmul.f32 v0, v4;
	v1 =	vld [tilespmem:s17+$0x160]  }
0x125: {  	v4 =	vld [tilespmem:s11+$0x160]  }
0x126: {  	v7 =	vld [tilespmem:s17+$0xFFFFFE70];
	[tilespmem:s15+$0xFFFFFFE0] =	vst v0;
	v0 =	vmul.f32 v5, v3  }
0x127: {  	v3 =	vld [tilespmem:s11+$0xFFFFFE70]  }
0x128: {  	v5 =	vld [tilespmem:s17+$0xFFFFFEF0];
	[tilespmem:s15+$0x60] =	vst v0;
	v0 =	vmul.f32 v6, v2  }
0x129: {  	v2 =	vld [tilespmem:s11+$0xFFFFFEF0]  }
0x12a: {  	v6 =	vld [tilespmem:s17+$0xFFFFFF70];
	[tilespmem:s15+$0xE0] =	vst v0;
	v0 =	vmul.f32 v4, v1  }
0x12b: {  	v1 =	vld [tilespmem:s11+$0xFFFFFF70]  }
0x12c: {  	v3 =	vmul.f32 v3, v7;
	v7 =	vld [tilespmem:s17+$0xFFFFFFF0];
	[tilespmem:s15+$0x160] =	vst v0  }
0x12d: {  	v8 =	vld [tilespmem:s11+$0xFFFFFFF0]  }
0x12e: {  	[tilespmem:s15+$0xFFFFFE70] =	vst v3;
	v3 =	vmul.f32 v2, v5;
	v0 =	vld [tilespmem:s17+$0x70]  }
.Ltmp0:
0x12f: {  	v2 =	vld [tilespmem:s11+$0x70];
	(pc) =	sbr.rel @p1 .LBB2_3-.Ltmp0, $4  }
0x130: {  	[tilespmem:s15+$0xFFFFFEF0] =	vst v3;
	v3 =	vmul.f32 v1, v6;
	v1 =	vld [tilespmem:s17+$0xF0]  }
0x131: {  	v4 =	vld [tilespmem:s11+$0xF0]  }
0x132: {  	[tilespmem:s15+$0xFFFFFF70] =	vst v3;
	v6 =	vmul.f32 v8, v7;
	v3 =	vld [tilespmem:s17+$0x170]  }
0x133: {  	s17 =	sadd.s32 $0x400, s17;
	v5 =	vld [tilespmem:s11+$0x170]  }
0x134: {  	_ =	sdelay $0x1  }
0x135: {  	v0 =	vmul.f32 v2, v0;
	s11 =	smul.u32 $0x140, s10  }
0x136: {  	[tilespmem:s15+$0xFFFFFFF0] =	vst v6;
	v1 =	vmul.f32 v4, v1  }
0x137: {  	[tilespmem:s15+$0x70] =	vst v0;
	s9 =	sadd.s32 s6, s11;
	v0 =	vmul.f32 v5, v3  }
0x138: {  	s9 =	sshll.u32 s9, $0x4;
	[tilespmem:s15+$0xF0] =	vst v1  }
0x139: {  	s16 =	sadd.s32 $0x140, s11;
	s9 =	sadd.s32 s4, s9;
	[tilespmem:s15+$0x170] =	vst v0  }
0x13a: {  	[hbm4b:s9+s5] =	stream.linear.scatter [tilespmem:s3], [sflag:$0x9], $0x2800, $0x38;
	[tilespmem:$0x1B780] =	vst v63  }
0x13b: {  	s9 =	sadd.s32 s6, s16  }
0x13c: {  	s9 =	sshll.u32 s9, $0x4  }
0x13d: {  	[tilespmem:s19], [sflag:$0x1] =	stream.indirect.gather [hbm4b:s1+s18], $0x80, s16, s18, $0xb8;
	[tilespmem:$0x1B780] =	vst v63  }
0x13e: {  	s9 =	sadd.s32 s2, s9  }
0x13f: {  	[tilespmem:s20], [sflag:$0x5] =	stream.linear.gather [hbm4b:s9+s5], $0x2800, $0x38;
	[tilespmem:$0x1B780] =	vst v63  }
0x140: {  	_ =	swait.ge [sflag:s0], $0x2800  }
0x141: {  	[sflag:s0] =	ssyncset.done $0x0  }
0x142: {  	[sflag:s0] =	ssyncadd.s32 $0xFFFFD800  }
0x143: {  	_ =	swait.ge [sflag:s21], $0x2800  }
0x144: {  	[sflag:s21] =	ssyncset.done $0x0  }
0x145: {  	s9 =	simm.s32 @!p0 $0xA;
	[sflag:s21] =	ssyncadd.s32 $0xFFFFD800  }
0x146: {  	_ =	swait.ge @!p0 [sflag:s9], $0x2800  }
0x147: {  	[sflag:s9] =	ssyncset.done @!p0 $0x0  }
0x148: {  	s17 =	simm.s32 $0x5180;
	[sflag:s9] =	ssyncadd.s32 @!p0 $0xFFFFD800  }
0x149: {  	s16 =	simm.s32 $0xF180;
	v0 =	vld [tilespmem:s17+$0x180]  }
0x14a: {  	v1 =	vld [tilespmem:s16+$0x180]  }
0x14b: {  	v2 =	vld [tilespmem:s16+$0xFFFFFE00]  }
0x14c: {  	v3 =	vld [tilespmem:s17+$0xFFFFFE80]  }
0x14d: {  	v4 =	vld [tilespmem:s16+$0xFFFFFE80]  }
0x14e: {  	v5 =	vld [tilespmem:s17+$0xFFFFFF00]  }
0x14f: {  	v6 =	vld [tilespmem:s16+$0xFFFFFF00]  }
0x150: {  	v7 =	vld [tilespmem:s16+$0xFFFFFF80]  }
0x151: {  	v9 =	vld [tilespmem:s17+$0x0]  }
0x152: {  	v10 =	vld [tilespmem:s16+$0x0]  }
0x153: {  	v11 =	vld [tilespmem:s17+$0x80]  }
0x154: {  	v12 =	vld [tilespmem:s16+$0x80];
	v0 =	vmul.f32 v1, v0  }
0x155: {  	s15 =	simm.s32 $0x19180;
	v1 =	vld [tilespmem:s17+$0xFFFFFF80]  }
0x156: {  	v3 =	vmul.f32 v4, v3;
	v4 =	vld [tilespmem:s17+$0xFFFFFE00];
	[tilespmem:s15+$0x180] =	vst v0  }
0x157: {  	v0 =	vld [tilespmem:s17+$0x190]  }
0x158: {  	v8 =	vld [tilespmem:s16+$0x190]  }
0x159: {  	v13 =	vld [tilespmem:s17+$0x100];
	[tilespmem:s15+$0xFFFFFE80] =	vst v3;
	v3 =	vmul.f32 v6, v5  }
0x15a: {  	v6 =	vld [tilespmem:s17+$0xFFFFFE90]  }
0x15b: {  	[tilespmem:s15+$0xFFFFFF00] =	vst v3;
	v3 =	vld [tilespmem:s16+$0xFFFFFE90];
	v1 =	vmul.f32 v7, v1  }
0x15c: {  	v2 =	vmul.f32 v2, v4;
	v4 =	vld [tilespmem:s17+$0xFFFFFF10]  }
0x15d: {  	[tilespmem:s15+$0xFFFFFF80] =	vst v1;
	v1 =	vld [tilespmem:s16+$0xFFFFFF10];
	v0 =	vmul.f32 v8, v0  }
0x15e: {  	[tilespmem:s15+$0xFFFFFE00] =	vst v2;
	v2 =	vld [tilespmem:s17+$0xFFFFFF90]  }
0x15f: {  	v32 =	vld [tilespmem:s16+$0xFFFFFF90];
	[tilespmem:s15+$0x190] =	vst v0  }
0x160: {  	v0 =	vld [tilespmem:s17+$0x1A0]  }
0x161: {  	v3 =	vmul.f32 v3, v6;
	v5 =	vld [tilespmem:s16+$0x1A0]  }
0x162: {  	v8 =	vld [tilespmem:s16+$0x100]  }
0x163: {  	v7 =	vld [tilespmem:s16+$0xFFFFFE10];
	[tilespmem:s15+$0xFFFFFE90] =	vst v3;
	v1 =	vmul.f32 v1, v4  }
0x164: {  	v4 =	vld [tilespmem:s17+$0xFFFFFEA0]  }
0x165: {  	[tilespmem:s15+$0xFFFFFF10] =	vst v1;
	v1 =	vmul.f32 v32, v2;
	v2 =	vld [tilespmem:s16+$0xFFFFFEA0]  }
0x166: {  	v0 =	vmul.f32 v5, v0;
	v5 =	vld [tilespmem:s17+$0xFFFFFE10]  }
0x167: {  	v36 =	vld [tilespmem:s17+$0xFFFFFF20];
	[tilespmem:s15+$0xFFFFFF90] =	vst v1  }
0x168: {  	v1 =	vld [tilespmem:s16+$0xFFFFFF20];
	[tilespmem:s15+$0x1A0] =	vst v0;
	v0 =	vmul.f32 v10, v9  }
0x169: {  	v37 =	vld [tilespmem:s17+$0xFFFFFFA0]  }
0x16a: {  	v30 =	vld [tilespmem:s17+$0x1B0];
	[tilespmem:s15+$0x0] =	vst v0;
	v0 =	vmul.f32 v12, v11  }
0x16b: {  	v31 =	vld [tilespmem:s16+$0x1B0];
	v5 =	vmul.f32 v7, v5  }
0x16c: {  	v33 =	vld [tilespmem:s17+$0x10];
	[tilespmem:s15+$0x80] =	vst v0;
	v0 =	vmul.f32 v8, v13  }
0x16d: {  	v34 =	vld [tilespmem:s17+$0x90];
	[tilespmem:s15+$0xFFFFFE10] =	vst v5  }
0x16e: {  	[tilespmem:s15+$0x100] =	vst v0;
	v0 =	vld [tilespmem:s16+$0x90]  }
0x16f: {  	v6 =	vld [tilespmem:s17+$0xFFFFFE20]  }
0x170: {  	v9 =	vmul.f32 v31, v30;
	v3 =	vld [tilespmem:s16+$0xFFFFFE20]  }
0x171: {  	v35 =	vld [tilespmem:s17+$0x110]  }
0x172: {  	v7 =	vld [tilespmem:s16+$0x110];
	[tilespmem:s15+$0x1B0] =	vst v9  }
0x173: {  	v2 =	vmul.f32 v2, v4;
	v9 =	vld [tilespmem:s17+$0x1C0]  }
0x174: {  	v1 =	vmul.f32 v1, v36;
	v5 =	vld [tilespmem:s16+$0x1C0]  }
0x175: {  	[tilespmem:s15+$0xFFFFFEA0] =	vst v2;
	v8 =	vld [tilespmem:s16+$0x10];
	v0 =	vmul.f32 v0, v34  }
0x176: {  	v42 =	vld [tilespmem:s17+$0xFFFFFEB0];
	[tilespmem:s15+$0xFFFFFF20] =	vst v1;
	v3 =	vmul.f32 v3, v6  }
0x177: {  	v43 =	vld [tilespmem:s17+$0xFFFFFF30];
	[tilespmem:s15+$0x90] =	vst v0  }
0x178: {  	v0 =	vmul.f32 v7, v35;
	[tilespmem:s15+$0xFFFFFE20] =	vst v3;
	v40 =	vld [tilespmem:s17+$0xA0]  }
0x179: {  	v5 =	vmul.f32 v5, v9;
	v4 =	vld [tilespmem:s17+$0xFFFFFE30]  }
0x17a: {  	[tilespmem:s15+$0x110] =	vst v0;
	v0 =	vld [tilespmem:s16+$0xA0]  }
0x17b: {  	[tilespmem:s15+$0x1C0] =	vst v5;
	v41 =	vld [tilespmem:s17+$0x120]  }
0x17c: {  	v5 =	vmul.f32 v8, v33;
	v8 =	vld [tilespmem:s17+$0x1D0]  }
0x17d: {  	v38 =	vld [tilespmem:s16+$0x1D0]  }
0x17e: {  	[tilespmem:s15+$0x10] =	vst v5;
	v5 =	vld [tilespmem:s16+$0xFFFFFFA0]  }
0x17f: {  	v6 =	vld [tilespmem:s16+$0x120]  }
0x180: {  	v2 =	vld [tilespmem:s16+$0xFFFFFE30]  }
0x181: {  	v39 =	vld [tilespmem:s17+$0x20];
	v0 =	vmul.f32 v0, v40  }
0x182: {  	v7 =	vld [tilespmem:s16+$0x20];
	v8 =	vmul.f32 v38, v8  }
0x183: {  	[tilespmem:s15+$0xA0] =	vst v0;
	v1 =	vmul.f32 v5, v37;
	v5 =	vld [tilespmem:s16+$0xFFFFFEB0]  }
0x184: {  	v0 =	vmul.f32 v6, v41;
	v46 =	vld [tilespmem:s17+$0xB0];
	[tilespmem:s15+$0x1D0] =	vst v8  }
0x185: {  	v8 =	vld [tilespmem:s17+$0x1E0]  }
0x186: {  	[tilespmem:s15+$0x120] =	vst v0;
	v3 =	vld [tilespmem:s16+$0x1E0]  }
0x187: {  	v0 =	vmul.f32 v2, v4;
	[tilespmem:s15+$0xFFFFFFA0] =	vst v1;
	v1 =	vld [tilespmem:s16+$0xFFFFFF30]  }
0x188: {  	v2 =	vld [tilespmem:s16+$0xB0]  }
0x189: {  	v4 =	vld [tilespmem:s17+$0x130];
	[tilespmem:s15+$0xFFFFFE30] =	vst v0  }
0x18a: {  	v47 =	vld [tilespmem:s17+$0xFFFFFE40];
	v0 =	vmul.f32 v5, v42  }
0x18b: {  	v5 =	vld [tilespmem:s16+$0x130]  }
0x18c: {  	v3 =	vmul.f32 v3, v8;
	[tilespmem:s15+$0xFFFFFEB0] =	vst v0;
	v0 =	vmul.f32 v1, v43;
	v1 =	vld [tilespmem:s16+$0xFFFFFE40]  }
0x18d: {  	v8 =	vld [tilespmem:s17+$0xFFFFFFB0]  }
0x18e: {  	v48 =	vld [tilespmem:s17+$0xFFFFFEC0];
	[tilespmem:s15+$0x1E0] =	vst v3;
	v3 =	vmul.f32 v7, v39  }
0x18f: {  	v7 =	vld [tilespmem:s17+$0x1F0]  }
0x190: {  	[tilespmem:s15+$0x20] =	vst v3;
	v3 =	vld [tilespmem:s16+$0xFFFFFFB0]  }
0x191: {  	v45 =	vld [tilespmem:s17+$0x30];
	v1 =	vmul.f32 v1, v47  }
0x192: {  	v6 =	vld [tilespmem:s16+$0x30]  }
0x193: {  	v44 =	vld [tilespmem:s16+$0x1F0];
	[tilespmem:s15+$0xFFFFFE40] =	vst v1  }
0x194: {  	v52 =	vld [tilespmem:s17+$0xFFFFFE50]  }
0x195: {  	[tilespmem:s15+$0xFFFFFF30] =	vst v0;
	v0 =	vmul.f32 v3, v8;
	v3 =	vld [tilespmem:s16+$0xFFFFFEC0]  }
0x196: {  	v8 =	vld [tilespmem:s17+$0xFFFFFF40]  }
0x197: {  	[tilespmem:s15+$0xFFFFFFB0] =	vst v0;
	v0 =	vmul.f32 v6, v45;
	v6 =	vld [tilespmem:s16+$0xFFFFFF40]  }
0x198: {  	v49 =	vld [tilespmem:s17+$0xFFFFFFC0]  }
0x199: {  	[tilespmem:s15+$0x30] =	vst v0;
	v0 =	vmul.f32 v2, v46;
	v2 =	vld [tilespmem:s16+$0xFFFFFFC0]  }
0x19a: {  	v50 =	vld [tilespmem:s17+$0x40]  }
0x19b: {  	v1 =	vmul.f32 v3, v48;
	[tilespmem:s15+$0xB0] =	vst v0;
	v0 =	vmul.f32 v5, v4;
	v4 =	vld [tilespmem:s16+$0x40]  }
0x19c: {  	v5 =	vld [tilespmem:s17+$0xC0]  }
0x19d: {  	[tilespmem:s15+$0xFFFFFEC0] =	vst v1;
	v1 =	vmul.f32 v6, v8;
	v6 =	vld [tilespmem:s16+$0xFFFFFE50]  }
0x19e: {  	[tilespmem:s15+$0x130] =	vst v0;
	v0 =	vld [tilespmem:s16+$0xC0]  }
0x19f: {  	v8 =	vld [tilespmem:s17+$0xFFFFFED0]  }
0x1a0: {  	v51 =	vld [tilespmem:s17+$0x140]  }
0x1a1: {  	v3 =	vld [tilespmem:s16+$0x140]  }
0x1a2: {  	[tilespmem:s15+$0xFFFFFF40] =	vst v1;
	v1 =	vmul.f32 v2, v49;
	v2 =	vld [tilespmem:s16+$0xFFFFFED0]  }
0x1a3: {  	v53 =	vld [tilespmem:s17+$0xFFFFFF50]  }
0x1a4: {  	[tilespmem:s15+$0xFFFFFFC0] =	vst v1;
	v1 =	vmul.f32 v4, v50;
	v4 =	vld [tilespmem:s16+$0xFFFFFF50]  }
0x1a5: {  	v54 =	vld [tilespmem:s17+$0xFFFFFFD0];
	v6 =	vmul.f32 v6, v52  }
0x1a6: {  	[tilespmem:s15+$0x40] =	vst v1;
	v0 =	vmul.f32 v0, v5;
	v1 =	vld [tilespmem:s16+$0xFFFFFFD0]  }
0x1a7: {  	v5 =	vld [tilespmem:s17+$0x50];
	[tilespmem:s15+$0xFFFFFE50] =	vst v6  }
0x1a8: {  	[tilespmem:s15+$0xC0] =	vst v0;
	v0 =	vmul.f32 v3, v51;
	v3 =	vld [tilespmem:s16+$0x50]  }
0x1a9: {  	v2 =	vmul.f32 v2, v8;
	v8 =	vld [tilespmem:s17+$0xFFFFFE60]  }
0x1aa: {  	v55 =	vld [tilespmem:s17+$0xD0]  }
0x1ab: {  	[tilespmem:s15+$0xFFFFFED0] =	vst v2;
	v2 =	vmul.f32 v4, v53;
	v4 =	vld [tilespmem:s16+$0xFFFFFE60]  }
0x1ac: {  	[tilespmem:s15+$0x140] =	vst v0;
	v0 =	vld [tilespmem:s16+$0xD0]  }
0x1ad: {  	v57 =	vld [tilespmem:s17+$0xFFFFFEE0]  }
0x1ae: {  	v56 =	vld [tilespmem:s17+$0x150]  }
0x1af: {  	v6 =	vld [tilespmem:s16+$0x150]  }
0x1b0: {  	[tilespmem:s15+$0xFFFFFF50] =	vst v2;
	v1 =	vmul.f32 v1, v54;
	v2 =	vld [tilespmem:s16+$0xFFFFFEE0]  }
0x1b1: {  	v58 =	vld [tilespmem:s17+$0xFFFFFF60]  }
0x1b2: {  	[tilespmem:s15+$0xFFFFFFD0] =	vst v1;
	v1 =	vmul.f32 v3, v5;
	v3 =	vld [tilespmem:s16+$0xFFFFFF60]  }
0x1b3: {  	v5 =	vld [tilespmem:s17+$0xFFFFFFE0];
	v4 =	vmul.f32 v4, v8  }
0x1b4: {  	[tilespmem:s15+$0x50] =	vst v1;
	v0 =	vmul.f32 v0, v55;
	v1 =	vld [tilespmem:s16+$0xFFFFFFE0]  }
0x1b5: {  	v59 =	vld [tilespmem:s17+$0x60];
	[tilespmem:s15+$0xFFFFFE60] =	vst v4  }
0x1b6: {  	[tilespmem:s15+$0xD0] =	vst v0;
	v0 =	vmul.f32 v6, v56;
	v6 =	vld [tilespmem:s16+$0x60]  }
0x1b7: {  	v2 =	vmul.f32 v2, v57;
	v61 =	vld [tilespmem:s17+$0xFFFFFE70]  }
0x1b8: {  	v60 =	vld [tilespmem:s17+$0xE0]  }
0x1b9: {  	[tilespmem:s15+$0xFFFFFEE0] =	vst v2;
	v2 =	vmul.f32 v3, v58;
	v3 =	vld [tilespmem:s16+$0xFFFFFE70]  }
0x1ba: {  	[tilespmem:s15+$0x150] =	vst v0;
	v0 =	vld [tilespmem:s16+$0xE0]  }
0x1bb: {  	v62 =	vld [tilespmem:s17+$0xFFFFFEF0]  }
0x1bc: {  	v8 =	vld [tilespmem:s17+$0x160]  }
0x1bd: {  	v4 =	vld [tilespmem:s16+$0x160]  }
0x1be: {  	[tilespmem:s15+$0xFFFFFF60] =	vst v2;
	v1 =	vmul.f32 v1, v5;
	v5 =	vld [tilespmem:s16+$0xFFFFFEF0]  }
0x1bf: {  	v14 =	vld [tilespmem:s17+$0xFFFFFF70]  }
0x1c0: {  	[tilespmem:s15+$0xFFFFFFE0] =	vst v1;
	v1 =	vmul.f32 v6, v59;
	v6 =	vld [tilespmem:s16+$0xFFFFFF70]  }
0x1c1: {  	v2 =	vmul.f32 v44, v7;
	v7 =	vld [tilespmem:s17+$0xFFFFFFF0]  }
0x1c2: {  	v63 =	vld [tilespmem:s16+$0xFFFFFFF0];
	[tilespmem:s15+$0x60] =	vst v1;
	v1 =	vmul.f32 v0, v60  }
0x1c3: {  	[tilespmem:s15+$0x1F0] =	vst v2;
	v3 =	vmul.f32 v3, v61;
	v0 =	vld [tilespmem:s17+$0x70]  }
0x1c4: {  	v4 =	vmul.f32 v4, v8;
	v2 =	vld [tilespmem:s16+$0x70];
	[tilespmem:s15+$0xE0] =	vst v1  }
0x1c5: {  	[tilespmem:s15+$0xFFFFFE70] =	vst v3;
	v1 =	vld [tilespmem:s17+$0xF0];
	v6 =	vmul.f32 v6, v14  }
0x1c6: {  	v5 =	vmul.f32 v5, v62;
	[tilespmem:s15+$0x160] =	vst v4;
	v4 =	vld [tilespmem:s16+$0xF0]  }
0x1c7: {  	v3 =	vld [tilespmem:s17+$0x170];
	[tilespmem:s15+$0xFFFFFF70] =	vst v6;
	v6 =	vmul.f32 v63, v7  }
0x1c8: {  	s9 =	simm.s32 $0x5580;
	[tilespmem:s15+$0xFFFFFEF0] =	vst v5;
	s17 =	simm.s32 $0x0;
	v5 =	vld [tilespmem:s16+$0x170]  }
.LBB2_5:
0x1c9: {  	v7 =	vld [tilespmem:s9+$0x180];
	[tilespmem:s15+$0xFFFFFFF0] =	vst v6;
	v0 =	vmul.f32 v2, v0;
	s16 =	sadd.s32 $0x400, s16  }
0x1ca: {  	v2 =	vld [tilespmem:s16+$0x180]  }
0x1cb: {  	v6 =	vld [tilespmem:s16+$0xFFFFFE00];
	[tilespmem:s15+$0x70] =	vst v0;
	v0 =	vmul.f32 v4, v1  }
0x1cc: {  	v1 =	vld [tilespmem:s9+$0xFFFFFE80]  }
0x1cd: {  	v4 =	vld [tilespmem:s16+$0xFFFFFE80];
	[tilespmem:s15+$0xF0] =	vst v0;
	v0 =	vmul.f32 v5, v3  }
0x1ce: {  	v3 =	vld [tilespmem:s9+$0xFFFFFF00]  }
0x1cf: {  	v5 =	vld [tilespmem:s16+$0xFFFFFF00];
	v2 =	vmul.f32 v2, v7;
	[tilespmem:s15+$0x170] =	vst v0  }
0x1d0: {  	s15 =	sadd.s32 $0x400, s15;
	v0 =	vld [tilespmem:s9+$0xFFFFFF80]  }
0x1d1: {  	s17 =	sadd.s32 $0x8, s17;
	v7 =	vld [tilespmem:s16+$0xFFFFFF80];
	[tilespmem:s15+$0x180] =	vst v2  }
0x1d2: {  	p0 =	slt.u32 s17, $0x48;
	v1 =	vmul.f32 v4, v1;
	v2 =	vld [tilespmem:s9+$0x190]  }
0x1d3: {  	v4 =	vld [tilespmem:s16+$0x190]  }
0x1d4: {  	[tilespmem:s15+$0xFFFFFE80] =	vst v1;
	v1 =	vmul.f32 v5, v3;
	v3 =	vld [tilespmem:s9+$0x0]  }
0x1d5: {  	v5 =	vld [tilespmem:s16+$0x0]  }
0x1d6: {  	[tilespmem:s15+$0xFFFFFF00] =	vst v1;
	v0 =	vmul.f32 v7, v0;
	v1 =	vld [tilespmem:s9+$0x80]  }
0x1d7: {  	v7 =	vld [tilespmem:s16+$0x80]  }
0x1d8: {  	[tilespmem:s15+$0xFFFFFF80] =	vst v0;
	v0 =	vld [tilespmem:s9+$0x100];
	v2 =	vmul.f32 v4, v2  }
0x1d9: {  	v4 =	vld [tilespmem:s16+$0x100]  }
0x1da: {  	v8 =	vld [tilespmem:s9+$0xFFFFFE00];
	v3 =	vmul.f32 v5, v3;
	[tilespmem:s15+$0x190] =	vst v2  }
0x1db: {  	v2 =	vld [tilespmem:s9+$0x1A0]  }
0x1dc: {  	[tilespmem:s15+$0x0] =	vst v3;
	v1 =	vmul.f32 v7, v1;
	v3 =	vld [tilespmem:s16+$0x1A0]  }
0x1dd: {  	v5 =	vld [tilespmem:s9+$0xFFFFFE90]  }
0x1de: {  	v7 =	vld [tilespmem:s16+$0xFFFFFE90];
	[tilespmem:s15+$0x80] =	vst v1;
	v0 =	vmul.f32 v4, v0  }
0x1df: {  	v1 =	vmul.f32 v6, v8;
	v4 =	vld [tilespmem:s9+$0xFFFFFF10]  }
0x1e0: {  	v6 =	vld [tilespmem:s16+$0xFFFFFF10];
	[tilespmem:s15+$0x100] =	vst v0  }
0x1e1: {  	[tilespmem:s15+$0xFFFFFE00] =	vst v1;
	v0 =	vld [tilespmem:s9+$0xFFFFFF90];
	v1 =	vmul.f32 v3, v2  }
0x1e2: {  	v2 =	vld [tilespmem:s9+$0xFFFFFE10]  }
0x1e3: {  	v3 =	vld [tilespmem:s16+$0xFFFFFE10];
	v5 =	vmul.f32 v7, v5;
	[tilespmem:s15+$0x1A0] =	vst v1  }
0x1e4: {  	v1 =	vld [tilespmem:s9+$0x1B0]  }
0x1e5: {  	[tilespmem:s15+$0xFFFFFE90] =	vst v5;
	v4 =	vmul.f32 v6, v4;
	v5 =	vld [tilespmem:s16+$0x1B0]  }
0x1e6: {  	v6 =	vld [tilespmem:s16+$0xFFFFFF90]  }
0x1e7: {  	[tilespmem:s15+$0xFFFFFF10] =	vst v4;
	v4 =	vld [tilespmem:s9+$0x10]  }
0x1e8: {  	v2 =	vmul.f32 v3, v2;
	v3 =	vld [tilespmem:s16+$0x10]  }
0x1e9: {  	v7 =	vld [tilespmem:s9+$0x90]  }
0x1ea: {  	[tilespmem:s15+$0xFFFFFE10] =	vst v2;
	v2 =	vld [tilespmem:s16+$0x90];
	v1 =	vmul.f32 v5, v1  }
0x1eb: {  	v0 =	vmul.f32 v6, v0;
	v5 =	vld [tilespmem:s9+$0x110]  }
0x1ec: {  	v6 =	vld [tilespmem:s16+$0x110];
	[tilespmem:s15+$0x1B0] =	vst v1  }
0x1ed: {  	[tilespmem:s15+$0xFFFFFF90] =	vst v0;
	v0 =	vmul.f32 v3, v4;
	v1 =	vld [tilespmem:s9+$0x1C0]  }
0x1ee: {  	v3 =	vld [tilespmem:s16+$0x1C0]  }
0x1ef: {  	v4 =	vld [tilespmem:s9+$0xFFFFFE20];
	[tilespmem:s15+$0x10] =	vst v0;
	v0 =	vmul.f32 v2, v7  }
0x1f0: {  	v2 =	vld [tilespmem:s16+$0xFFFFFE20]  }
0x1f1: {  	v7 =	vld [tilespmem:s9+$0xFFFFFEA0];
	[tilespmem:s15+$0x90] =	vst v0;
	v0 =	vmul.f32 v6, v5  }
0x1f2: {  	v5 =	vld [tilespmem:s16+$0xFFFFFEA0]  }
0x1f3: {  	v6 =	vld [tilespmem:s9+$0xFFFFFF20];
	[tilespmem:s15+$0x110] =	vst v0;
	v0 =	vmul.f32 v3, v1  }
0x1f4: {  	v1 =	vld [tilespmem:s16+$0xFFFFFF20]  }
0x1f5: {  	v2 =	vmul.f32 v2, v4;
	v3 =	vld [tilespmem:s9+$0xFFFFFFA0];
	[tilespmem:s15+$0x1C0] =	vst v0  }
0x1f6: {  	v0 =	vld [tilespmem:s9+$0x1D0]  }
0x1f7: {  	[tilespmem:s15+$0xFFFFFE20] =	vst v2;
	v2 =	vmul.f32 v5, v7;
	v4 =	vld [tilespmem:s16+$0x1D0]  }
0x1f8: {  	v5 =	vld [tilespmem:s16+$0xFFFFFFA0]  }
0x1f9: {  	[tilespmem:s15+$0xFFFFFEA0] =	vst v2;
	v1 =	vmul.f32 v1, v6;
	v2 =	vld [tilespmem:s9+$0x20]  }
0x1fa: {  	v6 =	vld [tilespmem:s16+$0x20]  }
0x1fb: {  	[tilespmem:s15+$0xFFFFFF20] =	vst v1;
	v1 =	vld [tilespmem:s9+$0xA0]  }
0x1fc: {  	v7 =	vld [tilespmem:s16+$0xA0];
	v0 =	vmul.f32 v4, v0  }
0x1fd: {  	v3 =	vmul.f32 v5, v3;
	v4 =	vld [tilespmem:s9+$0x120]  }
0x1fe: {  	v5 =	vld [tilespmem:s16+$0x120];
	[tilespmem:s15+$0x1D0] =	vst v0  }
0x1ff: {  	[tilespmem:s15+$0xFFFFFFA0] =	vst v3;
	v0 =	vmul.f32 v6, v2;
	v2 =	vld [tilespmem:s9+$0x1E0]  }
0x200: {  	v3 =	vld [tilespmem:s16+$0x1E0]  }
0x201: {  	v6 =	vld [tilespmem:s9+$0xFFFFFE30];
	[tilespmem:s15+$0x20] =	vst v0;
	v0 =	vmul.f32 v7, v1  }
0x202: {  	v1 =	vld [tilespmem:s16+$0xFFFFFE30]  }
0x203: {  	v7 =	vld [tilespmem:s9+$0xFFFFFEB0];
	[tilespmem:s15+$0xA0] =	vst v0;
	v0 =	vmul.f32 v5, v4  }
0x204: {  	v4 =	vld [tilespmem:s16+$0xFFFFFEB0]  }
0x205: {  	v5 =	vld [tilespmem:s9+$0xFFFFFF30];
	[tilespmem:s15+$0x120] =	vst v0;
	v0 =	vmul.f32 v3, v2  }
0x206: {  	v2 =	vld [tilespmem:s16+$0xFFFFFF30]  }
0x207: {  	v1 =	vmul.f32 v1, v6;
	v3 =	vld [tilespmem:s9+$0xFFFFFFB0];
	[tilespmem:s15+$0x1E0] =	vst v0  }
0x208: {  	v0 =	vld [tilespmem:s9+$0x1F0]  }
0x209: {  	[tilespmem:s15+$0xFFFFFE30] =	vst v1;
	v1 =	vmul.f32 v4, v7;
	v4 =	vld [tilespmem:s16+$0x1F0]  }
0x20a: {  	v6 =	vld [tilespmem:s16+$0xFFFFFFB0]  }
0x20b: {  	[tilespmem:s15+$0xFFFFFEB0] =	vst v1;
	v1 =	vmul.f32 v2, v5;
	v2 =	vld [tilespmem:s9+$0x30]  }
0x20c: {  	v5 =	vld [tilespmem:s16+$0x30]  }
0x20d: {  	[tilespmem:s15+$0xFFFFFF30] =	vst v1;
	v1 =	vld [tilespmem:s9+$0xB0]  }
0x20e: {  	v7 =	vld [tilespmem:s16+$0xB0];
	v0 =	vmul.f32 v4, v0  }
0x20f: {  	v3 =	vmul.f32 v6, v3;
	v4 =	vld [tilespmem:s9+$0x130]  }
0x210: {  	v6 =	vld [tilespmem:s16+$0x130];
	[tilespmem:s15+$0x1F0] =	vst v0  }
0x211: {  	v0 =	vld [tilespmem:s9+$0xFFFFFE40];
	[tilespmem:s15+$0xFFFFFFB0] =	vst v3;
	v2 =	vmul.f32 v5, v2  }
0x212: {  	v3 =	vld [tilespmem:s16+$0xFFFFFE40]  }
0x213: {  	v5 =	vld [tilespmem:s9+$0xFFFFFEC0];
	[tilespmem:s15+$0x30] =	vst v2;
	v1 =	vmul.f32 v7, v1  }
0x214: {  	v2 =	vld [tilespmem:s16+$0xFFFFFEC0]  }
0x215: {  	v7 =	vld [tilespmem:s9+$0xFFFFFF40];
	[tilespmem:s15+$0xB0] =	vst v1;
	v1 =	vmul.f32 v6, v4  }
0x216: {  	v4 =	vld [tilespmem:s16+$0xFFFFFF40]  }
0x217: {  	v0 =	vmul.f32 v3, v0;
	v3 =	vld [tilespmem:s9+$0xFFFFFFC0];
	[tilespmem:s15+$0x130] =	vst v1  }
0x218: {  	v1 =	vld [tilespmem:s16+$0xFFFFFFC0]  }
0x219: {  	[tilespmem:s15+$0xFFFFFE40] =	vst v0;
	v0 =	vmul.f32 v2, v5;
	v2 =	vld [tilespmem:s9+$0x40]  }
0x21a: {  	v5 =	vld [tilespmem:s16+$0x40]  }
0x21b: {  	[tilespmem:s15+$0xFFFFFEC0] =	vst v0;
	v0 =	vmul.f32 v4, v7;
	v4 =	vld [tilespmem:s9+$0xC0]  }
0x21c: {  	v6 =	vld [tilespmem:s16+$0xC0]  }
0x21d: {  	[tilespmem:s15+$0xFFFFFF40] =	vst v0;
	v0 =	vmul.f32 v1, v3;
	v1 =	vld [tilespmem:s9+$0x140]  }
0x21e: {  	v3 =	vld [tilespmem:s16+$0x140]  }
0x21f: {  	v7 =	vld [tilespmem:s9+$0xFFFFFE50];
	[tilespmem:s15+$0xFFFFFFC0] =	vst v0;
	v0 =	vmul.f32 v5, v2  }
0x220: {  	v2 =	vld [tilespmem:s16+$0xFFFFFE50]  }
0x221: {  	v5 =	vld [tilespmem:s9+$0xFFFFFED0];
	[tilespmem:s15+$0x40] =	vst v0;
	v0 =	vmul.f32 v6, v4  }
0x222: {  	v4 =	vld [tilespmem:s16+$0xFFFFFED0]  }
0x223: {  	v6 =	vld [tilespmem:s9+$0xFFFFFF50];
	[tilespmem:s15+$0xC0] =	vst v0;
	v0 =	vmul.f32 v3, v1  }
0x224: {  	v1 =	vld [tilespmem:s16+$0xFFFFFF50]  }
0x225: {  	v2 =	vmul.f32 v2, v7;
	v3 =	vld [tilespmem:s9+$0xFFFFFFD0];
	[tilespmem:s15+$0x140] =	vst v0  }
0x226: {  	v0 =	vld [tilespmem:s16+$0xFFFFFFD0]  }
0x227: {  	[tilespmem:s15+$0xFFFFFE50] =	vst v2;
	v2 =	vmul.f32 v4, v5;
	v4 =	vld [tilespmem:s9+$0x50]  }
0x228: {  	v5 =	vld [tilespmem:s16+$0x50]  }
0x229: {  	[tilespmem:s15+$0xFFFFFED0] =	vst v2;
	v1 =	vmul.f32 v1, v6;
	v2 =	vld [tilespmem:s9+$0xD0]  }
0x22a: {  	v6 =	vld [tilespmem:s16+$0xD0]  }
0x22b: {  	[tilespmem:s15+$0xFFFFFF50] =	vst v1;
	v0 =	vmul.f32 v0, v3;
	v1 =	vld [tilespmem:s9+$0x150]  }
0x22c: {  	v3 =	vld [tilespmem:s16+$0x150]  }
0x22d: {  	v7 =	vld [tilespmem:s9+$0xFFFFFE60];
	[tilespmem:s15+$0xFFFFFFD0] =	vst v0;
	v0 =	vmul.f32 v5, v4  }
0x22e: {  	v4 =	vld [tilespmem:s16+$0xFFFFFE60]  }
0x22f: {  	v5 =	vld [tilespmem:s9+$0xFFFFFEE0];
	[tilespmem:s15+$0x50] =	vst v0;
	v0 =	vmul.f32 v6, v2  }
0x230: {  	v2 =	vld [tilespmem:s16+$0xFFFFFEE0]  }
0x231: {  	v6 =	vld [tilespmem:s9+$0xFFFFFF60];
	[tilespmem:s15+$0xD0] =	vst v0;
	v0 =	vmul.f32 v3, v1  }
0x232: {  	v1 =	vld [tilespmem:s16+$0xFFFFFF60]  }
0x233: {  	v3 =	vmul.f32 v4, v7;
	v4 =	vld [tilespmem:s9+$0xFFFFFFE0];
	[tilespmem:s15+$0x150] =	vst v0  }
0x234: {  	v0 =	vld [tilespmem:s16+$0xFFFFFFE0]  }
0x235: {  	[tilespmem:s15+$0xFFFFFE60] =	vst v3;
	v2 =	vmul.f32 v2, v5;
	v3 =	vld [tilespmem:s9+$0x60]  }
0x236: {  	v5 =	vld [tilespmem:s16+$0x60]  }
0x237: {  	[tilespmem:s15+$0xFFFFFEE0] =	vst v2;
	v1 =	vmul.f32 v1, v6;
	v2 =	vld [tilespmem:s9+$0xE0]  }
0x238: {  	v6 =	vld [tilespmem:s16+$0xE0]  }
0x239: {  	[tilespmem:s15+$0xFFFFFF60] =	vst v1;
	v0 =	vmul.f32 v0, v4;
	v1 =	vld [tilespmem:s9+$0x160]  }
0x23a: {  	v4 =	vld [tilespmem:s16+$0x160]  }
0x23b: {  	v7 =	vld [tilespmem:s9+$0xFFFFFE70];
	[tilespmem:s15+$0xFFFFFFE0] =	vst v0;
	v0 =	vmul.f32 v5, v3  }
0x23c: {  	v3 =	vld [tilespmem:s16+$0xFFFFFE70]  }
0x23d: {  	v5 =	vld [tilespmem:s9+$0xFFFFFEF0];
	[tilespmem:s15+$0x60] =	vst v0;
	v0 =	vmul.f32 v6, v2  }
0x23e: {  	v2 =	vld [tilespmem:s16+$0xFFFFFEF0]  }
0x23f: {  	v6 =	vld [tilespmem:s9+$0xFFFFFF70];
	[tilespmem:s15+$0xE0] =	vst v0;
	v0 =	vmul.f32 v4, v1  }
0x240: {  	v1 =	vld [tilespmem:s16+$0xFFFFFF70]  }
0x241: {  	v3 =	vmul.f32 v3, v7;
	v7 =	vld [tilespmem:s9+$0xFFFFFFF0];
	[tilespmem:s15+$0x160] =	vst v0  }
0x242: {  	v8 =	vld [tilespmem:s16+$0xFFFFFFF0]  }
0x243: {  	[tilespmem:s15+$0xFFFFFE70] =	vst v3;
	v3 =	vmul.f32 v2, v5;
	v0 =	vld [tilespmem:s9+$0x70]  }
.Ltmp1:
0x244: {  	v2 =	vld [tilespmem:s16+$0x70];
	(pc) =	sbr.rel @p0 .LBB2_5-.Ltmp1, $4  }
0x245: {  	[tilespmem:s15+$0xFFFFFEF0] =	vst v3;
	v3 =	vmul.f32 v1, v6;
	v1 =	vld [tilespmem:s9+$0xF0]  }
0x246: {  	v4 =	vld [tilespmem:s16+$0xF0]  }
0x247: {  	[tilespmem:s15+$0xFFFFFF70] =	vst v3;
	v6 =	vmul.f32 v8, v7;
	v3 =	vld [tilespmem:s9+$0x170]  }
0x248: {  	s9 =	sadd.s32 $0x400, s9;
	v5 =	vld [tilespmem:s16+$0x170]  }
0x249: {  	_ =	sdelay $0x1  }
0x24a: {  	v0 =	vmul.f32 v2, v0  }
0x24b: {  	[tilespmem:s15+$0xFFFFFFF0] =	vst v6;
	v1 =	vmul.f32 v4, v1  }
0x24c: {  	s9 =	sadd.s32 s11, s12;
	[tilespmem:s15+$0x70] =	vst v0;
	v0 =	vmul.f32 v5, v3  }
0x24d: {  	s9 =	sshll.u32 s9, $0x4;
	[tilespmem:s15+$0xF0] =	vst v1  }
0x24e: {  	p0 =	seq.s32 s10, $0x1E;
	s9 =	sadd.s32 s4, s9;
	[tilespmem:s15+$0x170] =	vst v0  }
0x24f: {  	[hbm4b:s9+s5] =	stream.linear.scatter [tilespmem:s22], [sflag:$0xA], $0x2800, $0x38;
	[tilespmem:$0x1B780] =	vst v63  }
0x250: {  	s16 =	simm.s32 @!p0 $0x4F80;
	s15 =	simm.s32 @!p0 $0x50;
	s9 =	sadd.s32 @!p0 $0x190, s11  }
0x251: {  	[tilespmem:s16], [sflag:$0x2] =	stream.indirect.gather @!p0 [hbm4b:s1+s15], $0x80, s9, s15, $0xb8;
	[tilespmem:$0x1B780] =	vst v63  }
0x252: {  	s9 =	sadd.s32 @!p0 s6, s9  }
0x253: {  	s9 =	sshll.u32 @!p0 s9, $0x4  }
0x254: {  	s15 =	simm.s32 @!p0 $0x0;
	s16 =	simm.s32 @!p0 $0xEF80;
	s9 =	sadd.s32 @!p0 s2, s9  }
0x255: {  	[tilespmem:s16], [sflag:$0x6] =	stream.linear.gather @!p0 [hbm4b:s9+s15], $0x2800, $0x38;
	[tilespmem:$0x1B780] =	vst v63  }
0x256: {  	_ =	swait.ge [sflag:s23], $0x2800  }
0x257: {  	[sflag:s23] =	ssyncset.done $0x0  }
0x258: {  	[sflag:s23] =	ssyncadd.s32 $0xFFFFD800  }
0x259: {  	_ =	swait.ge [sflag:s24], $0x2800  }
0x25a: {  	[sflag:s24] =	ssyncset.done $0x0  }
0x25b: {  	[sflag:s24] =	ssyncadd.s32 $0xFFFFD800  }
0x25c: {  	_ =	swait.ge [sflag:s25], $0x2800  }
0x25d: {  	[sflag:s25] =	ssyncset.done $0x0  }
0x25e: {  	s17 =	simm.s32 $0x7980;
	[sflag:s25] =	ssyncadd.s32 $0xFFFFD800  }
0x25f: {  	s16 =	simm.s32 $0x11980;
	v0 =	vld [tilespmem:s17+$0x180]  }
0x260: {  	v1 =	vld [tilespmem:s16+$0x180]  }
0x261: {  	v2 =	vld [tilespmem:s16+$0xFFFFFE00]  }
0x262: {  	v3 =	vld [tilespmem:s17+$0xFFFFFE80]  }
0x263: {  	v4 =	vld [tilespmem:s16+$0xFFFFFE80]  }
0x264: {  	v5 =	vld [tilespmem:s17+$0xFFFFFF00]  }
0x265: {  	v6 =	vld [tilespmem:s16+$0xFFFFFF00]  }
0x266: {  	v7 =	vld [tilespmem:s16+$0xFFFFFF80]  }
0x267: {  	v9 =	vld [tilespmem:s17+$0x0]  }
0x268: {  	v10 =	vld [tilespmem:s16+$0x0]  }
0x269: {  	v11 =	vld [tilespmem:s17+$0x80]  }
0x26a: {  	v12 =	vld [tilespmem:s16+$0x80];
	v0 =	vmul.f32 v1, v0  }
0x26b: {  	s15 =	simm.s32 $0x16980;
	v1 =	vld [tilespmem:s17+$0xFFFFFF80]  }
0x26c: {  	v3 =	vmul.f32 v4, v3;
	v4 =	vld [tilespmem:s17+$0xFFFFFE00];
	[tilespmem:s15+$0x180] =	vst v0  }
0x26d: {  	v0 =	vld [tilespmem:s17+$0x190]  }
0x26e: {  	v8 =	vld [tilespmem:s16+$0x190]  }
0x26f: {  	v13 =	vld [tilespmem:s17+$0x100];
	[tilespmem:s15+$0xFFFFFE80] =	vst v3;
	v3 =	vmul.f32 v6, v5  }
0x270: {  	v6 =	vld [tilespmem:s17+$0xFFFFFE90]  }
0x271: {  	[tilespmem:s15+$0xFFFFFF00] =	vst v3;
	v3 =	vld [tilespmem:s16+$0xFFFFFE90];
	v1 =	vmul.f32 v7, v1  }
0x272: {  	v2 =	vmul.f32 v2, v4;
	v4 =	vld [tilespmem:s17+$0xFFFFFF10]  }
0x273: {  	[tilespmem:s15+$0xFFFFFF80] =	vst v1;
	v1 =	vld [tilespmem:s16+$0xFFFFFF10];
	v0 =	vmul.f32 v8, v0  }
0x274: {  	[tilespmem:s15+$0xFFFFFE00] =	vst v2;
	v2 =	vld [tilespmem:s17+$0xFFFFFF90]  }
0x275: {  	v32 =	vld [tilespmem:s16+$0xFFFFFF90];
	[tilespmem:s15+$0x190] =	vst v0  }
0x276: {  	v0 =	vld [tilespmem:s17+$0x1A0]  }
0x277: {  	v3 =	vmul.f32 v3, v6;
	v5 =	vld [tilespmem:s16+$0x1A0]  }
0x278: {  	v8 =	vld [tilespmem:s16+$0x100]  }
0x279: {  	v7 =	vld [tilespmem:s16+$0xFFFFFE10];
	[tilespmem:s15+$0xFFFFFE90] =	vst v3;
	v1 =	vmul.f32 v1, v4  }
0x27a: {  	v4 =	vld [tilespmem:s17+$0xFFFFFEA0]  }
0x27b: {  	[tilespmem:s15+$0xFFFFFF10] =	vst v1;
	v1 =	vmul.f32 v32, v2;
	v2 =	vld [tilespmem:s16+$0xFFFFFEA0]  }
0x27c: {  	v0 =	vmul.f32 v5, v0;
	v5 =	vld [tilespmem:s17+$0xFFFFFE10]  }
0x27d: {  	v36 =	vld [tilespmem:s17+$0xFFFFFF20];
	[tilespmem:s15+$0xFFFFFF90] =	vst v1  }
0x27e: {  	v1 =	vld [tilespmem:s16+$0xFFFFFF20];
	[tilespmem:s15+$0x1A0] =	vst v0;
	v0 =	vmul.f32 v10, v9  }
0x27f: {  	v37 =	vld [tilespmem:s17+$0xFFFFFFA0]  }
0x280: {  	v30 =	vld [tilespmem:s17+$0x1B0];
	[tilespmem:s15+$0x0] =	vst v0;
	v0 =	vmul.f32 v12, v11  }
0x281: {  	v31 =	vld [tilespmem:s16+$0x1B0];
	v5 =	vmul.f32 v7, v5  }
0x282: {  	v33 =	vld [tilespmem:s17+$0x10];
	[tilespmem:s15+$0x80] =	vst v0;
	v0 =	vmul.f32 v8, v13  }
0x283: {  	v34 =	vld [tilespmem:s17+$0x90];
	[tilespmem:s15+$0xFFFFFE10] =	vst v5  }
0x284: {  	[tilespmem:s15+$0x100] =	vst v0;
	v0 =	vld [tilespmem:s16+$0x90]  }
0x285: {  	v6 =	vld [tilespmem:s17+$0xFFFFFE20]  }
0x286: {  	v9 =	vmul.f32 v31, v30;
	v3 =	vld [tilespmem:s16+$0xFFFFFE20]  }
0x287: {  	v35 =	vld [tilespmem:s17+$0x110]  }
0x288: {  	v7 =	vld [tilespmem:s16+$0x110];
	[tilespmem:s15+$0x1B0] =	vst v9  }
0x289: {  	v2 =	vmul.f32 v2, v4;
	v9 =	vld [tilespmem:s17+$0x1C0]  }
0x28a: {  	v1 =	vmul.f32 v1, v36;
	v5 =	vld [tilespmem:s16+$0x1C0]  }
0x28b: {  	[tilespmem:s15+$0xFFFFFEA0] =	vst v2;
	v8 =	vld [tilespmem:s16+$0x10];
	v0 =	vmul.f32 v0, v34  }
0x28c: {  	v42 =	vld [tilespmem:s17+$0xFFFFFEB0];
	[tilespmem:s15+$0xFFFFFF20] =	vst v1;
	v3 =	vmul.f32 v3, v6  }
0x28d: {  	v43 =	vld [tilespmem:s17+$0xFFFFFF30];
	[tilespmem:s15+$0x90] =	vst v0  }
0x28e: {  	v0 =	vmul.f32 v7, v35;
	[tilespmem:s15+$0xFFFFFE20] =	vst v3;
	v40 =	vld [tilespmem:s17+$0xA0]  }
0x28f: {  	v5 =	vmul.f32 v5, v9;
	v4 =	vld [tilespmem:s17+$0xFFFFFE30]  }
0x290: {  	[tilespmem:s15+$0x110] =	vst v0;
	v0 =	vld [tilespmem:s16+$0xA0]  }
0x291: {  	[tilespmem:s15+$0x1C0] =	vst v5;
	v41 =	vld [tilespmem:s17+$0x120]  }
0x292: {  	v5 =	vmul.f32 v8, v33;
	v8 =	vld [tilespmem:s17+$0x1D0]  }
0x293: {  	v38 =	vld [tilespmem:s16+$0x1D0]  }
0x294: {  	[tilespmem:s15+$0x10] =	vst v5;
	v5 =	vld [tilespmem:s16+$0xFFFFFFA0]  }
0x295: {  	v6 =	vld [tilespmem:s16+$0x120]  }
0x296: {  	v2 =	vld [tilespmem:s16+$0xFFFFFE30]  }
0x297: {  	v39 =	vld [tilespmem:s17+$0x20];
	v0 =	vmul.f32 v0, v40  }
0x298: {  	v7 =	vld [tilespmem:s16+$0x20];
	v8 =	vmul.f32 v38, v8  }
0x299: {  	[tilespmem:s15+$0xA0] =	vst v0;
	v1 =	vmul.f32 v5, v37;
	v5 =	vld [tilespmem:s16+$0xFFFFFEB0]  }
0x29a: {  	v0 =	vmul.f32 v6, v41;
	v46 =	vld [tilespmem:s17+$0xB0];
	[tilespmem:s15+$0x1D0] =	vst v8  }
0x29b: {  	v8 =	vld [tilespmem:s17+$0x1E0]  }
0x29c: {  	[tilespmem:s15+$0x120] =	vst v0;
	v3 =	vld [tilespmem:s16+$0x1E0]  }
0x29d: {  	v0 =	vmul.f32 v2, v4;
	[tilespmem:s15+$0xFFFFFFA0] =	vst v1;
	v1 =	vld [tilespmem:s16+$0xFFFFFF30]  }
0x29e: {  	v2 =	vld [tilespmem:s16+$0xB0]  }
0x29f: {  	v4 =	vld [tilespmem:s17+$0x130];
	[tilespmem:s15+$0xFFFFFE30] =	vst v0  }
0x2a0: {  	v47 =	vld [tilespmem:s17+$0xFFFFFE40];
	v0 =	vmul.f32 v5, v42  }
0x2a1: {  	v5 =	vld [tilespmem:s16+$0x130]  }
0x2a2: {  	v3 =	vmul.f32 v3, v8;
	[tilespmem:s15+$0xFFFFFEB0] =	vst v0;
	v0 =	vmul.f32 v1, v43;
	v1 =	vld [tilespmem:s16+$0xFFFFFE40]  }
0x2a3: {  	v8 =	vld [tilespmem:s17+$0xFFFFFFB0]  }
0x2a4: {  	v48 =	vld [tilespmem:s17+$0xFFFFFEC0];
	[tilespmem:s15+$0x1E0] =	vst v3;
	v3 =	vmul.f32 v7, v39  }
0x2a5: {  	v7 =	vld [tilespmem:s17+$0x1F0]  }
0x2a6: {  	[tilespmem:s15+$0x20] =	vst v3;
	v3 =	vld [tilespmem:s16+$0xFFFFFFB0]  }
0x2a7: {  	v45 =	vld [tilespmem:s17+$0x30];
	v1 =	vmul.f32 v1, v47  }
0x2a8: {  	v6 =	vld [tilespmem:s16+$0x30]  }
0x2a9: {  	v44 =	vld [tilespmem:s16+$0x1F0];
	[tilespmem:s15+$0xFFFFFE40] =	vst v1  }
0x2aa: {  	v52 =	vld [tilespmem:s17+$0xFFFFFE50]  }
0x2ab: {  	[tilespmem:s15+$0xFFFFFF30] =	vst v0;
	v0 =	vmul.f32 v3, v8;
	v3 =	vld [tilespmem:s16+$0xFFFFFEC0]  }
0x2ac: {  	v8 =	vld [tilespmem:s17+$0xFFFFFF40]  }
0x2ad: {  	[tilespmem:s15+$0xFFFFFFB0] =	vst v0;
	v0 =	vmul.f32 v6, v45;
	v6 =	vld [tilespmem:s16+$0xFFFFFF40]  }
0x2ae: {  	v49 =	vld [tilespmem:s17+$0xFFFFFFC0]  }
0x2af: {  	[tilespmem:s15+$0x30] =	vst v0;
	v0 =	vmul.f32 v2, v46;
	v2 =	vld [tilespmem:s16+$0xFFFFFFC0]  }
0x2b0: {  	v50 =	vld [tilespmem:s17+$0x40]  }
0x2b1: {  	v1 =	vmul.f32 v3, v48;
	[tilespmem:s15+$0xB0] =	vst v0;
	v0 =	vmul.f32 v5, v4;
	v4 =	vld [tilespmem:s16+$0x40]  }
0x2b2: {  	v5 =	vld [tilespmem:s17+$0xC0]  }
0x2b3: {  	[tilespmem:s15+$0xFFFFFEC0] =	vst v1;
	v1 =	vmul.f32 v6, v8;
	v6 =	vld [tilespmem:s16+$0xFFFFFE50]  }
0x2b4: {  	[tilespmem:s15+$0x130] =	vst v0;
	v0 =	vld [tilespmem:s16+$0xC0]  }
0x2b5: {  	v8 =	vld [tilespmem:s17+$0xFFFFFED0]  }
0x2b6: {  	v51 =	vld [tilespmem:s17+$0x140]  }
0x2b7: {  	v3 =	vld [tilespmem:s16+$0x140]  }
0x2b8: {  	[tilespmem:s15+$0xFFFFFF40] =	vst v1;
	v1 =	vmul.f32 v2, v49;
	v2 =	vld [tilespmem:s16+$0xFFFFFED0]  }
0x2b9: {  	v53 =	vld [tilespmem:s17+$0xFFFFFF50]  }
0x2ba: {  	[tilespmem:s15+$0xFFFFFFC0] =	vst v1;
	v1 =	vmul.f32 v4, v50;
	v4 =	vld [tilespmem:s16+$0xFFFFFF50]  }
0x2bb: {  	v54 =	vld [tilespmem:s17+$0xFFFFFFD0];
	v6 =	vmul.f32 v6, v52  }
0x2bc: {  	[tilespmem:s15+$0x40] =	vst v1;
	v0 =	vmul.f32 v0, v5;
	v1 =	vld [tilespmem:s16+$0xFFFFFFD0]  }
0x2bd: {  	v5 =	vld [tilespmem:s17+$0x50];
	[tilespmem:s15+$0xFFFFFE50] =	vst v6  }
0x2be: {  	[tilespmem:s15+$0xC0] =	vst v0;
	v0 =	vmul.f32 v3, v51;
	v3 =	vld [tilespmem:s16+$0x50]  }
0x2bf: {  	v2 =	vmul.f32 v2, v8;
	v8 =	vld [tilespmem:s17+$0xFFFFFE60]  }
0x2c0: {  	v55 =	vld [tilespmem:s17+$0xD0]  }
0x2c1: {  	[tilespmem:s15+$0xFFFFFED0] =	vst v2;
	v2 =	vmul.f32 v4, v53;
	v4 =	vld [tilespmem:s16+$0xFFFFFE60]  }
0x2c2: {  	[tilespmem:s15+$0x140] =	vst v0;
	v0 =	vld [tilespmem:s16+$0xD0]  }
0x2c3: {  	v57 =	vld [tilespmem:s17+$0xFFFFFEE0]  }
0x2c4: {  	v56 =	vld [tilespmem:s17+$0x150]  }
0x2c5: {  	v6 =	vld [tilespmem:s16+$0x150]  }
0x2c6: {  	[tilespmem:s15+$0xFFFFFF50] =	vst v2;
	v1 =	vmul.f32 v1, v54;
	v2 =	vld [tilespmem:s16+$0xFFFFFEE0]  }
0x2c7: {  	v58 =	vld [tilespmem:s17+$0xFFFFFF60]  }
0x2c8: {  	[tilespmem:s15+$0xFFFFFFD0] =	vst v1;
	v1 =	vmul.f32 v3, v5;
	v3 =	vld [tilespmem:s16+$0xFFFFFF60]  }
0x2c9: {  	v5 =	vld [tilespmem:s17+$0xFFFFFFE0];
	v4 =	vmul.f32 v4, v8  }
0x2ca: {  	[tilespmem:s15+$0x50] =	vst v1;
	v0 =	vmul.f32 v0, v55;
	v1 =	vld [tilespmem:s16+$0xFFFFFFE0]  }
0x2cb: {  	v59 =	vld [tilespmem:s17+$0x60];
	[tilespmem:s15+$0xFFFFFE60] =	vst v4  }
0x2cc: {  	[tilespmem:s15+$0xD0] =	vst v0;
	v0 =	vmul.f32 v6, v56;
	v6 =	vld [tilespmem:s16+$0x60]  }
0x2cd: {  	v2 =	vmul.f32 v2, v57;
	v61 =	vld [tilespmem:s17+$0xFFFFFE70]  }
0x2ce: {  	v60 =	vld [tilespmem:s17+$0xE0]  }
0x2cf: {  	[tilespmem:s15+$0xFFFFFEE0] =	vst v2;
	v2 =	vmul.f32 v3, v58;
	v3 =	vld [tilespmem:s16+$0xFFFFFE70]  }
0x2d0: {  	[tilespmem:s15+$0x150] =	vst v0;
	v0 =	vld [tilespmem:s16+$0xE0]  }
0x2d1: {  	v62 =	vld [tilespmem:s17+$0xFFFFFEF0]  }
0x2d2: {  	v8 =	vld [tilespmem:s17+$0x160]  }
0x2d3: {  	v4 =	vld [tilespmem:s16+$0x160]  }
0x2d4: {  	[tilespmem:s15+$0xFFFFFF60] =	vst v2;
	v1 =	vmul.f32 v1, v5;
	v5 =	vld [tilespmem:s16+$0xFFFFFEF0]  }
0x2d5: {  	v14 =	vld [tilespmem:s17+$0xFFFFFF70]  }
0x2d6: {  	[tilespmem:s15+$0xFFFFFFE0] =	vst v1;
	v1 =	vmul.f32 v6, v59;
	v6 =	vld [tilespmem:s16+$0xFFFFFF70]  }
0x2d7: {  	v2 =	vmul.f32 v44, v7;
	v7 =	vld [tilespmem:s17+$0xFFFFFFF0]  }
0x2d8: {  	v63 =	vld [tilespmem:s16+$0xFFFFFFF0];
	[tilespmem:s15+$0x60] =	vst v1;
	v1 =	vmul.f32 v0, v60  }
0x2d9: {  	[tilespmem:s15+$0x1F0] =	vst v2;
	v3 =	vmul.f32 v3, v61;
	v0 =	vld [tilespmem:s17+$0x70]  }
0x2da: {  	v4 =	vmul.f32 v4, v8;
	v2 =	vld [tilespmem:s16+$0x70];
	[tilespmem:s15+$0xE0] =	vst v1  }
0x2db: {  	[tilespmem:s15+$0xFFFFFE70] =	vst v3;
	v1 =	vld [tilespmem:s17+$0xF0];
	v6 =	vmul.f32 v6, v14  }
0x2dc: {  	v5 =	vmul.f32 v5, v62;
	[tilespmem:s15+$0x160] =	vst v4;
	v4 =	vld [tilespmem:s16+$0xF0]  }
0x2dd: {  	v3 =	vld [tilespmem:s17+$0x170];
	[tilespmem:s15+$0xFFFFFF70] =	vst v6;
	v6 =	vmul.f32 v63, v7  }
0x2de: {  	s9 =	simm.s32 $0x7D80;
	[tilespmem:s15+$0xFFFFFEF0] =	vst v5;
	s17 =	simm.s32 $0x0;
	v5 =	vld [tilespmem:s16+$0x170]  }
.LBB2_7:
0x2df: {  	v7 =	vld [tilespmem:s9+$0x180];
	[tilespmem:s15+$0xFFFFFFF0] =	vst v6;
	v0 =	vmul.f32 v2, v0;
	s16 =	sadd.s32 $0x400, s16  }
0x2e0: {  	v2 =	vld [tilespmem:s16+$0x180]  }
0x2e1: {  	v6 =	vld [tilespmem:s16+$0xFFFFFE00];
	[tilespmem:s15+$0x70] =	vst v0;
	v0 =	vmul.f32 v4, v1  }
0x2e2: {  	v1 =	vld [tilespmem:s9+$0xFFFFFE80]  }
0x2e3: {  	v4 =	vld [tilespmem:s16+$0xFFFFFE80];
	[tilespmem:s15+$0xF0] =	vst v0;
	v0 =	vmul.f32 v5, v3  }
0x2e4: {  	v3 =	vld [tilespmem:s9+$0xFFFFFF00]  }
0x2e5: {  	v5 =	vld [tilespmem:s16+$0xFFFFFF00];
	v2 =	vmul.f32 v2, v7;
	[tilespmem:s15+$0x170] =	vst v0  }
0x2e6: {  	s15 =	sadd.s32 $0x400, s15;
	v0 =	vld [tilespmem:s9+$0xFFFFFF80]  }
0x2e7: {  	s17 =	sadd.s32 $0x8, s17;
	v7 =	vld [tilespmem:s16+$0xFFFFFF80];
	[tilespmem:s15+$0x180] =	vst v2  }
0x2e8: {  	p1 =	slt.u32 s17, $0x48;
	v1 =	vmul.f32 v4, v1;
	v2 =	vld [tilespmem:s9+$0x190]  }
0x2e9: {  	v4 =	vld [tilespmem:s16+$0x190]  }
0x2ea: {  	[tilespmem:s15+$0xFFFFFE80] =	vst v1;
	v1 =	vmul.f32 v5, v3;
	v3 =	vld [tilespmem:s9+$0x0]  }
0x2eb: {  	v5 =	vld [tilespmem:s16+$0x0]  }
0x2ec: {  	[tilespmem:s15+$0xFFFFFF00] =	vst v1;
	v0 =	vmul.f32 v7, v0;
	v1 =	vld [tilespmem:s9+$0x80]  }
0x2ed: {  	v7 =	vld [tilespmem:s16+$0x80]  }
0x2ee: {  	[tilespmem:s15+$0xFFFFFF80] =	vst v0;
	v0 =	vld [tilespmem:s9+$0x100];
	v2 =	vmul.f32 v4, v2  }
0x2ef: {  	v4 =	vld [tilespmem:s16+$0x100]  }
0x2f0: {  	v8 =	vld [tilespmem:s9+$0xFFFFFE00];
	v3 =	vmul.f32 v5, v3;
	[tilespmem:s15+$0x190] =	vst v2  }
0x2f1: {  	v2 =	vld [tilespmem:s9+$0x1A0]  }
0x2f2: {  	[tilespmem:s15+$0x0] =	vst v3;
	v1 =	vmul.f32 v7, v1;
	v3 =	vld [tilespmem:s16+$0x1A0]  }
0x2f3: {  	v5 =	vld [tilespmem:s9+$0xFFFFFE90]  }
0x2f4: {  	v7 =	vld [tilespmem:s16+$0xFFFFFE90];
	[tilespmem:s15+$0x80] =	vst v1;
	v0 =	vmul.f32 v4, v0  }
0x2f5: {  	v1 =	vmul.f32 v6, v8;
	v4 =	vld [tilespmem:s9+$0xFFFFFF10]  }
0x2f6: {  	v6 =	vld [tilespmem:s16+$0xFFFFFF10];
	[tilespmem:s15+$0x100] =	vst v0  }
0x2f7: {  	[tilespmem:s15+$0xFFFFFE00] =	vst v1;
	v0 =	vld [tilespmem:s9+$0xFFFFFF90];
	v1 =	vmul.f32 v3, v2  }
0x2f8: {  	v2 =	vld [tilespmem:s9+$0xFFFFFE10]  }
0x2f9: {  	v3 =	vld [tilespmem:s16+$0xFFFFFE10];
	v5 =	vmul.f32 v7, v5;
	[tilespmem:s15+$0x1A0] =	vst v1  }
0x2fa: {  	v1 =	vld [tilespmem:s9+$0x1B0]  }
0x2fb: {  	[tilespmem:s15+$0xFFFFFE90] =	vst v5;
	v4 =	vmul.f32 v6, v4;
	v5 =	vld [tilespmem:s16+$0x1B0]  }
0x2fc: {  	v6 =	vld [tilespmem:s16+$0xFFFFFF90]  }
0x2fd: {  	[tilespmem:s15+$0xFFFFFF10] =	vst v4;
	v4 =	vld [tilespmem:s9+$0x10]  }
0x2fe: {  	v2 =	vmul.f32 v3, v2;
	v3 =	vld [tilespmem:s16+$0x10]  }
0x2ff: {  	v7 =	vld [tilespmem:s9+$0x90]  }
0x300: {  	[tilespmem:s15+$0xFFFFFE10] =	vst v2;
	v2 =	vld [tilespmem:s16+$0x90];
	v1 =	vmul.f32 v5, v1  }
0x301: {  	v0 =	vmul.f32 v6, v0;
	v5 =	vld [tilespmem:s9+$0x110]  }
0x302: {  	v6 =	vld [tilespmem:s16+$0x110];
	[tilespmem:s15+$0x1B0] =	vst v1  }
0x303: {  	[tilespmem:s15+$0xFFFFFF90] =	vst v0;
	v0 =	vmul.f32 v3, v4;
	v1 =	vld [tilespmem:s9+$0x1C0]  }
0x304: {  	v3 =	vld [tilespmem:s16+$0x1C0]  }
0x305: {  	v4 =	vld [tilespmem:s9+$0xFFFFFE20];
	[tilespmem:s15+$0x10] =	vst v0;
	v0 =	vmul.f32 v2, v7  }
0x306: {  	v2 =	vld [tilespmem:s16+$0xFFFFFE20]  }
0x307: {  	v7 =	vld [tilespmem:s9+$0xFFFFFEA0];
	[tilespmem:s15+$0x90] =	vst v0;
	v0 =	vmul.f32 v6, v5  }
0x308: {  	v5 =	vld [tilespmem:s16+$0xFFFFFEA0]  }
0x309: {  	v6 =	vld [tilespmem:s9+$0xFFFFFF20];
	[tilespmem:s15+$0x110] =	vst v0;
	v0 =	vmul.f32 v3, v1  }
0x30a: {  	v1 =	vld [tilespmem:s16+$0xFFFFFF20]  }
0x30b: {  	v2 =	vmul.f32 v2, v4;
	v3 =	vld [tilespmem:s9+$0xFFFFFFA0];
	[tilespmem:s15+$0x1C0] =	vst v0  }
0x30c: {  	v0 =	vld [tilespmem:s9+$0x1D0]  }
0x30d: {  	[tilespmem:s15+$0xFFFFFE20] =	vst v2;
	v2 =	vmul.f32 v5, v7;
	v4 =	vld [tilespmem:s16+$0x1D0]  }
0x30e: {  	v5 =	vld [tilespmem:s16+$0xFFFFFFA0]  }
0x30f: {  	[tilespmem:s15+$0xFFFFFEA0] =	vst v2;
	v1 =	vmul.f32 v1, v6;
	v2 =	vld [tilespmem:s9+$0x20]  }
0x310: {  	v6 =	vld [tilespmem:s16+$0x20]  }
0x311: {  	[tilespmem:s15+$0xFFFFFF20] =	vst v1;
	v1 =	vld [tilespmem:s9+$0xA0]  }
0x312: {  	v7 =	vld [tilespmem:s16+$0xA0];
	v0 =	vmul.f32 v4, v0  }
0x313: {  	v3 =	vmul.f32 v5, v3;
	v4 =	vld [tilespmem:s9+$0x120]  }
0x314: {  	v5 =	vld [tilespmem:s16+$0x120];
	[tilespmem:s15+$0x1D0] =	vst v0  }
0x315: {  	[tilespmem:s15+$0xFFFFFFA0] =	vst v3;
	v0 =	vmul.f32 v6, v2;
	v2 =	vld [tilespmem:s9+$0x1E0]  }
0x316: {  	v3 =	vld [tilespmem:s16+$0x1E0]  }
0x317: {  	v6 =	vld [tilespmem:s9+$0xFFFFFE30];
	[tilespmem:s15+$0x20] =	vst v0;
	v0 =	vmul.f32 v7, v1  }
0x318: {  	v1 =	vld [tilespmem:s16+$0xFFFFFE30]  }
0x319: {  	v7 =	vld [tilespmem:s9+$0xFFFFFEB0];
	[tilespmem:s15+$0xA0] =	vst v0;
	v0 =	vmul.f32 v5, v4  }
0x31a: {  	v4 =	vld [tilespmem:s16+$0xFFFFFEB0]  }
0x31b: {  	v5 =	vld [tilespmem:s9+$0xFFFFFF30];
	[tilespmem:s15+$0x120] =	vst v0;
	v0 =	vmul.f32 v3, v2  }
0x31c: {  	v2 =	vld [tilespmem:s16+$0xFFFFFF30]  }
0x31d: {  	v1 =	vmul.f32 v1, v6;
	v3 =	vld [tilespmem:s9+$0xFFFFFFB0];
	[tilespmem:s15+$0x1E0] =	vst v0  }
0x31e: {  	v0 =	vld [tilespmem:s9+$0x1F0]  }
0x31f: {  	[tilespmem:s15+$0xFFFFFE30] =	vst v1;
	v1 =	vmul.f32 v4, v7;
	v4 =	vld [tilespmem:s16+$0x1F0]  }
0x320: {  	v6 =	vld [tilespmem:s16+$0xFFFFFFB0]  }
0x321: {  	[tilespmem:s15+$0xFFFFFEB0] =	vst v1;
	v1 =	vmul.f32 v2, v5;
	v2 =	vld [tilespmem:s9+$0x30]  }
0x322: {  	v5 =	vld [tilespmem:s16+$0x30]  }
0x323: {  	[tilespmem:s15+$0xFFFFFF30] =	vst v1;
	v1 =	vld [tilespmem:s9+$0xB0]  }
0x324: {  	v7 =	vld [tilespmem:s16+$0xB0];
	v0 =	vmul.f32 v4, v0  }
0x325: {  	v3 =	vmul.f32 v6, v3;
	v4 =	vld [tilespmem:s9+$0x130]  }
0x326: {  	v6 =	vld [tilespmem:s16+$0x130];
	[tilespmem:s15+$0x1F0] =	vst v0  }
0x327: {  	v0 =	vld [tilespmem:s9+$0xFFFFFE40];
	[tilespmem:s15+$0xFFFFFFB0] =	vst v3;
	v2 =	vmul.f32 v5, v2  }
0x328: {  	v3 =	vld [tilespmem:s16+$0xFFFFFE40]  }
0x329: {  	v5 =	vld [tilespmem:s9+$0xFFFFFEC0];
	[tilespmem:s15+$0x30] =	vst v2;
	v1 =	vmul.f32 v7, v1  }
0x32a: {  	v2 =	vld [tilespmem:s16+$0xFFFFFEC0]  }
0x32b: {  	v7 =	vld [tilespmem:s9+$0xFFFFFF40];
	[tilespmem:s15+$0xB0] =	vst v1;
	v1 =	vmul.f32 v6, v4  }
0x32c: {  	v4 =	vld [tilespmem:s16+$0xFFFFFF40]  }
0x32d: {  	v0 =	vmul.f32 v3, v0;
	v3 =	vld [tilespmem:s9+$0xFFFFFFC0];
	[tilespmem:s15+$0x130] =	vst v1  }
0x32e: {  	v1 =	vld [tilespmem:s16+$0xFFFFFFC0]  }
0x32f: {  	[tilespmem:s15+$0xFFFFFE40] =	vst v0;
	v0 =	vmul.f32 v2, v5;
	v2 =	vld [tilespmem:s9+$0x40]  }
0x330: {  	v5 =	vld [tilespmem:s16+$0x40]  }
0x331: {  	[tilespmem:s15+$0xFFFFFEC0] =	vst v0;
	v0 =	vmul.f32 v4, v7;
	v4 =	vld [tilespmem:s9+$0xC0]  }
0x332: {  	v6 =	vld [tilespmem:s16+$0xC0]  }
0x333: {  	[tilespmem:s15+$0xFFFFFF40] =	vst v0;
	v0 =	vmul.f32 v1, v3;
	v1 =	vld [tilespmem:s9+$0x140]  }
0x334: {  	v3 =	vld [tilespmem:s16+$0x140]  }
0x335: {  	v7 =	vld [tilespmem:s9+$0xFFFFFE50];
	[tilespmem:s15+$0xFFFFFFC0] =	vst v0;
	v0 =	vmul.f32 v5, v2  }
0x336: {  	v2 =	vld [tilespmem:s16+$0xFFFFFE50]  }
0x337: {  	v5 =	vld [tilespmem:s9+$0xFFFFFED0];
	[tilespmem:s15+$0x40] =	vst v0;
	v0 =	vmul.f32 v6, v4  }
0x338: {  	v4 =	vld [tilespmem:s16+$0xFFFFFED0]  }
0x339: {  	v6 =	vld [tilespmem:s9+$0xFFFFFF50];
	[tilespmem:s15+$0xC0] =	vst v0;
	v0 =	vmul.f32 v3, v1  }
0x33a: {  	v1 =	vld [tilespmem:s16+$0xFFFFFF50]  }
0x33b: {  	v2 =	vmul.f32 v2, v7;
	v3 =	vld [tilespmem:s9+$0xFFFFFFD0];
	[tilespmem:s15+$0x140] =	vst v0  }
0x33c: {  	v0 =	vld [tilespmem:s16+$0xFFFFFFD0]  }
0x33d: {  	[tilespmem:s15+$0xFFFFFE50] =	vst v2;
	v2 =	vmul.f32 v4, v5;
	v4 =	vld [tilespmem:s9+$0x50]  }
0x33e: {  	v5 =	vld [tilespmem:s16+$0x50]  }
0x33f: {  	[tilespmem:s15+$0xFFFFFED0] =	vst v2;
	v1 =	vmul.f32 v1, v6;
	v2 =	vld [tilespmem:s9+$0xD0]  }
0x340: {  	v6 =	vld [tilespmem:s16+$0xD0]  }
0x341: {  	[tilespmem:s15+$0xFFFFFF50] =	vst v1;
	v0 =	vmul.f32 v0, v3;
	v1 =	vld [tilespmem:s9+$0x150]  }
0x342: {  	v3 =	vld [tilespmem:s16+$0x150]  }
0x343: {  	v7 =	vld [tilespmem:s9+$0xFFFFFE60];
	[tilespmem:s15+$0xFFFFFFD0] =	vst v0;
	v0 =	vmul.f32 v5, v4  }
0x344: {  	v4 =	vld [tilespmem:s16+$0xFFFFFE60]  }
0x345: {  	v5 =	vld [tilespmem:s9+$0xFFFFFEE0];
	[tilespmem:s15+$0x50] =	vst v0;
	v0 =	vmul.f32 v6, v2  }
0x346: {  	v2 =	vld [tilespmem:s16+$0xFFFFFEE0]  }
0x347: {  	v6 =	vld [tilespmem:s9+$0xFFFFFF60];
	[tilespmem:s15+$0xD0] =	vst v0;
	v0 =	vmul.f32 v3, v1  }
0x348: {  	v1 =	vld [tilespmem:s16+$0xFFFFFF60]  }
0x349: {  	v3 =	vmul.f32 v4, v7;
	v4 =	vld [tilespmem:s9+$0xFFFFFFE0];
	[tilespmem:s15+$0x150] =	vst v0  }
0x34a: {  	v0 =	vld [tilespmem:s16+$0xFFFFFFE0]  }
0x34b: {  	[tilespmem:s15+$0xFFFFFE60] =	vst v3;
	v2 =	vmul.f32 v2, v5;
	v3 =	vld [tilespmem:s9+$0x60]  }
0x34c: {  	v5 =	vld [tilespmem:s16+$0x60]  }
0x34d: {  	[tilespmem:s15+$0xFFFFFEE0] =	vst v2;
	v1 =	vmul.f32 v1, v6;
	v2 =	vld [tilespmem:s9+$0xE0]  }
0x34e: {  	v6 =	vld [tilespmem:s16+$0xE0]  }
0x34f: {  	[tilespmem:s15+$0xFFFFFF60] =	vst v1;
	v0 =	vmul.f32 v0, v4;
	v1 =	vld [tilespmem:s9+$0x160]  }
0x350: {  	v4 =	vld [tilespmem:s16+$0x160]  }
0x351: {  	v7 =	vld [tilespmem:s9+$0xFFFFFE70];
	[tilespmem:s15+$0xFFFFFFE0] =	vst v0;
	v0 =	vmul.f32 v5, v3  }
0x352: {  	v3 =	vld [tilespmem:s16+$0xFFFFFE70]  }
0x353: {  	v5 =	vld [tilespmem:s9+$0xFFFFFEF0];
	[tilespmem:s15+$0x60] =	vst v0;
	v0 =	vmul.f32 v6, v2  }
0x354: {  	v2 =	vld [tilespmem:s16+$0xFFFFFEF0]  }
0x355: {  	v6 =	vld [tilespmem:s9+$0xFFFFFF70];
	[tilespmem:s15+$0xE0] =	vst v0;
	v0 =	vmul.f32 v4, v1  }
0x356: {  	v1 =	vld [tilespmem:s16+$0xFFFFFF70]  }
0x357: {  	v3 =	vmul.f32 v3, v7;
	v7 =	vld [tilespmem:s9+$0xFFFFFFF0];
	[tilespmem:s15+$0x160] =	vst v0  }
0x358: {  	v8 =	vld [tilespmem:s16+$0xFFFFFFF0]  }
0x359: {  	[tilespmem:s15+$0xFFFFFE70] =	vst v3;
	v3 =	vmul.f32 v2, v5;
	v0 =	vld [tilespmem:s9+$0x70]  }
.Ltmp2:
0x35a: {  	v2 =	vld [tilespmem:s16+$0x70];
	(pc) =	sbr.rel @p1 .LBB2_7-.Ltmp2, $4  }
0x35b: {  	[tilespmem:s15+$0xFFFFFEF0] =	vst v3;
	v3 =	vmul.f32 v1, v6;
	v1 =	vld [tilespmem:s9+$0xF0]  }
0x35c: {  	v4 =	vld [tilespmem:s16+$0xF0]  }
0x35d: {  	[tilespmem:s15+$0xFFFFFF70] =	vst v3;
	v6 =	vmul.f32 v8, v7;
	v3 =	vld [tilespmem:s9+$0x170]  }
0x35e: {  	s9 =	sadd.s32 $0x400, s9;
	v5 =	vld [tilespmem:s16+$0x170]  }
0x35f: {  	_ =	sdelay $0x1  }
0x360: {  	v0 =	vmul.f32 v2, v0  }
0x361: {  	[tilespmem:s15+$0xFFFFFFF0] =	vst v6;
	v1 =	vmul.f32 v4, v1  }
0x362: {  	s9 =	sadd.s32 s11, s13;
	[tilespmem:s15+$0x70] =	vst v0;
	v0 =	vmul.f32 v5, v3  }
0x363: {  	s9 =	sshll.u32 s9, $0x4;
	[tilespmem:s15+$0xF0] =	vst v1  }
0x364: {  	s9 =	sadd.s32 s4, s9;
	[tilespmem:s15+$0x170] =	vst v0  }
0x365: {  	[hbm4b:s9+s5] =	stream.linear.scatter [tilespmem:s3], [sflag:$0x9], $0x2800, $0x38;
	[tilespmem:$0x1B780] =	vst v63  }
0x366: {  	s16 =	simm.s32 @!p0 $0x7780;
	s15 =	simm.s32 @!p0 $0x50;
	s9 =	sadd.s32 @!p0 $0x1E0, s11  }
0x367: {  	[tilespmem:s16], [sflag:$0x3] =	stream.indirect.gather @!p0 [hbm4b:s1+s15], $0x80, s9, s15, $0xb8;
	[tilespmem:$0x1B780] =	vst v63  }
0x368: {  	s9 =	sadd.s32 @!p0 s6, s9  }
0x369: {  	s9 =	sshll.u32 @!p0 s9, $0x4  }
0x36a: {  	s15 =	simm.s32 @!p0 $0x0;
	s16 =	simm.s32 @!p0 $0x11780;
	s9 =	sadd.s32 @!p0 s2, s9  }
0x36b: {  	[tilespmem:s16], [sflag:$0x7] =	stream.linear.gather @!p0 [hbm4b:s9+s15], $0x2800, $0x38;
	[tilespmem:$0x1B780] =	vst v63  }
0x36c: {  	_ =	swait.ge [sflag:s26], $0x2800  }
0x36d: {  	[sflag:s26] =	ssyncset.done $0x0  }
0x36e: {  	[sflag:s26] =	ssyncadd.s32 $0xFFFFD800  }
0x36f: {  	_ =	swait.ge [sflag:s7], $0x2800  }
0x370: {  	[sflag:s7] =	ssyncset.done $0x0  }
0x371: {  	[sflag:s7] =	ssyncadd.s32 $0xFFFFD800  }
0x372: {  	_ =	swait.ge [sflag:s8], $0x2800  }
0x373: {  	[sflag:s8] =	ssyncset.done $0x0  }
0x374: {  	s17 =	simm.s32 $0xA180;
	[sflag:s8] =	ssyncadd.s32 $0xFFFFD800  }
0x375: {  	s16 =	simm.s32 $0x14180;
	v0 =	vld [tilespmem:s17+$0x180]  }
0x376: {  	v1 =	vld [tilespmem:s16+$0x180]  }
0x377: {  	v2 =	vld [tilespmem:s16+$0xFFFFFE00]  }
0x378: {  	v3 =	vld [tilespmem:s17+$0xFFFFFE80]  }
0x379: {  	v4 =	vld [tilespmem:s16+$0xFFFFFE80]  }
0x37a: {  	v5 =	vld [tilespmem:s17+$0xFFFFFF00]  }
0x37b: {  	v6 =	vld [tilespmem:s16+$0xFFFFFF00]  }
0x37c: {  	v7 =	vld [tilespmem:s16+$0xFFFFFF80]  }
0x37d: {  	v9 =	vld [tilespmem:s17+$0x0]  }
0x37e: {  	v10 =	vld [tilespmem:s16+$0x0]  }
0x37f: {  	v11 =	vld [tilespmem:s17+$0x80]  }
0x380: {  	v12 =	vld [tilespmem:s16+$0x80];
	v0 =	vmul.f32 v1, v0  }
0x381: {  	s15 =	simm.s32 $0x19180;
	v1 =	vld [tilespmem:s17+$0xFFFFFF80]  }
0x382: {  	v3 =	vmul.f32 v4, v3;
	v4 =	vld [tilespmem:s17+$0xFFFFFE00];
	[tilespmem:s15+$0x180] =	vst v0  }
0x383: {  	v0 =	vld [tilespmem:s17+$0x190]  }
0x384: {  	v8 =	vld [tilespmem:s16+$0x190]  }
0x385: {  	v13 =	vld [tilespmem:s17+$0x100];
	[tilespmem:s15+$0xFFFFFE80] =	vst v3;
	v3 =	vmul.f32 v6, v5  }
0x386: {  	v6 =	vld [tilespmem:s17+$0xFFFFFE90]  }
0x387: {  	[tilespmem:s15+$0xFFFFFF00] =	vst v3;
	v3 =	vld [tilespmem:s16+$0xFFFFFE90];
	v1 =	vmul.f32 v7, v1  }
0x388: {  	v2 =	vmul.f32 v2, v4;
	v4 =	vld [tilespmem:s17+$0xFFFFFF10]  }
0x389: {  	[tilespmem:s15+$0xFFFFFF80] =	vst v1;
	v1 =	vld [tilespmem:s16+$0xFFFFFF10];
	v0 =	vmul.f32 v8, v0  }
0x38a: {  	[tilespmem:s15+$0xFFFFFE00] =	vst v2;
	v2 =	vld [tilespmem:s17+$0xFFFFFF90]  }
0x38b: {  	v32 =	vld [tilespmem:s16+$0xFFFFFF90];
	[tilespmem:s15+$0x190] =	vst v0  }
0x38c: {  	v0 =	vld [tilespmem:s17+$0x1A0]  }
0x38d: {  	v3 =	vmul.f32 v3, v6;
	v5 =	vld [tilespmem:s16+$0x1A0]  }
0x38e: {  	v8 =	vld [tilespmem:s16+$0x100]  }
0x38f: {  	v7 =	vld [tilespmem:s16+$0xFFFFFE10];
	[tilespmem:s15+$0xFFFFFE90] =	vst v3;
	v1 =	vmul.f32 v1, v4  }
0x390: {  	v4 =	vld [tilespmem:s17+$0xFFFFFEA0]  }
0x391: {  	[tilespmem:s15+$0xFFFFFF10] =	vst v1;
	v1 =	vmul.f32 v32, v2;
	v2 =	vld [tilespmem:s16+$0xFFFFFEA0]  }
0x392: {  	v0 =	vmul.f32 v5, v0;
	v5 =	vld [tilespmem:s17+$0xFFFFFE10]  }
0x393: {  	v36 =	vld [tilespmem:s17+$0xFFFFFF20];
	[tilespmem:s15+$0xFFFFFF90] =	vst v1  }
0x394: {  	v1 =	vld [tilespmem:s16+$0xFFFFFF20];
	[tilespmem:s15+$0x1A0] =	vst v0;
	v0 =	vmul.f32 v10, v9  }
0x395: {  	v37 =	vld [tilespmem:s17+$0xFFFFFFA0]  }
0x396: {  	v30 =	vld [tilespmem:s17+$0x1B0];
	[tilespmem:s15+$0x0] =	vst v0;
	v0 =	vmul.f32 v12, v11  }
0x397: {  	v31 =	vld [tilespmem:s16+$0x1B0];
	v5 =	vmul.f32 v7, v5  }
0x398: {  	v33 =	vld [tilespmem:s17+$0x10];
	[tilespmem:s15+$0x80] =	vst v0;
	v0 =	vmul.f32 v8, v13  }
0x399: {  	v34 =	vld [tilespmem:s17+$0x90];
	[tilespmem:s15+$0xFFFFFE10] =	vst v5  }
0x39a: {  	[tilespmem:s15+$0x100] =	vst v0;
	v0 =	vld [tilespmem:s16+$0x90]  }
0x39b: {  	v6 =	vld [tilespmem:s17+$0xFFFFFE20]  }
0x39c: {  	v9 =	vmul.f32 v31, v30;
	v3 =	vld [tilespmem:s16+$0xFFFFFE20]  }
0x39d: {  	v35 =	vld [tilespmem:s17+$0x110]  }
0x39e: {  	v7 =	vld [tilespmem:s16+$0x110];
	[tilespmem:s15+$0x1B0] =	vst v9  }
0x39f: {  	v2 =	vmul.f32 v2, v4;
	v9 =	vld [tilespmem:s17+$0x1C0]  }
0x3a0: {  	v1 =	vmul.f32 v1, v36;
	v5 =	vld [tilespmem:s16+$0x1C0]  }
0x3a1: {  	[tilespmem:s15+$0xFFFFFEA0] =	vst v2;
	v8 =	vld [tilespmem:s16+$0x10];
	v0 =	vmul.f32 v0, v34  }
0x3a2: {  	v42 =	vld [tilespmem:s17+$0xFFFFFEB0];
	[tilespmem:s15+$0xFFFFFF20] =	vst v1;
	v3 =	vmul.f32 v3, v6  }
0x3a3: {  	v43 =	vld [tilespmem:s17+$0xFFFFFF30];
	[tilespmem:s15+$0x90] =	vst v0  }
0x3a4: {  	v0 =	vmul.f32 v7, v35;
	[tilespmem:s15+$0xFFFFFE20] =	vst v3;
	v40 =	vld [tilespmem:s17+$0xA0]  }
0x3a5: {  	v5 =	vmul.f32 v5, v9;
	v4 =	vld [tilespmem:s17+$0xFFFFFE30]  }
0x3a6: {  	[tilespmem:s15+$0x110] =	vst v0;
	v0 =	vld [tilespmem:s16+$0xA0]  }
0x3a7: {  	[tilespmem:s15+$0x1C0] =	vst v5;
	v41 =	vld [tilespmem:s17+$0x120]  }
0x3a8: {  	v5 =	vmul.f32 v8, v33;
	v8 =	vld [tilespmem:s17+$0x1D0]  }
0x3a9: {  	v38 =	vld [tilespmem:s16+$0x1D0]  }
0x3aa: {  	[tilespmem:s15+$0x10] =	vst v5;
	v5 =	vld [tilespmem:s16+$0xFFFFFFA0]  }
0x3ab: {  	v6 =	vld [tilespmem:s16+$0x120]  }
0x3ac: {  	v2 =	vld [tilespmem:s16+$0xFFFFFE30]  }
0x3ad: {  	v39 =	vld [tilespmem:s17+$0x20];
	v0 =	vmul.f32 v0, v40  }
0x3ae: {  	v7 =	vld [tilespmem:s16+$0x20];
	v8 =	vmul.f32 v38, v8  }
0x3af: {  	[tilespmem:s15+$0xA0] =	vst v0;
	v1 =	vmul.f32 v5, v37;
	v5 =	vld [tilespmem:s16+$0xFFFFFEB0]  }
0x3b0: {  	v0 =	vmul.f32 v6, v41;
	v46 =	vld [tilespmem:s17+$0xB0];
	[tilespmem:s15+$0x1D0] =	vst v8  }
0x3b1: {  	v8 =	vld [tilespmem:s17+$0x1E0]  }
0x3b2: {  	[tilespmem:s15+$0x120] =	vst v0;
	v3 =	vld [tilespmem:s16+$0x1E0]  }
0x3b3: {  	v0 =	vmul.f32 v2, v4;
	[tilespmem:s15+$0xFFFFFFA0] =	vst v1;
	v1 =	vld [tilespmem:s16+$0xFFFFFF30]  }
0x3b4: {  	v2 =	vld [tilespmem:s16+$0xB0]  }
0x3b5: {  	v4 =	vld [tilespmem:s17+$0x130];
	[tilespmem:s15+$0xFFFFFE30] =	vst v0  }
0x3b6: {  	v47 =	vld [tilespmem:s17+$0xFFFFFE40];
	v0 =	vmul.f32 v5, v42  }
0x3b7: {  	v5 =	vld [tilespmem:s16+$0x130]  }
0x3b8: {  	v3 =	vmul.f32 v3, v8;
	[tilespmem:s15+$0xFFFFFEB0] =	vst v0;
	v0 =	vmul.f32 v1, v43;
	v1 =	vld [tilespmem:s16+$0xFFFFFE40]  }
0x3b9: {  	v8 =	vld [tilespmem:s17+$0xFFFFFFB0]  }
0x3ba: {  	v48 =	vld [tilespmem:s17+$0xFFFFFEC0];
	[tilespmem:s15+$0x1E0] =	vst v3;
	v3 =	vmul.f32 v7, v39  }
0x3bb: {  	v7 =	vld [tilespmem:s17+$0x1F0]  }
0x3bc: {  	[tilespmem:s15+$0x20] =	vst v3;
	v3 =	vld [tilespmem:s16+$0xFFFFFFB0]  }
0x3bd: {  	v45 =	vld [tilespmem:s17+$0x30];
	v1 =	vmul.f32 v1, v47  }
0x3be: {  	v6 =	vld [tilespmem:s16+$0x30]  }
0x3bf: {  	v44 =	vld [tilespmem:s16+$0x1F0];
	[tilespmem:s15+$0xFFFFFE40] =	vst v1  }
0x3c0: {  	v52 =	vld [tilespmem:s17+$0xFFFFFE50]  }
0x3c1: {  	[tilespmem:s15+$0xFFFFFF30] =	vst v0;
	v0 =	vmul.f32 v3, v8;
	v3 =	vld [tilespmem:s16+$0xFFFFFEC0]  }
0x3c2: {  	v8 =	vld [tilespmem:s17+$0xFFFFFF40]  }
0x3c3: {  	[tilespmem:s15+$0xFFFFFFB0] =	vst v0;
	v0 =	vmul.f32 v6, v45;
	v6 =	vld [tilespmem:s16+$0xFFFFFF40]  }
0x3c4: {  	v49 =	vld [tilespmem:s17+$0xFFFFFFC0]  }
0x3c5: {  	[tilespmem:s15+$0x30] =	vst v0;
	v0 =	vmul.f32 v2, v46;
	v2 =	vld [tilespmem:s16+$0xFFFFFFC0]  }
0x3c6: {  	v50 =	vld [tilespmem:s17+$0x40]  }
0x3c7: {  	v1 =	vmul.f32 v3, v48;
	[tilespmem:s15+$0xB0] =	vst v0;
	v0 =	vmul.f32 v5, v4;
	v4 =	vld [tilespmem:s16+$0x40]  }
0x3c8: {  	v5 =	vld [tilespmem:s17+$0xC0]  }
0x3c9: {  	[tilespmem:s15+$0xFFFFFEC0] =	vst v1;
	v1 =	vmul.f32 v6, v8;
	v6 =	vld [tilespmem:s16+$0xFFFFFE50]  }
0x3ca: {  	[tilespmem:s15+$0x130] =	vst v0;
	v0 =	vld [tilespmem:s16+$0xC0]  }
0x3cb: {  	v8 =	vld [tilespmem:s17+$0xFFFFFED0]  }
0x3cc: {  	v51 =	vld [tilespmem:s17+$0x140]  }
0x3cd: {  	v3 =	vld [tilespmem:s16+$0x140]  }
0x3ce: {  	[tilespmem:s15+$0xFFFFFF40] =	vst v1;
	v1 =	vmul.f32 v2, v49;
	v2 =	vld [tilespmem:s16+$0xFFFFFED0]  }
0x3cf: {  	v53 =	vld [tilespmem:s17+$0xFFFFFF50]  }
0x3d0: {  	[tilespmem:s15+$0xFFFFFFC0] =	vst v1;
	v1 =	vmul.f32 v4, v50;
	v4 =	vld [tilespmem:s16+$0xFFFFFF50]  }
0x3d1: {  	v54 =	vld [tilespmem:s17+$0xFFFFFFD0];
	v6 =	vmul.f32 v6, v52  }
0x3d2: {  	[tilespmem:s15+$0x40] =	vst v1;
	v0 =	vmul.f32 v0, v5;
	v1 =	vld [tilespmem:s16+$0xFFFFFFD0]  }
0x3d3: {  	v5 =	vld [tilespmem:s17+$0x50];
	[tilespmem:s15+$0xFFFFFE50] =	vst v6  }
0x3d4: {  	[tilespmem:s15+$0xC0] =	vst v0;
	v0 =	vmul.f32 v3, v51;
	v3 =	vld [tilespmem:s16+$0x50]  }
0x3d5: {  	v2 =	vmul.f32 v2, v8;
	v8 =	vld [tilespmem:s17+$0xFFFFFE60]  }
0x3d6: {  	v55 =	vld [tilespmem:s17+$0xD0]  }
0x3d7: {  	[tilespmem:s15+$0xFFFFFED0] =	vst v2;
	v2 =	vmul.f32 v4, v53;
	v4 =	vld [tilespmem:s16+$0xFFFFFE60]  }
0x3d8: {  	[tilespmem:s15+$0x140] =	vst v0;
	v0 =	vld [tilespmem:s16+$0xD0]  }
0x3d9: {  	v57 =	vld [tilespmem:s17+$0xFFFFFEE0]  }
0x3da: {  	v56 =	vld [tilespmem:s17+$0x150]  }
0x3db: {  	v6 =	vld [tilespmem:s16+$0x150]  }
0x3dc: {  	[tilespmem:s15+$0xFFFFFF50] =	vst v2;
	v1 =	vmul.f32 v1, v54;
	v2 =	vld [tilespmem:s16+$0xFFFFFEE0]  }
0x3dd: {  	v58 =	vld [tilespmem:s17+$0xFFFFFF60]  }
0x3de: {  	[tilespmem:s15+$0xFFFFFFD0] =	vst v1;
	v1 =	vmul.f32 v3, v5;
	v3 =	vld [tilespmem:s16+$0xFFFFFF60]  }
0x3df: {  	v5 =	vld [tilespmem:s17+$0xFFFFFFE0];
	v4 =	vmul.f32 v4, v8  }
0x3e0: {  	[tilespmem:s15+$0x50] =	vst v1;
	v0 =	vmul.f32 v0, v55;
	v1 =	vld [tilespmem:s16+$0xFFFFFFE0]  }
0x3e1: {  	v59 =	vld [tilespmem:s17+$0x60];
	[tilespmem:s15+$0xFFFFFE60] =	vst v4  }
0x3e2: {  	[tilespmem:s15+$0xD0] =	vst v0;
	v0 =	vmul.f32 v6, v56;
	v6 =	vld [tilespmem:s16+$0x60]  }
0x3e3: {  	v2 =	vmul.f32 v2, v57;
	v61 =	vld [tilespmem:s17+$0xFFFFFE70]  }
0x3e4: {  	v60 =	vld [tilespmem:s17+$0xE0]  }
0x3e5: {  	[tilespmem:s15+$0xFFFFFEE0] =	vst v2;
	v2 =	vmul.f32 v3, v58;
	v3 =	vld [tilespmem:s16+$0xFFFFFE70]  }
0x3e6: {  	[tilespmem:s15+$0x150] =	vst v0;
	v0 =	vld [tilespmem:s16+$0xE0]  }
0x3e7: {  	v62 =	vld [tilespmem:s17+$0xFFFFFEF0]  }
0x3e8: {  	v8 =	vld [tilespmem:s17+$0x160]  }
0x3e9: {  	v4 =	vld [tilespmem:s16+$0x160]  }
0x3ea: {  	[tilespmem:s15+$0xFFFFFF60] =	vst v2;
	v1 =	vmul.f32 v1, v5;
	v5 =	vld [tilespmem:s16+$0xFFFFFEF0]  }
0x3eb: {  	v14 =	vld [tilespmem:s17+$0xFFFFFF70]  }
0x3ec: {  	[tilespmem:s15+$0xFFFFFFE0] =	vst v1;
	v1 =	vmul.f32 v6, v59;
	v6 =	vld [tilespmem:s16+$0xFFFFFF70]  }
0x3ed: {  	v2 =	vmul.f32 v44, v7;
	v7 =	vld [tilespmem:s17+$0xFFFFFFF0]  }
0x3ee: {  	v63 =	vld [tilespmem:s16+$0xFFFFFFF0];
	[tilespmem:s15+$0x60] =	vst v1;
	v1 =	vmul.f32 v0, v60  }
0x3ef: {  	[tilespmem:s15+$0x1F0] =	vst v2;
	v3 =	vmul.f32 v3, v61;
	v0 =	vld [tilespmem:s17+$0x70]  }
0x3f0: {  	v4 =	vmul.f32 v4, v8;
	v2 =	vld [tilespmem:s16+$0x70];
	[tilespmem:s15+$0xE0] =	vst v1  }
0x3f1: {  	[tilespmem:s15+$0xFFFFFE70] =	vst v3;
	v1 =	vld [tilespmem:s17+$0xF0];
	v6 =	vmul.f32 v6, v14  }
0x3f2: {  	v5 =	vmul.f32 v5, v62;
	[tilespmem:s15+$0x160] =	vst v4;
	v4 =	vld [tilespmem:s16+$0xF0]  }
0x3f3: {  	v3 =	vld [tilespmem:s17+$0x170];
	[tilespmem:s15+$0xFFFFFF70] =	vst v6;
	v6 =	vmul.f32 v63, v7  }
0x3f4: {  	s9 =	simm.s32 $0xA580;
	[tilespmem:s15+$0xFFFFFEF0] =	vst v5;
	s17 =	simm.s32 $0x0;
	v5 =	vld [tilespmem:s16+$0x170]  }
.LBB2_9:
0x3f5: {  	v7 =	vld [tilespmem:s9+$0x180];
	[tilespmem:s15+$0xFFFFFFF0] =	vst v6;
	v0 =	vmul.f32 v2, v0;
	s16 =	sadd.s32 $0x400, s16  }
0x3f6: {  	v2 =	vld [tilespmem:s16+$0x180]  }
0x3f7: {  	v6 =	vld [tilespmem:s16+$0xFFFFFE00];
	[tilespmem:s15+$0x70] =	vst v0;
	v0 =	vmul.f32 v4, v1  }
0x3f8: {  	v1 =	vld [tilespmem:s9+$0xFFFFFE80]  }
0x3f9: {  	v4 =	vld [tilespmem:s16+$0xFFFFFE80];
	[tilespmem:s15+$0xF0] =	vst v0;
	v0 =	vmul.f32 v5, v3  }
0x3fa: {  	v3 =	vld [tilespmem:s9+$0xFFFFFF00]  }
0x3fb: {  	v5 =	vld [tilespmem:s16+$0xFFFFFF00];
	v2 =	vmul.f32 v2, v7;
	[tilespmem:s15+$0x170] =	vst v0  }
0x3fc: {  	s15 =	sadd.s32 $0x400, s15;
	v0 =	vld [tilespmem:s9+$0xFFFFFF80]  }
0x3fd: {  	s17 =	sadd.s32 $0x8, s17;
	v7 =	vld [tilespmem:s16+$0xFFFFFF80];
	[tilespmem:s15+$0x180] =	vst v2  }
0x3fe: {  	p1 =	slt.u32 s17, $0x48;
	v1 =	vmul.f32 v4, v1;
	v2 =	vld [tilespmem:s9+$0x190]  }
0x3ff: {  	v4 =	vld [tilespmem:s16+$0x190]  }
0x400: {  	[tilespmem:s15+$0xFFFFFE80] =	vst v1;
	v1 =	vmul.f32 v5, v3;
	v3 =	vld [tilespmem:s9+$0x0]  }
0x401: {  	v5 =	vld [tilespmem:s16+$0x0]  }
0x402: {  	[tilespmem:s15+$0xFFFFFF00] =	vst v1;
	v0 =	vmul.f32 v7, v0;
	v1 =	vld [tilespmem:s9+$0x80]  }
0x403: {  	v7 =	vld [tilespmem:s16+$0x80]  }
0x404: {  	[tilespmem:s15+$0xFFFFFF80] =	vst v0;
	v0 =	vld [tilespmem:s9+$0x100];
	v2 =	vmul.f32 v4, v2  }
0x405: {  	v4 =	vld [tilespmem:s16+$0x100]  }
0x406: {  	v8 =	vld [tilespmem:s9+$0xFFFFFE00];
	v3 =	vmul.f32 v5, v3;
	[tilespmem:s15+$0x190] =	vst v2  }
0x407: {  	v2 =	vld [tilespmem:s9+$0x1A0]  }
0x408: {  	[tilespmem:s15+$0x0] =	vst v3;
	v1 =	vmul.f32 v7, v1;
	v3 =	vld [tilespmem:s16+$0x1A0]  }
0x409: {  	v5 =	vld [tilespmem:s9+$0xFFFFFE90]  }
0x40a: {  	v7 =	vld [tilespmem:s16+$0xFFFFFE90];
	[tilespmem:s15+$0x80] =	vst v1;
	v0 =	vmul.f32 v4, v0  }
0x40b: {  	v1 =	vmul.f32 v6, v8;
	v4 =	vld [tilespmem:s9+$0xFFFFFF10]  }
0x40c: {  	v6 =	vld [tilespmem:s16+$0xFFFFFF10];
	[tilespmem:s15+$0x100] =	vst v0  }
0x40d: {  	[tilespmem:s15+$0xFFFFFE00] =	vst v1;
	v0 =	vld [tilespmem:s9+$0xFFFFFF90];
	v1 =	vmul.f32 v3, v2  }
0x40e: {  	v2 =	vld [tilespmem:s9+$0xFFFFFE10]  }
0x40f: {  	v3 =	vld [tilespmem:s16+$0xFFFFFE10];
	v5 =	vmul.f32 v7, v5;
	[tilespmem:s15+$0x1A0] =	vst v1  }
0x410: {  	v1 =	vld [tilespmem:s9+$0x1B0]  }
0x411: {  	[tilespmem:s15+$0xFFFFFE90] =	vst v5;
	v4 =	vmul.f32 v6, v4;
	v5 =	vld [tilespmem:s16+$0x1B0]  }
0x412: {  	v6 =	vld [tilespmem:s16+$0xFFFFFF90]  }
0x413: {  	[tilespmem:s15+$0xFFFFFF10] =	vst v4;
	v4 =	vld [tilespmem:s9+$0x10]  }
0x414: {  	v2 =	vmul.f32 v3, v2;
	v3 =	vld [tilespmem:s16+$0x10]  }
0x415: {  	v7 =	vld [tilespmem:s9+$0x90]  }
0x416: {  	[tilespmem:s15+$0xFFFFFE10] =	vst v2;
	v2 =	vld [tilespmem:s16+$0x90];
	v1 =	vmul.f32 v5, v1  }
0x417: {  	v0 =	vmul.f32 v6, v0;
	v5 =	vld [tilespmem:s9+$0x110]  }
0x418: {  	v6 =	vld [tilespmem:s16+$0x110];
	[tilespmem:s15+$0x1B0] =	vst v1  }
0x419: {  	[tilespmem:s15+$0xFFFFFF90] =	vst v0;
	v0 =	vmul.f32 v3, v4;
	v1 =	vld [tilespmem:s9+$0x1C0]  }
0x41a: {  	v3 =	vld [tilespmem:s16+$0x1C0]  }
0x41b: {  	v4 =	vld [tilespmem:s9+$0xFFFFFE20];
	[tilespmem:s15+$0x10] =	vst v0;
	v0 =	vmul.f32 v2, v7  }
0x41c: {  	v2 =	vld [tilespmem:s16+$0xFFFFFE20]  }
0x41d: {  	v7 =	vld [tilespmem:s9+$0xFFFFFEA0];
	[tilespmem:s15+$0x90] =	vst v0;
	v0 =	vmul.f32 v6, v5  }
0x41e: {  	v5 =	vld [tilespmem:s16+$0xFFFFFEA0]  }
0x41f: {  	v6 =	vld [tilespmem:s9+$0xFFFFFF20];
	[tilespmem:s15+$0x110] =	vst v0;
	v0 =	vmul.f32 v3, v1  }
0x420: {  	v1 =	vld [tilespmem:s16+$0xFFFFFF20]  }
0x421: {  	v2 =	vmul.f32 v2, v4;
	v3 =	vld [tilespmem:s9+$0xFFFFFFA0];
	[tilespmem:s15+$0x1C0] =	vst v0  }
0x422: {  	v0 =	vld [tilespmem:s9+$0x1D0]  }
0x423: {  	[tilespmem:s15+$0xFFFFFE20] =	vst v2;
	v2 =	vmul.f32 v5, v7;
	v4 =	vld [tilespmem:s16+$0x1D0]  }
0x424: {  	v5 =	vld [tilespmem:s16+$0xFFFFFFA0]  }
0x425: {  	[tilespmem:s15+$0xFFFFFEA0] =	vst v2;
	v1 =	vmul.f32 v1, v6;
	v2 =	vld [tilespmem:s9+$0x20]  }
0x426: {  	v6 =	vld [tilespmem:s16+$0x20]  }
0x427: {  	[tilespmem:s15+$0xFFFFFF20] =	vst v1;
	v1 =	vld [tilespmem:s9+$0xA0]  }
0x428: {  	v7 =	vld [tilespmem:s16+$0xA0];
	v0 =	vmul.f32 v4, v0  }
0x429: {  	v3 =	vmul.f32 v5, v3;
	v4 =	vld [tilespmem:s9+$0x120]  }
0x42a: {  	v5 =	vld [tilespmem:s16+$0x120];
	[tilespmem:s15+$0x1D0] =	vst v0  }
0x42b: {  	[tilespmem:s15+$0xFFFFFFA0] =	vst v3;
	v0 =	vmul.f32 v6, v2;
	v2 =	vld [tilespmem:s9+$0x1E0]  }
0x42c: {  	v3 =	vld [tilespmem:s16+$0x1E0]  }
0x42d: {  	v6 =	vld [tilespmem:s9+$0xFFFFFE30];
	[tilespmem:s15+$0x20] =	vst v0;
	v0 =	vmul.f32 v7, v1  }
0x42e: {  	v1 =	vld [tilespmem:s16+$0xFFFFFE30]  }
0x42f: {  	v7 =	vld [tilespmem:s9+$0xFFFFFEB0];
	[tilespmem:s15+$0xA0] =	vst v0;
	v0 =	vmul.f32 v5, v4  }
0x430: {  	v4 =	vld [tilespmem:s16+$0xFFFFFEB0]  }
0x431: {  	v5 =	vld [tilespmem:s9+$0xFFFFFF30];
	[tilespmem:s15+$0x120] =	vst v0;
	v0 =	vmul.f32 v3, v2  }
0x432: {  	v2 =	vld [tilespmem:s16+$0xFFFFFF30]  }
0x433: {  	v1 =	vmul.f32 v1, v6;
	v3 =	vld [tilespmem:s9+$0xFFFFFFB0];
	[tilespmem:s15+$0x1E0] =	vst v0  }
0x434: {  	v0 =	vld [tilespmem:s9+$0x1F0]  }
0x435: {  	[tilespmem:s15+$0xFFFFFE30] =	vst v1;
	v1 =	vmul.f32 v4, v7;
	v4 =	vld [tilespmem:s16+$0x1F0]  }
0x436: {  	v6 =	vld [tilespmem:s16+$0xFFFFFFB0]  }
0x437: {  	[tilespmem:s15+$0xFFFFFEB0] =	vst v1;
	v1 =	vmul.f32 v2, v5;
	v2 =	vld [tilespmem:s9+$0x30]  }
0x438: {  	v5 =	vld [tilespmem:s16+$0x30]  }
0x439: {  	[tilespmem:s15+$0xFFFFFF30] =	vst v1;
	v1 =	vld [tilespmem:s9+$0xB0]  }
0x43a: {  	v7 =	vld [tilespmem:s16+$0xB0];
	v0 =	vmul.f32 v4, v0  }
0x43b: {  	v3 =	vmul.f32 v6, v3;
	v4 =	vld [tilespmem:s9+$0x130]  }
0x43c: {  	v6 =	vld [tilespmem:s16+$0x130];
	[tilespmem:s15+$0x1F0] =	vst v0  }
0x43d: {  	v0 =	vld [tilespmem:s9+$0xFFFFFE40];
	[tilespmem:s15+$0xFFFFFFB0] =	vst v3;
	v2 =	vmul.f32 v5, v2  }
0x43e: {  	v3 =	vld [tilespmem:s16+$0xFFFFFE40]  }
0x43f: {  	v5 =	vld [tilespmem:s9+$0xFFFFFEC0];
	[tilespmem:s15+$0x30] =	vst v2;
	v1 =	vmul.f32 v7, v1  }
0x440: {  	v2 =	vld [tilespmem:s16+$0xFFFFFEC0]  }
0x441: {  	v7 =	vld [tilespmem:s9+$0xFFFFFF40];
	[tilespmem:s15+$0xB0] =	vst v1;
	v1 =	vmul.f32 v6, v4  }
0x442: {  	v4 =	vld [tilespmem:s16+$0xFFFFFF40]  }
0x443: {  	v0 =	vmul.f32 v3, v0;
	v3 =	vld [tilespmem:s9+$0xFFFFFFC0];
	[tilespmem:s15+$0x130] =	vst v1  }
0x444: {  	v1 =	vld [tilespmem:s16+$0xFFFFFFC0]  }
0x445: {  	[tilespmem:s15+$0xFFFFFE40] =	vst v0;
	v0 =	vmul.f32 v2, v5;
	v2 =	vld [tilespmem:s9+$0x40]  }
0x446: {  	v5 =	vld [tilespmem:s16+$0x40]  }
0x447: {  	[tilespmem:s15+$0xFFFFFEC0] =	vst v0;
	v0 =	vmul.f32 v4, v7;
	v4 =	vld [tilespmem:s9+$0xC0]  }
0x448: {  	v6 =	vld [tilespmem:s16+$0xC0]  }
0x449: {  	[tilespmem:s15+$0xFFFFFF40] =	vst v0;
	v0 =	vmul.f32 v1, v3;
	v1 =	vld [tilespmem:s9+$0x140]  }
0x44a: {  	v3 =	vld [tilespmem:s16+$0x140]  }
0x44b: {  	v7 =	vld [tilespmem:s9+$0xFFFFFE50];
	[tilespmem:s15+$0xFFFFFFC0] =	vst v0;
	v0 =	vmul.f32 v5, v2  }
0x44c: {  	v2 =	vld [tilespmem:s16+$0xFFFFFE50]  }
0x44d: {  	v5 =	vld [tilespmem:s9+$0xFFFFFED0];
	[tilespmem:s15+$0x40] =	vst v0;
	v0 =	vmul.f32 v6, v4  }
0x44e: {  	v4 =	vld [tilespmem:s16+$0xFFFFFED0]  }
0x44f: {  	v6 =	vld [tilespmem:s9+$0xFFFFFF50];
	[tilespmem:s15+$0xC0] =	vst v0;
	v0 =	vmul.f32 v3, v1  }
0x450: {  	v1 =	vld [tilespmem:s16+$0xFFFFFF50]  }
0x451: {  	v2 =	vmul.f32 v2, v7;
	v3 =	vld [tilespmem:s9+$0xFFFFFFD0];
	[tilespmem:s15+$0x140] =	vst v0  }
0x452: {  	v0 =	vld [tilespmem:s16+$0xFFFFFFD0]  }
0x453: {  	[tilespmem:s15+$0xFFFFFE50] =	vst v2;
	v2 =	vmul.f32 v4, v5;
	v4 =	vld [tilespmem:s9+$0x50]  }
0x454: {  	v5 =	vld [tilespmem:s16+$0x50]  }
0x455: {  	[tilespmem:s15+$0xFFFFFED0] =	vst v2;
	v1 =	vmul.f32 v1, v6;
	v2 =	vld [tilespmem:s9+$0xD0]  }
0x456: {  	v6 =	vld [tilespmem:s16+$0xD0]  }
0x457: {  	[tilespmem:s15+$0xFFFFFF50] =	vst v1;
	v0 =	vmul.f32 v0, v3;
	v1 =	vld [tilespmem:s9+$0x150]  }
0x458: {  	v3 =	vld [tilespmem:s16+$0x150]  }
0x459: {  	v7 =	vld [tilespmem:s9+$0xFFFFFE60];
	[tilespmem:s15+$0xFFFFFFD0] =	vst v0;
	v0 =	vmul.f32 v5, v4  }
0x45a: {  	v4 =	vld [tilespmem:s16+$0xFFFFFE60]  }
0x45b: {  	v5 =	vld [tilespmem:s9+$0xFFFFFEE0];
	[tilespmem:s15+$0x50] =	vst v0;
	v0 =	vmul.f32 v6, v2  }
0x45c: {  	v2 =	vld [tilespmem:s16+$0xFFFFFEE0]  }
0x45d: {  	v6 =	vld [tilespmem:s9+$0xFFFFFF60];
	[tilespmem:s15+$0xD0] =	vst v0;
	v0 =	vmul.f32 v3, v1  }
0x45e: {  	v1 =	vld [tilespmem:s16+$0xFFFFFF60]  }
0x45f: {  	v3 =	vmul.f32 v4, v7;
	v4 =	vld [tilespmem:s9+$0xFFFFFFE0];
	[tilespmem:s15+$0x150] =	vst v0  }
0x460: {  	v0 =	vld [tilespmem:s16+$0xFFFFFFE0]  }
0x461: {  	[tilespmem:s15+$0xFFFFFE60] =	vst v3;
	v2 =	vmul.f32 v2, v5;
	v3 =	vld [tilespmem:s9+$0x60]  }
0x462: {  	v5 =	vld [tilespmem:s16+$0x60]  }
0x463: {  	[tilespmem:s15+$0xFFFFFEE0] =	vst v2;
	v1 =	vmul.f32 v1, v6;
	v2 =	vld [tilespmem:s9+$0xE0]  }
0x464: {  	v6 =	vld [tilespmem:s16+$0xE0]  }
0x465: {  	[tilespmem:s15+$0xFFFFFF60] =	vst v1;
	v0 =	vmul.f32 v0, v4;
	v1 =	vld [tilespmem:s9+$0x160]  }
0x466: {  	v4 =	vld [tilespmem:s16+$0x160]  }
0x467: {  	v7 =	vld [tilespmem:s9+$0xFFFFFE70];
	[tilespmem:s15+$0xFFFFFFE0] =	vst v0;
	v0 =	vmul.f32 v5, v3  }
0x468: {  	v3 =	vld [tilespmem:s16+$0xFFFFFE70]  }
0x469: {  	v5 =	vld [tilespmem:s9+$0xFFFFFEF0];
	[tilespmem:s15+$0x60] =	vst v0;
	v0 =	vmul.f32 v6, v2  }
0x46a: {  	v2 =	vld [tilespmem:s16+$0xFFFFFEF0]  }
0x46b: {  	v6 =	vld [tilespmem:s9+$0xFFFFFF70];
	[tilespmem:s15+$0xE0] =	vst v0;
	v0 =	vmul.f32 v4, v1  }
0x46c: {  	v1 =	vld [tilespmem:s16+$0xFFFFFF70]  }
0x46d: {  	v3 =	vmul.f32 v3, v7;
	v7 =	vld [tilespmem:s9+$0xFFFFFFF0];
	[tilespmem:s15+$0x160] =	vst v0  }
0x46e: {  	v8 =	vld [tilespmem:s16+$0xFFFFFFF0]  }
0x46f: {  	[tilespmem:s15+$0xFFFFFE70] =	vst v3;
	v3 =	vmul.f32 v2, v5;
	v0 =	vld [tilespmem:s9+$0x70]  }
.Ltmp3:
0x470: {  	v2 =	vld [tilespmem:s16+$0x70];
	(pc) =	sbr.rel @p1 .LBB2_9-.Ltmp3, $4  }
0x471: {  	[tilespmem:s15+$0xFFFFFEF0] =	vst v3;
	v3 =	vmul.f32 v1, v6;
	v1 =	vld [tilespmem:s9+$0xF0]  }
0x472: {  	v4 =	vld [tilespmem:s16+$0xF0]  }
0x473: {  	[tilespmem:s15+$0xFFFFFF70] =	vst v3;
	v6 =	vmul.f32 v8, v7;
	v3 =	vld [tilespmem:s9+$0x170]  }
0x474: {  	s9 =	sadd.s32 $0x400, s9;
	v5 =	vld [tilespmem:s16+$0x170]  }
0x475: {  	_ =	sdelay $0x1  }
0x476: {  	v0 =	vmul.f32 v2, v0  }
.Ltmp4:
0x477: {  	[tilespmem:s15+$0xFFFFFFF0] =	vst v6;
	v1 =	vmul.f32 v4, v1;
	(pc) =	sbr.rel @p0 .LBB2_12-.Ltmp4, $4  }
0x478: {  	s9 =	sadd.s32 s11, s14;
	[tilespmem:s15+$0x70] =	vst v0;
	v63 =	vmul.f32 v5, v3  }
0x479: {  	s9 =	sshll.u32 s9, $0x4;
	[tilespmem:s15+$0xF0] =	vst v1  }
0x47a: {  	s9 =	sadd.s32 s4, s9;
	[tilespmem:s15+$0x170] =	vst v63  }
0x47b: {  	[hbm4b:s9+s5] =	stream.linear.scatter [tilespmem:s22], [sflag:$0xA], $0x2800, $0x38;
	[tilespmem:$0x1B780] =	vst v63  }
0x47c: {  	s9 =	sadd.s32 $0x230, s11  }
0x47d: {  	[tilespmem:s28], [sflag:$0x4] =	stream.indirect.gather [hbm4b:s1+s18], $0x80, s9, s18, $0xb8;
	[tilespmem:$0x1B780] =	vst v63  }
.Ltmp5:
0x47e: {  	_ = 	snop;
	(pc) =	sbr.rel .LBB2_2-.Ltmp5, $4  }
0x47f: {  	s9 =	sadd.s32 s6, s9  }
0x480: {  	s9 =	sshll.u32 s9, $0x4  }
0x481: {  	s10 =	sadd.s32 $0x1, s10;
	s9 =	sadd.s32 s2, s9  }
0x482: {  	[tilespmem:s29], [sflag:$0x8] =	stream.linear.gather [hbm4b:s9+s5], $0x2800, $0x38;
	[tilespmem:$0x1B780] =	vst v63  }
.LBB2_12:
0x483: {  	_ =	swait.ge [sflag:s30], $0x2800  }
0x484: {  	[sflag:s30] =	ssyncset.done $0x0  }
0x485: {  	[sflag:s30] =	ssyncadd.s32 $0xFFFFD800  }
0x486: {  	_ =	swait.ge [sflag:s31], $0x2800  }
0x487: {  	[sflag:s31] =	ssyncset.done $0x0  }
0x488: {  	[sflag:s31] =	ssyncadd.s32 $0xFFFFD800  }
0x489: {  	_ =	swait.ge [sflag:s25], $0x2800  }
0x48a: {  	[sflag:s25] =	ssyncset.done $0x0  }
0x48b: {  	s9 =	simm.s32 $0x2980;
	[sflag:s25] =	ssyncadd.s32 $0xFFFFD800  }
0x48c: {  	s10 =	simm.s32 $0xC980;
	v0 =	vld [tilespmem:s9+$0x180]  }
0x48d: {  	v1 =	vld [tilespmem:s10+$0x180]  }
0x48e: {  	v2 =	vld [tilespmem:s10+$0xFFFFFE00]  }
0x48f: {  	v3 =	vld [tilespmem:s9+$0xFFFFFE80]  }
0x490: {  	v4 =	vld [tilespmem:s10+$0xFFFFFE80]  }
0x491: {  	v5 =	vld [tilespmem:s9+$0xFFFFFF00]  }
0x492: {  	v6 =	vld [tilespmem:s10+$0xFFFFFF00]  }
0x493: {  	v7 =	vld [tilespmem:s10+$0xFFFFFF80]  }
0x494: {  	v9 =	vld [tilespmem:s9+$0x0]  }
0x495: {  	v10 =	vld [tilespmem:s10+$0x0]  }
0x496: {  	v11 =	vld [tilespmem:s9+$0x80]  }
0x497: {  	v12 =	vld [tilespmem:s10+$0x80];
	v0 =	vmul.f32 v1, v0  }
0x498: {  	s11 =	simm.s32 $0x16980;
	v1 =	vld [tilespmem:s9+$0xFFFFFF80]  }
0x499: {  	v3 =	vmul.f32 v4, v3;
	v4 =	vld [tilespmem:s9+$0xFFFFFE00];
	[tilespmem:s11+$0x180] =	vst v0  }
0x49a: {  	v0 =	vld [tilespmem:s9+$0x190]  }
0x49b: {  	v8 =	vld [tilespmem:s10+$0x190]  }
0x49c: {  	v13 =	vld [tilespmem:s9+$0x100];
	[tilespmem:s11+$0xFFFFFE80] =	vst v3;
	v3 =	vmul.f32 v6, v5  }
0x49d: {  	v6 =	vld [tilespmem:s9+$0xFFFFFE90]  }
0x49e: {  	[tilespmem:s11+$0xFFFFFF00] =	vst v3;
	v3 =	vld [tilespmem:s10+$0xFFFFFE90];
	v1 =	vmul.f32 v7, v1  }
0x49f: {  	v2 =	vmul.f32 v2, v4;
	v4 =	vld [tilespmem:s9+$0xFFFFFF10]  }
0x4a0: {  	[tilespmem:s11+$0xFFFFFF80] =	vst v1;
	v1 =	vld [tilespmem:s10+$0xFFFFFF10];
	v0 =	vmul.f32 v8, v0  }
0x4a1: {  	[tilespmem:s11+$0xFFFFFE00] =	vst v2;
	v2 =	vld [tilespmem:s9+$0xFFFFFF90]  }
0x4a2: {  	v32 =	vld [tilespmem:s10+$0xFFFFFF90];
	[tilespmem:s11+$0x190] =	vst v0  }
0x4a3: {  	v0 =	vld [tilespmem:s9+$0x1A0]  }
0x4a4: {  	v3 =	vmul.f32 v3, v6;
	v5 =	vld [tilespmem:s10+$0x1A0]  }
0x4a5: {  	v8 =	vld [tilespmem:s10+$0x100]  }
0x4a6: {  	v7 =	vld [tilespmem:s10+$0xFFFFFE10];
	[tilespmem:s11+$0xFFFFFE90] =	vst v3;
	v1 =	vmul.f32 v1, v4  }
0x4a7: {  	v4 =	vld [tilespmem:s9+$0xFFFFFEA0]  }
0x4a8: {  	[tilespmem:s11+$0xFFFFFF10] =	vst v1;
	v1 =	vmul.f32 v32, v2;
	v2 =	vld [tilespmem:s10+$0xFFFFFEA0]  }
0x4a9: {  	v0 =	vmul.f32 v5, v0;
	v5 =	vld [tilespmem:s9+$0xFFFFFE10]  }
0x4aa: {  	v36 =	vld [tilespmem:s9+$0xFFFFFF20];
	[tilespmem:s11+$0xFFFFFF90] =	vst v1  }
0x4ab: {  	v1 =	vld [tilespmem:s10+$0xFFFFFF20];
	[tilespmem:s11+$0x1A0] =	vst v0;
	v0 =	vmul.f32 v10, v9  }
0x4ac: {  	v37 =	vld [tilespmem:s9+$0xFFFFFFA0]  }
0x4ad: {  	v30 =	vld [tilespmem:s9+$0x1B0];
	[tilespmem:s11+$0x0] =	vst v0;
	v0 =	vmul.f32 v12, v11  }
0x4ae: {  	v31 =	vld [tilespmem:s10+$0x1B0];
	v5 =	vmul.f32 v7, v5  }
0x4af: {  	v33 =	vld [tilespmem:s9+$0x10];
	[tilespmem:s11+$0x80] =	vst v0;
	v0 =	vmul.f32 v8, v13  }
0x4b0: {  	v34 =	vld [tilespmem:s9+$0x90];
	[tilespmem:s11+$0xFFFFFE10] =	vst v5  }
0x4b1: {  	[tilespmem:s11+$0x100] =	vst v0;
	v0 =	vld [tilespmem:s10+$0x90]  }
0x4b2: {  	v6 =	vld [tilespmem:s9+$0xFFFFFE20]  }
0x4b3: {  	v9 =	vmul.f32 v31, v30;
	v3 =	vld [tilespmem:s10+$0xFFFFFE20]  }
0x4b4: {  	v35 =	vld [tilespmem:s9+$0x110]  }
0x4b5: {  	v7 =	vld [tilespmem:s10+$0x110];
	[tilespmem:s11+$0x1B0] =	vst v9  }
0x4b6: {  	v2 =	vmul.f32 v2, v4;
	v9 =	vld [tilespmem:s9+$0x1C0]  }
0x4b7: {  	v1 =	vmul.f32 v1, v36;
	v5 =	vld [tilespmem:s10+$0x1C0]  }
0x4b8: {  	[tilespmem:s11+$0xFFFFFEA0] =	vst v2;
	v8 =	vld [tilespmem:s10+$0x10];
	v0 =	vmul.f32 v0, v34  }
0x4b9: {  	v42 =	vld [tilespmem:s9+$0xFFFFFEB0];
	[tilespmem:s11+$0xFFFFFF20] =	vst v1;
	v3 =	vmul.f32 v3, v6  }
0x4ba: {  	v43 =	vld [tilespmem:s9+$0xFFFFFF30];
	[tilespmem:s11+$0x90] =	vst v0  }
0x4bb: {  	v0 =	vmul.f32 v7, v35;
	[tilespmem:s11+$0xFFFFFE20] =	vst v3;
	v40 =	vld [tilespmem:s9+$0xA0]  }
0x4bc: {  	v5 =	vmul.f32 v5, v9;
	v4 =	vld [tilespmem:s9+$0xFFFFFE30]  }
0x4bd: {  	[tilespmem:s11+$0x110] =	vst v0;
	v0 =	vld [tilespmem:s10+$0xA0]  }
0x4be: {  	[tilespmem:s11+$0x1C0] =	vst v5;
	v41 =	vld [tilespmem:s9+$0x120]  }
0x4bf: {  	v5 =	vmul.f32 v8, v33;
	v8 =	vld [tilespmem:s9+$0x1D0]  }
0x4c0: {  	v38 =	vld [tilespmem:s10+$0x1D0]  }
0x4c1: {  	[tilespmem:s11+$0x10] =	vst v5;
	v5 =	vld [tilespmem:s10+$0xFFFFFFA0]  }
0x4c2: {  	v6 =	vld [tilespmem:s10+$0x120]  }
0x4c3: {  	v2 =	vld [tilespmem:s10+$0xFFFFFE30]  }
0x4c4: {  	v39 =	vld [tilespmem:s9+$0x20];
	v0 =	vmul.f32 v0, v40  }
0x4c5: {  	v7 =	vld [tilespmem:s10+$0x20];
	v8 =	vmul.f32 v38, v8  }
0x4c6: {  	[tilespmem:s11+$0xA0] =	vst v0;
	v1 =	vmul.f32 v5, v37;
	v5 =	vld [tilespmem:s10+$0xFFFFFEB0]  }
0x4c7: {  	v0 =	vmul.f32 v6, v41;
	v46 =	vld [tilespmem:s9+$0xB0];
	[tilespmem:s11+$0x1D0] =	vst v8  }
0x4c8: {  	v8 =	vld [tilespmem:s9+$0x1E0]  }
0x4c9: {  	[tilespmem:s11+$0x120] =	vst v0;
	v3 =	vld [tilespmem:s10+$0x1E0]  }
0x4ca: {  	v0 =	vmul.f32 v2, v4;
	[tilespmem:s11+$0xFFFFFFA0] =	vst v1;
	v1 =	vld [tilespmem:s10+$0xFFFFFF30]  }
0x4cb: {  	v2 =	vld [tilespmem:s10+$0xB0]  }
0x4cc: {  	v4 =	vld [tilespmem:s9+$0x130];
	[tilespmem:s11+$0xFFFFFE30] =	vst v0  }
0x4cd: {  	v47 =	vld [tilespmem:s9+$0xFFFFFE40];
	v0 =	vmul.f32 v5, v42  }
0x4ce: {  	v5 =	vld [tilespmem:s10+$0x130]  }
0x4cf: {  	v3 =	vmul.f32 v3, v8;
	[tilespmem:s11+$0xFFFFFEB0] =	vst v0;
	v0 =	vmul.f32 v1, v43;
	v1 =	vld [tilespmem:s10+$0xFFFFFE40]  }
0x4d0: {  	v8 =	vld [tilespmem:s9+$0xFFFFFFB0]  }
0x4d1: {  	v48 =	vld [tilespmem:s9+$0xFFFFFEC0];
	[tilespmem:s11+$0x1E0] =	vst v3;
	v3 =	vmul.f32 v7, v39  }
0x4d2: {  	v7 =	vld [tilespmem:s9+$0x1F0]  }
0x4d3: {  	[tilespmem:s11+$0x20] =	vst v3;
	v3 =	vld [tilespmem:s10+$0xFFFFFFB0]  }
0x4d4: {  	v45 =	vld [tilespmem:s9+$0x30];
	v1 =	vmul.f32 v1, v47  }
0x4d5: {  	v6 =	vld [tilespmem:s10+$0x30]  }
0x4d6: {  	v44 =	vld [tilespmem:s10+$0x1F0];
	[tilespmem:s11+$0xFFFFFE40] =	vst v1  }
0x4d7: {  	v52 =	vld [tilespmem:s9+$0xFFFFFE50]  }
0x4d8: {  	[tilespmem:s11+$0xFFFFFF30] =	vst v0;
	v0 =	vmul.f32 v3, v8;
	v3 =	vld [tilespmem:s10+$0xFFFFFEC0]  }
0x4d9: {  	v8 =	vld [tilespmem:s9+$0xFFFFFF40]  }
0x4da: {  	[tilespmem:s11+$0xFFFFFFB0] =	vst v0;
	v0 =	vmul.f32 v6, v45;
	v6 =	vld [tilespmem:s10+$0xFFFFFF40]  }
0x4db: {  	v49 =	vld [tilespmem:s9+$0xFFFFFFC0]  }
0x4dc: {  	[tilespmem:s11+$0x30] =	vst v0;
	v0 =	vmul.f32 v2, v46;
	v2 =	vld [tilespmem:s10+$0xFFFFFFC0]  }
0x4dd: {  	v50 =	vld [tilespmem:s9+$0x40]  }
0x4de: {  	v1 =	vmul.f32 v3, v48;
	[tilespmem:s11+$0xB0] =	vst v0;
	v0 =	vmul.f32 v5, v4;
	v4 =	vld [tilespmem:s10+$0x40]  }
0x4df: {  	v5 =	vld [tilespmem:s9+$0xC0]  }
0x4e0: {  	[tilespmem:s11+$0xFFFFFEC0] =	vst v1;
	v1 =	vmul.f32 v6, v8;
	v6 =	vld [tilespmem:s10+$0xFFFFFE50]  }
0x4e1: {  	[tilespmem:s11+$0x130] =	vst v0;
	v0 =	vld [tilespmem:s10+$0xC0]  }
0x4e2: {  	v8 =	vld [tilespmem:s9+$0xFFFFFED0]  }
0x4e3: {  	v51 =	vld [tilespmem:s9+$0x140]  }
0x4e4: {  	v3 =	vld [tilespmem:s10+$0x140]  }
0x4e5: {  	[tilespmem:s11+$0xFFFFFF40] =	vst v1;
	v1 =	vmul.f32 v2, v49;
	v2 =	vld [tilespmem:s10+$0xFFFFFED0]  }
0x4e6: {  	v53 =	vld [tilespmem:s9+$0xFFFFFF50]  }
0x4e7: {  	[tilespmem:s11+$0xFFFFFFC0] =	vst v1;
	v1 =	vmul.f32 v4, v50;
	v4 =	vld [tilespmem:s10+$0xFFFFFF50]  }
0x4e8: {  	v54 =	vld [tilespmem:s9+$0xFFFFFFD0];
	v6 =	vmul.f32 v6, v52  }
0x4e9: {  	[tilespmem:s11+$0x40] =	vst v1;
	v0 =	vmul.f32 v0, v5;
	v1 =	vld [tilespmem:s10+$0xFFFFFFD0]  }
0x4ea: {  	v5 =	vld [tilespmem:s9+$0x50];
	[tilespmem:s11+$0xFFFFFE50] =	vst v6  }
0x4eb: {  	[tilespmem:s11+$0xC0] =	vst v0;
	v0 =	vmul.f32 v3, v51;
	v3 =	vld [tilespmem:s10+$0x50]  }
0x4ec: {  	v2 =	vmul.f32 v2, v8;
	v8 =	vld [tilespmem:s9+$0xFFFFFE60]  }
0x4ed: {  	v55 =	vld [tilespmem:s9+$0xD0]  }
0x4ee: {  	[tilespmem:s11+$0xFFFFFED0] =	vst v2;
	v2 =	vmul.f32 v4, v53;
	v4 =	vld [tilespmem:s10+$0xFFFFFE60]  }
0x4ef: {  	[tilespmem:s11+$0x140] =	vst v0;
	v0 =	vld [tilespmem:s10+$0xD0]  }
0x4f0: {  	v57 =	vld [tilespmem:s9+$0xFFFFFEE0]  }
0x4f1: {  	v56 =	vld [tilespmem:s9+$0x150]  }
0x4f2: {  	v6 =	vld [tilespmem:s10+$0x150]  }
0x4f3: {  	[tilespmem:s11+$0xFFFFFF50] =	vst v2;
	v1 =	vmul.f32 v1, v54;
	v2 =	vld [tilespmem:s10+$0xFFFFFEE0]  }
0x4f4: {  	v58 =	vld [tilespmem:s9+$0xFFFFFF60]  }
0x4f5: {  	[tilespmem:s11+$0xFFFFFFD0] =	vst v1;
	v1 =	vmul.f32 v3, v5;
	v3 =	vld [tilespmem:s10+$0xFFFFFF60]  }
0x4f6: {  	v5 =	vld [tilespmem:s9+$0xFFFFFFE0];
	v4 =	vmul.f32 v4, v8  }
0x4f7: {  	[tilespmem:s11+$0x50] =	vst v1;
	v0 =	vmul.f32 v0, v55;
	v1 =	vld [tilespmem:s10+$0xFFFFFFE0]  }
0x4f8: {  	v59 =	vld [tilespmem:s9+$0x60];
	[tilespmem:s11+$0xFFFFFE60] =	vst v4  }
0x4f9: {  	[tilespmem:s11+$0xD0] =	vst v0;
	v0 =	vmul.f32 v6, v56;
	v6 =	vld [tilespmem:s10+$0x60]  }
0x4fa: {  	v2 =	vmul.f32 v2, v57;
	v61 =	vld [tilespmem:s9+$0xFFFFFE70]  }
0x4fb: {  	v60 =	vld [tilespmem:s9+$0xE0]  }
0x4fc: {  	[tilespmem:s11+$0xFFFFFEE0] =	vst v2;
	v2 =	vmul.f32 v3, v58;
	v3 =	vld [tilespmem:s10+$0xFFFFFE70]  }
0x4fd: {  	[tilespmem:s11+$0x150] =	vst v0;
	v0 =	vld [tilespmem:s10+$0xE0]  }
0x4fe: {  	v62 =	vld [tilespmem:s9+$0xFFFFFEF0]  }
0x4ff: {  	v8 =	vld [tilespmem:s9+$0x160]  }
0x500: {  	v4 =	vld [tilespmem:s10+$0x160]  }
0x501: {  	[tilespmem:s11+$0xFFFFFF60] =	vst v2;
	v1 =	vmul.f32 v1, v5;
	v5 =	vld [tilespmem:s10+$0xFFFFFEF0]  }
0x502: {  	v14 =	vld [tilespmem:s9+$0xFFFFFF70]  }
0x503: {  	[tilespmem:s11+$0xFFFFFFE0] =	vst v1;
	v1 =	vmul.f32 v6, v59;
	v6 =	vld [tilespmem:s10+$0xFFFFFF70]  }
0x504: {  	v2 =	vmul.f32 v44, v7;
	v7 =	vld [tilespmem:s9+$0xFFFFFFF0]  }
0x505: {  	v63 =	vld [tilespmem:s10+$0xFFFFFFF0];
	[tilespmem:s11+$0x60] =	vst v1;
	v1 =	vmul.f32 v0, v60  }
0x506: {  	[tilespmem:s11+$0x1F0] =	vst v2;
	v3 =	vmul.f32 v3, v61;
	v0 =	vld [tilespmem:s9+$0x70]  }
0x507: {  	v4 =	vmul.f32 v4, v8;
	v2 =	vld [tilespmem:s10+$0x70];
	[tilespmem:s11+$0xE0] =	vst v1  }
0x508: {  	[tilespmem:s11+$0xFFFFFE70] =	vst v3;
	v1 =	vld [tilespmem:s9+$0xF0];
	v6 =	vmul.f32 v6, v14  }
0x509: {  	v5 =	vmul.f32 v5, v62;
	[tilespmem:s11+$0x160] =	vst v4;
	v4 =	vld [tilespmem:s10+$0xF0]  }
0x50a: {  	v3 =	vld [tilespmem:s9+$0x170];
	[tilespmem:s11+$0xFFFFFF70] =	vst v6;
	v6 =	vmul.f32 v63, v7  }
0x50b: {  	s15 =	simm.s32 $0x0;
	[tilespmem:s11+$0xFFFFFEF0] =	vst v5;
	v5 =	vld [tilespmem:s10+$0x170];
	s9 =	simm.s32 $0x2D80  }
.LBB2_13:
0x50c: {  	v7 =	vld [tilespmem:s9+$0x180];
	[tilespmem:s11+$0xFFFFFFF0] =	vst v6;
	v0 =	vmul.f32 v2, v0;
	s10 =	sadd.s32 $0x400, s10  }
0x50d: {  	v2 =	vld [tilespmem:s10+$0x180]  }
0x50e: {  	v6 =	vld [tilespmem:s10+$0xFFFFFE00];
	[tilespmem:s11+$0x70] =	vst v0;
	v0 =	vmul.f32 v4, v1  }
0x50f: {  	v1 =	vld [tilespmem:s9+$0xFFFFFE80]  }
0x510: {  	v4 =	vld [tilespmem:s10+$0xFFFFFE80];
	[tilespmem:s11+$0xF0] =	vst v0;
	v0 =	vmul.f32 v5, v3  }
0x511: {  	v3 =	vld [tilespmem:s9+$0xFFFFFF00]  }
0x512: {  	v5 =	vld [tilespmem:s10+$0xFFFFFF00];
	v2 =	vmul.f32 v2, v7;
	[tilespmem:s11+$0x170] =	vst v0  }
0x513: {  	s11 =	sadd.s32 $0x400, s11;
	v0 =	vld [tilespmem:s9+$0xFFFFFF80]  }
0x514: {  	s15 =	sadd.s32 $0x8, s15;
	v7 =	vld [tilespmem:s10+$0xFFFFFF80];
	[tilespmem:s11+$0x180] =	vst v2  }
0x515: {  	p0 =	slt.u32 s15, $0x48;
	v1 =	vmul.f32 v4, v1;
	v2 =	vld [tilespmem:s9+$0x190]  }
0x516: {  	v4 =	vld [tilespmem:s10+$0x190]  }
0x517: {  	[tilespmem:s11+$0xFFFFFE80] =	vst v1;
	v1 =	vmul.f32 v5, v3;
	v3 =	vld [tilespmem:s9+$0x0]  }
0x518: {  	v5 =	vld [tilespmem:s10+$0x0]  }
0x519: {  	[tilespmem:s11+$0xFFFFFF00] =	vst v1;
	v0 =	vmul.f32 v7, v0;
	v1 =	vld [tilespmem:s9+$0x80]  }
0x51a: {  	v7 =	vld [tilespmem:s10+$0x80]  }
0x51b: {  	[tilespmem:s11+$0xFFFFFF80] =	vst v0;
	v0 =	vld [tilespmem:s9+$0x100];
	v2 =	vmul.f32 v4, v2  }
0x51c: {  	v4 =	vld [tilespmem:s10+$0x100]  }
0x51d: {  	v8 =	vld [tilespmem:s9+$0xFFFFFE00];
	v3 =	vmul.f32 v5, v3;
	[tilespmem:s11+$0x190] =	vst v2  }
0x51e: {  	v2 =	vld [tilespmem:s9+$0x1A0]  }
0x51f: {  	[tilespmem:s11+$0x0] =	vst v3;
	v1 =	vmul.f32 v7, v1;
	v3 =	vld [tilespmem:s10+$0x1A0]  }
0x520: {  	v5 =	vld [tilespmem:s9+$0xFFFFFE90]  }
0x521: {  	v7 =	vld [tilespmem:s10+$0xFFFFFE90];
	[tilespmem:s11+$0x80] =	vst v1;
	v0 =	vmul.f32 v4, v0  }
0x522: {  	v1 =	vmul.f32 v6, v8;
	v4 =	vld [tilespmem:s9+$0xFFFFFF10]  }
0x523: {  	v6 =	vld [tilespmem:s10+$0xFFFFFF10];
	[tilespmem:s11+$0x100] =	vst v0  }
0x524: {  	[tilespmem:s11+$0xFFFFFE00] =	vst v1;
	v0 =	vld [tilespmem:s9+$0xFFFFFF90];
	v1 =	vmul.f32 v3, v2  }
0x525: {  	v2 =	vld [tilespmem:s9+$0xFFFFFE10]  }
0x526: {  	v3 =	vld [tilespmem:s10+$0xFFFFFE10];
	v5 =	vmul.f32 v7, v5;
	[tilespmem:s11+$0x1A0] =	vst v1  }
0x527: {  	v1 =	vld [tilespmem:s9+$0x1B0]  }
0x528: {  	[tilespmem:s11+$0xFFFFFE90] =	vst v5;
	v4 =	vmul.f32 v6, v4;
	v5 =	vld [tilespmem:s10+$0x1B0]  }
0x529: {  	v6 =	vld [tilespmem:s10+$0xFFFFFF90]  }
0x52a: {  	[tilespmem:s11+$0xFFFFFF10] =	vst v4;
	v4 =	vld [tilespmem:s9+$0x10]  }
0x52b: {  	v2 =	vmul.f32 v3, v2;
	v3 =	vld [tilespmem:s10+$0x10]  }
0x52c: {  	v7 =	vld [tilespmem:s9+$0x90]  }
0x52d: {  	[tilespmem:s11+$0xFFFFFE10] =	vst v2;
	v2 =	vld [tilespmem:s10+$0x90];
	v1 =	vmul.f32 v5, v1  }
0x52e: {  	v0 =	vmul.f32 v6, v0;
	v5 =	vld [tilespmem:s9+$0x110]  }
0x52f: {  	v6 =	vld [tilespmem:s10+$0x110];
	[tilespmem:s11+$0x1B0] =	vst v1  }
0x530: {  	[tilespmem:s11+$0xFFFFFF90] =	vst v0;
	v0 =	vmul.f32 v3, v4;
	v1 =	vld [tilespmem:s9+$0x1C0]  }
0x531: {  	v3 =	vld [tilespmem:s10+$0x1C0]  }
0x532: {  	v4 =	vld [tilespmem:s9+$0xFFFFFE20];
	[tilespmem:s11+$0x10] =	vst v0;
	v0 =	vmul.f32 v2, v7  }
0x533: {  	v2 =	vld [tilespmem:s10+$0xFFFFFE20]  }
0x534: {  	v7 =	vld [tilespmem:s9+$0xFFFFFEA0];
	[tilespmem:s11+$0x90] =	vst v0;
	v0 =	vmul.f32 v6, v5  }
0x535: {  	v5 =	vld [tilespmem:s10+$0xFFFFFEA0]  }
0x536: {  	v6 =	vld [tilespmem:s9+$0xFFFFFF20];
	[tilespmem:s11+$0x110] =	vst v0;
	v0 =	vmul.f32 v3, v1  }
0x537: {  	v1 =	vld [tilespmem:s10+$0xFFFFFF20]  }
0x538: {  	v2 =	vmul.f32 v2, v4;
	v3 =	vld [tilespmem:s9+$0xFFFFFFA0];
	[tilespmem:s11+$0x1C0] =	vst v0  }
0x539: {  	v0 =	vld [tilespmem:s9+$0x1D0]  }
0x53a: {  	[tilespmem:s11+$0xFFFFFE20] =	vst v2;
	v2 =	vmul.f32 v5, v7;
	v4 =	vld [tilespmem:s10+$0x1D0]  }
0x53b: {  	v5 =	vld [tilespmem:s10+$0xFFFFFFA0]  }
0x53c: {  	[tilespmem:s11+$0xFFFFFEA0] =	vst v2;
	v1 =	vmul.f32 v1, v6;
	v2 =	vld [tilespmem:s9+$0x20]  }
0x53d: {  	v6 =	vld [tilespmem:s10+$0x20]  }
0x53e: {  	[tilespmem:s11+$0xFFFFFF20] =	vst v1;
	v1 =	vld [tilespmem:s9+$0xA0]  }
0x53f: {  	v7 =	vld [tilespmem:s10+$0xA0];
	v0 =	vmul.f32 v4, v0  }
0x540: {  	v3 =	vmul.f32 v5, v3;
	v4 =	vld [tilespmem:s9+$0x120]  }
0x541: {  	v5 =	vld [tilespmem:s10+$0x120];
	[tilespmem:s11+$0x1D0] =	vst v0  }
0x542: {  	[tilespmem:s11+$0xFFFFFFA0] =	vst v3;
	v0 =	vmul.f32 v6, v2;
	v2 =	vld [tilespmem:s9+$0x1E0]  }
0x543: {  	v3 =	vld [tilespmem:s10+$0x1E0]  }
0x544: {  	v6 =	vld [tilespmem:s9+$0xFFFFFE30];
	[tilespmem:s11+$0x20] =	vst v0;
	v0 =	vmul.f32 v7, v1  }
0x545: {  	v1 =	vld [tilespmem:s10+$0xFFFFFE30]  }
0x546: {  	v7 =	vld [tilespmem:s9+$0xFFFFFEB0];
	[tilespmem:s11+$0xA0] =	vst v0;
	v0 =	vmul.f32 v5, v4  }
0x547: {  	v4 =	vld [tilespmem:s10+$0xFFFFFEB0]  }
0x548: {  	v5 =	vld [tilespmem:s9+$0xFFFFFF30];
	[tilespmem:s11+$0x120] =	vst v0;
	v0 =	vmul.f32 v3, v2  }
0x549: {  	v2 =	vld [tilespmem:s10+$0xFFFFFF30]  }
0x54a: {  	v1 =	vmul.f32 v1, v6;
	v3 =	vld [tilespmem:s9+$0xFFFFFFB0];
	[tilespmem:s11+$0x1E0] =	vst v0  }
0x54b: {  	v0 =	vld [tilespmem:s9+$0x1F0]  }
0x54c: {  	[tilespmem:s11+$0xFFFFFE30] =	vst v1;
	v1 =	vmul.f32 v4, v7;
	v4 =	vld [tilespmem:s10+$0x1F0]  }
0x54d: {  	v6 =	vld [tilespmem:s10+$0xFFFFFFB0]  }
0x54e: {  	[tilespmem:s11+$0xFFFFFEB0] =	vst v1;
	v1 =	vmul.f32 v2, v5;
	v2 =	vld [tilespmem:s9+$0x30]  }
0x54f: {  	v5 =	vld [tilespmem:s10+$0x30]  }
0x550: {  	[tilespmem:s11+$0xFFFFFF30] =	vst v1;
	v1 =	vld [tilespmem:s9+$0xB0]  }
0x551: {  	v7 =	vld [tilespmem:s10+$0xB0];
	v0 =	vmul.f32 v4, v0  }
0x552: {  	v3 =	vmul.f32 v6, v3;
	v4 =	vld [tilespmem:s9+$0x130]  }
0x553: {  	v6 =	vld [tilespmem:s10+$0x130];
	[tilespmem:s11+$0x1F0] =	vst v0  }
0x554: {  	v0 =	vld [tilespmem:s9+$0xFFFFFE40];
	[tilespmem:s11+$0xFFFFFFB0] =	vst v3;
	v2 =	vmul.f32 v5, v2  }
0x555: {  	v3 =	vld [tilespmem:s10+$0xFFFFFE40]  }
0x556: {  	v5 =	vld [tilespmem:s9+$0xFFFFFEC0];
	[tilespmem:s11+$0x30] =	vst v2;
	v1 =	vmul.f32 v7, v1  }
0x557: {  	v2 =	vld [tilespmem:s10+$0xFFFFFEC0]  }
0x558: {  	v7 =	vld [tilespmem:s9+$0xFFFFFF40];
	[tilespmem:s11+$0xB0] =	vst v1;
	v1 =	vmul.f32 v6, v4  }
0x559: {  	v4 =	vld [tilespmem:s10+$0xFFFFFF40]  }
0x55a: {  	v0 =	vmul.f32 v3, v0;
	v3 =	vld [tilespmem:s9+$0xFFFFFFC0];
	[tilespmem:s11+$0x130] =	vst v1  }
0x55b: {  	v1 =	vld [tilespmem:s10+$0xFFFFFFC0]  }
0x55c: {  	[tilespmem:s11+$0xFFFFFE40] =	vst v0;
	v0 =	vmul.f32 v2, v5;
	v2 =	vld [tilespmem:s9+$0x40]  }
0x55d: {  	v5 =	vld [tilespmem:s10+$0x40]  }
0x55e: {  	[tilespmem:s11+$0xFFFFFEC0] =	vst v0;
	v0 =	vmul.f32 v4, v7;
	v4 =	vld [tilespmem:s9+$0xC0]  }
0x55f: {  	v6 =	vld [tilespmem:s10+$0xC0]  }
0x560: {  	[tilespmem:s11+$0xFFFFFF40] =	vst v0;
	v0 =	vmul.f32 v1, v3;
	v1 =	vld [tilespmem:s9+$0x140]  }
0x561: {  	v3 =	vld [tilespmem:s10+$0x140]  }
0x562: {  	v7 =	vld [tilespmem:s9+$0xFFFFFE50];
	[tilespmem:s11+$0xFFFFFFC0] =	vst v0;
	v0 =	vmul.f32 v5, v2  }
0x563: {  	v2 =	vld [tilespmem:s10+$0xFFFFFE50]  }
0x564: {  	v5 =	vld [tilespmem:s9+$0xFFFFFED0];
	[tilespmem:s11+$0x40] =	vst v0;
	v0 =	vmul.f32 v6, v4  }
0x565: {  	v4 =	vld [tilespmem:s10+$0xFFFFFED0]  }
0x566: {  	v6 =	vld [tilespmem:s9+$0xFFFFFF50];
	[tilespmem:s11+$0xC0] =	vst v0;
	v0 =	vmul.f32 v3, v1  }
0x567: {  	v1 =	vld [tilespmem:s10+$0xFFFFFF50]  }
0x568: {  	v2 =	vmul.f32 v2, v7;
	v3 =	vld [tilespmem:s9+$0xFFFFFFD0];
	[tilespmem:s11+$0x140] =	vst v0  }
0x569: {  	v0 =	vld [tilespmem:s10+$0xFFFFFFD0]  }
0x56a: {  	[tilespmem:s11+$0xFFFFFE50] =	vst v2;
	v2 =	vmul.f32 v4, v5;
	v4 =	vld [tilespmem:s9+$0x50]  }
0x56b: {  	v5 =	vld [tilespmem:s10+$0x50]  }
0x56c: {  	[tilespmem:s11+$0xFFFFFED0] =	vst v2;
	v1 =	vmul.f32 v1, v6;
	v2 =	vld [tilespmem:s9+$0xD0]  }
0x56d: {  	v6 =	vld [tilespmem:s10+$0xD0]  }
0x56e: {  	[tilespmem:s11+$0xFFFFFF50] =	vst v1;
	v0 =	vmul.f32 v0, v3;
	v1 =	vld [tilespmem:s9+$0x150]  }
0x56f: {  	v3 =	vld [tilespmem:s10+$0x150]  }
0x570: {  	v7 =	vld [tilespmem:s9+$0xFFFFFE60];
	[tilespmem:s11+$0xFFFFFFD0] =	vst v0;
	v0 =	vmul.f32 v5, v4  }
0x571: {  	v4 =	vld [tilespmem:s10+$0xFFFFFE60]  }
0x572: {  	v5 =	vld [tilespmem:s9+$0xFFFFFEE0];
	[tilespmem:s11+$0x50] =	vst v0;
	v0 =	vmul.f32 v6, v2  }
0x573: {  	v2 =	vld [tilespmem:s10+$0xFFFFFEE0]  }
0x574: {  	v6 =	vld [tilespmem:s9+$0xFFFFFF60];
	[tilespmem:s11+$0xD0] =	vst v0;
	v0 =	vmul.f32 v3, v1  }
0x575: {  	v1 =	vld [tilespmem:s10+$0xFFFFFF60]  }
0x576: {  	v3 =	vmul.f32 v4, v7;
	v4 =	vld [tilespmem:s9+$0xFFFFFFE0];
	[tilespmem:s11+$0x150] =	vst v0  }
0x577: {  	v0 =	vld [tilespmem:s10+$0xFFFFFFE0]  }
0x578: {  	[tilespmem:s11+$0xFFFFFE60] =	vst v3;
	v2 =	vmul.f32 v2, v5;
	v3 =	vld [tilespmem:s9+$0x60]  }
0x579: {  	v5 =	vld [tilespmem:s10+$0x60]  }
0x57a: {  	[tilespmem:s11+$0xFFFFFEE0] =	vst v2;
	v1 =	vmul.f32 v1, v6;
	v2 =	vld [tilespmem:s9+$0xE0]  }
0x57b: {  	v6 =	vld [tilespmem:s10+$0xE0]  }
0x57c: {  	[tilespmem:s11+$0xFFFFFF60] =	vst v1;
	v0 =	vmul.f32 v0, v4;
	v1 =	vld [tilespmem:s9+$0x160]  }
0x57d: {  	v4 =	vld [tilespmem:s10+$0x160]  }
0x57e: {  	v7 =	vld [tilespmem:s9+$0xFFFFFE70];
	[tilespmem:s11+$0xFFFFFFE0] =	vst v0;
	v0 =	vmul.f32 v5, v3  }
0x57f: {  	v3 =	vld [tilespmem:s10+$0xFFFFFE70]  }
0x580: {  	v5 =	vld [tilespmem:s9+$0xFFFFFEF0];
	[tilespmem:s11+$0x60] =	vst v0;
	v0 =	vmul.f32 v6, v2  }
0x581: {  	v2 =	vld [tilespmem:s10+$0xFFFFFEF0]  }
0x582: {  	v6 =	vld [tilespmem:s9+$0xFFFFFF70];
	[tilespmem:s11+$0xE0] =	vst v0;
	v0 =	vmul.f32 v4, v1  }
0x583: {  	v1 =	vld [tilespmem:s10+$0xFFFFFF70]  }
0x584: {  	v3 =	vmul.f32 v3, v7;
	v7 =	vld [tilespmem:s9+$0xFFFFFFF0];
	[tilespmem:s11+$0x160] =	vst v0  }
0x585: {  	v8 =	vld [tilespmem:s10+$0xFFFFFFF0]  }
0x586: {  	[tilespmem:s11+$0xFFFFFE70] =	vst v3;
	v3 =	vmul.f32 v2, v5;
	v0 =	vld [tilespmem:s9+$0x70]  }
.Ltmp6:
0x587: {  	v2 =	vld [tilespmem:s10+$0x70];
	(pc) =	sbr.rel @p0 .LBB2_13-.Ltmp6, $4  }
0x588: {  	[tilespmem:s11+$0xFFFFFEF0] =	vst v3;
	v3 =	vmul.f32 v1, v6;
	v1 =	vld [tilespmem:s9+$0xF0]  }
0x589: {  	v4 =	vld [tilespmem:s10+$0xF0]  }
0x58a: {  	[tilespmem:s11+$0xFFFFFF70] =	vst v3;
	v6 =	vmul.f32 v8, v7;
	v3 =	vld [tilespmem:s9+$0x170]  }
0x58b: {  	s9 =	sadd.s32 $0x400, s9;
	v5 =	vld [tilespmem:s10+$0x170]  }
0x58c: {  	_ =	sdelay $0x1  }
0x58d: {  	v0 =	vmul.f32 v2, v0  }
0x58e: {  	[tilespmem:s11+$0xFFFFFFF0] =	vst v6;
	v1 =	vmul.f32 v4, v1  }
0x58f: {  	[tilespmem:s11+$0x70] =	vst v0;
	v63 =	vmul.f32 v5, v3  }
0x590: {  	[tilespmem:s11+$0xF0] =	vst v1  }
0x591: {  	[tilespmem:s11+$0x170] =	vst v63  }
0x592: {  	s9 =	rddreg [dreg:$0xa]  }
0x593: {  	[hbm4b:s9+s5] =	stream.linear.scatter [tilespmem:s3], [sflag:$0x9], $0x2800, $0x38;
	[tilespmem:$0x1B780] =	vst v63  }
0x594: {  	_ =	swait.ge [sflag:s8], $0x2800  }
0x595: {  	[sflag:s8] =	ssyncset.done $0x0  }
0x596: {  	[sflag:s8] =	ssyncadd.s32 $0xFFFFD800  }
0x597: {  	_ =	swait.ge [sflag:s25], $0x2800  }
0x598: {  	s10 =	rddreg [dreg:$0xc]  }
0x599: {  	s17 =	rddreg [dreg:$0xb];
	s10 =	sadd.s32 $0x1, s10  }
0x59a: {  	p0 =	sne.s32 s10, s17  }
.Ltmp7:
0x59b: {  	_ = 	snop;
	(pc) =	sbr.rel @p0 .LBB2_1-.Ltmp7, $3  }
0x59c: {  	_ =	sdelay $0x1  }
0x59d: {  	[sflag:s25] =	ssyncset.done $0x0  }
0x59e: {  	[sflag:s25] =	ssyncadd.s32 $0xFFFFD800  }
0x59f: {  	_ =	sfence.sel $0x180000  }
0x5a0: {  	[bflag:$0x0] =	sbarrier.arrive $0xFFFF  }
0x5a1: {  	_ =	strace $0x90000047  }
0x5a2: {  	s0 =	stileid.u32;
	[bflag:$0x2] =	sbarrier.arrive $0xFFFF  }
0x5a3: {  	p0 =	sne.s32 s0, $0x0;
	s0 =	rddreg [dreg:$0x4]  }
0x5a4: {  	s0 =	sadd.s32 @!p0 $0x100000, s0  }
0x5a5: {  	[sflag:s0] =	ssyncadd.tile.s32 @!p0 $0x1;
	_ =	shalt  }
.Lfunc_end2:
_tile_overlayer_lowered:
.L_overlay_start_2:
0x5a6: {  	(tag) =	ssettag $0x2  }
0x5a7: {  	s0 =	rddreg [dreg:$0x0];
	s2 =	stileid.u32  }
0x5a8: {  	s1 =	rddreg [dreg:$0x1];
	p0 =	sne.s32 s2, $0x0  }
0x5a9: {  	s3 =	rddreg [dreg:$0x2];
	[bflag:$0x3] =	sbarrier.arrive $0xFFFF;
	s2 =	simm.s32 @!p0 $0x1C0B  }
0x5aa: {  	[timem:s3], [sflag:s2] =	dma.local @!p0 [hbm:s0], s1  }
0x5ab: {  	s0 =	simm.s32 @!p0 $0xB  }
0x5ac: {  	_ =	swait.ge @!p0 [sflag:s0], s1  }
0x5ad: {  	s1 =	ssub.s32 @!p0 $0x0, s1;
	[sflag:s0] =	ssyncset.done @!p0 $0x0  }
0x5ae: {  	[sflag:s0] =	ssyncadd.s32 @!p0 s1  }
0x5af: {  	[bflag:$0x3] =	sbarrier.arrive $0xFFFF  }
0x5b0: {  	_ =	shalt  }

</sc_bundles>
